<compile_context>
chip_gen: v7x
topology: tpu7x:2x2x1
jax: 0.10.2.dev20260603
libtpu: 0.0.44.dev20260713+nightly
codegen_flags: <defaults>
</compile_context>

<pallas_src>
import functools

import jax
import jax.numpy as jnp
from jax import lax
from jax.experimental import pallas as pl
from jax.experimental.pallas import tpu as pltpu
from jax.experimental.pallas import tpu_sc as plsc

T = 4096
D = 768
E = 8
K = 2
F = 3072
C = 1280
S_TOT = E * C
TB = 512
NT = T // TB
CB = 256
FB = 768
NW = 32
LANES = 128


def _router_body(x_ref, wr_ref, d0_ref, d1_ref, c0_ref, c1_ref, g0_ref,
                 g1_ref, loss_ref, me_acc, cnt_acc):
    i = pl.program_id(0)

    @pl.when(i == 0)
    def _():
        me_acc[...] = jnp.zeros((8, LANES), jnp.float32)
        cnt_acc[...] = jnp.zeros((8, LANES), jnp.float32)

    x = x_ref[...]
    logits = jnp.dot(x, wr_ref[...], preferred_element_type=jnp.float32)
    lane = lax.broadcasted_iota(jnp.int32, (TB, LANES), 1)
    emask = lane < E
    lm = jnp.where(emask, logits, jnp.float32(-1e30))
    m = jnp.max(lm, axis=1, keepdims=True)
    ex = jnp.where(emask, jnp.exp(lm - m), 0.0)
    probs = ex / jnp.sum(ex, axis=1, keepdims=True)

    v1 = jnp.max(probs, axis=1, keepdims=True)
    i1 = jnp.min(jnp.where(probs == v1, lane, LANES), axis=1, keepdims=True)
    oh1 = (lane == i1).astype(jnp.float32)
    probs2 = jnp.where(lane == i1, -1.0, probs)
    v2 = jnp.max(probs2, axis=1, keepdims=True)
    i2 = jnp.min(jnp.where(probs2 == v2, lane, LANES), axis=1, keepdims=True)
    oh2 = (lane == i2).astype(jnp.float32)
    den = v1 + v2
    g1v = v1 / den
    g2v = v2 / den

    oh = oh1 + oh2
    r_io = lax.broadcasted_iota(jnp.int32, (TB, TB), 0)
    c_io = lax.broadcasted_iota(jnp.int32, (TB, TB), 1)
    tri = (r_io > c_io).astype(jnp.float32)
    pref = jnp.dot(tri, oh, preferred_element_type=jnp.float32)
    carry = cnt_acc[0:1, :]
    p_all = carry + pref
    pos0 = jnp.sum(jnp.where(lane == i1, p_all, 0.0), axis=1, keepdims=True)
    pos1 = jnp.sum(jnp.where(lane == i2, p_all, 0.0), axis=1, keepdims=True)
    pos0 = pos0.astype(jnp.int32)
    pos1 = pos1.astype(jnp.int32)
    keep0 = pos0 < C
    keep1 = pos1 < C
    slot0 = i1 * C + pos0
    slot1 = i2 * C + pos1

    d0 = jnp.where(keep0, slot0, S_TOT)
    d1 = jnp.where(keep1, slot1, S_TOT)
    c0 = jnp.where(keep0, slot0, 0)
    c1 = jnp.where(keep1, slot1, 0)
    cg0 = jnp.where(keep0, g1v, 0.0)
    cg1 = jnp.where(keep1, g2v, 0.0)

    d0_ref[...] = jnp.broadcast_to(d0, (TB, 8))
    d1_ref[...] = jnp.broadcast_to(d1, (TB, 8))
    c0_ref[...] = jnp.broadcast_to(c0, (TB, 8))
    c1_ref[...] = jnp.broadcast_to(c1, (TB, 8))
    g0_ref[...] = jnp.broadcast_to(cg0, (TB, 8))
    g1_ref[...] = jnp.broadcast_to(cg1, (TB, 8))

    cnt_acc[0:1, :] = carry + jnp.sum(oh, axis=0, keepdims=True)
    me_acc[0:1, :] = me_acc[0:1, :] + jnp.sum(probs, axis=0, keepdims=True)

    @pl.when(i == NT - 1)
    def _():
        me = me_acc[0:1, :] / T
        ce = cnt_acc[0:1, :] / (T * K)
        loss = E * jnp.sum(me * ce)
        loss_ref[...] = jnp.zeros((8, LANES), jnp.float32) + loss


def _router(x, wr_p):
    return pl.pallas_call(
        _router_body,
        grid=(NT,),
        in_specs=[
            pl.BlockSpec((TB, D), lambda i: (i, 0)),
            pl.BlockSpec((D, LANES), lambda i: (0, 0)),
        ],
        out_specs=[
            pl.BlockSpec((TB, 8), lambda i: (i, 0)),
            pl.BlockSpec((TB, 8), lambda i: (i, 0)),
            pl.BlockSpec((TB, 8), lambda i: (i, 0)),
            pl.BlockSpec((TB, 8), lambda i: (i, 0)),
            pl.BlockSpec((TB, 8), lambda i: (i, 0)),
            pl.BlockSpec((TB, 8), lambda i: (i, 0)),
            pl.BlockSpec((8, LANES), lambda i: (0, 0)),
        ],
        out_shape=[
            jax.ShapeDtypeStruct((T, 8), jnp.int32),
            jax.ShapeDtypeStruct((T, 8), jnp.int32),
            jax.ShapeDtypeStruct((T, 8), jnp.int32),
            jax.ShapeDtypeStruct((T, 8), jnp.int32),
            jax.ShapeDtypeStruct((T, 8), jnp.float32),
            jax.ShapeDtypeStruct((T, 8), jnp.float32),
            jax.ShapeDtypeStruct((8, LANES), jnp.float32),
        ],
        scratch_shapes=[
            pltpu.VMEM((8, LANES), jnp.float32),
            pltpu.VMEM((8, LANES), jnp.float32),
        ],
    )(x, wr_p)


_INV_N = S_TOT + 128
_DG_PW = S_TOT // NW
_DG_CH = 64
_CG_PW = T // NW
_CG_CH = 64


@functools.cache
def _sc_kernels():
    mesh = plsc.VectorSubcoreMesh(core_axis_name="c", subcore_axis_name="s")

    @functools.partial(
        pl.kernel,
        mesh=mesh,
        out_type=jax.ShapeDtypeStruct((_INV_N,), jnp.int32),
        scratch_types=[
            pltpu.VMEM((T,), jnp.int32),
            pltpu.VMEM((T,), jnp.int32),
            pltpu.VMEM((_INV_N,), jnp.int32),
        ],
        compiler_params=pltpu.CompilerParams(needs_layout_passes=False),
    )
    def build_inv(d0_hbm, d1_hbm, inv_hbm, s0_v, s1_v, inv_v):
        wid = lax.axis_index("s") * 2 + lax.axis_index("c")

        @pl.when(wid == 0)
        def _():
            pltpu.sync_copy(d0_hbm, s0_v)
            pltpu.sync_copy(d1_hbm, s1_v)

            def init_body(j, carry):
                fill = (lax.iota(jnp.int32, 16) + j * 16) & (T - 1)
                inv_v[pl.ds(j * 16, 16)] = fill
                return carry

            lax.fori_loop(0, _INV_N // 16, init_body, 0)

            def scat_body(j, carry):
                base = j * 16
                toks = lax.iota(jnp.int32, 16) + base
                plsc.store_scatter(inv_v, [s0_v[pl.ds(base, 16)]], toks)
                plsc.store_scatter(inv_v, [s1_v[pl.ds(base, 16)]], toks)
                return carry

            lax.fori_loop(0, T // 16, scat_body, 0)
            pltpu.sync_copy(inv_v, inv_hbm)

    @functools.partial(
        pl.kernel,
        mesh=mesh,
        out_type=jax.ShapeDtypeStruct((S_TOT, D), jnp.float32),
        scratch_types=[
            pltpu.VMEM((_DG_PW,), jnp.int32),
            pltpu.VMEM((2, _DG_CH, D), jnp.float32),
            pltpu.SemaphoreType.DMA,
            pltpu.SemaphoreType.DMA,
        ],
    )
    def dispatch(x_hbm, inv_hbm, buf_hbm, idx_v, rows_v, sem0, sem1):
        wid = lax.axis_index("s") * 2 + lax.axis_index("c")
        base = wid * _DG_PW
        pltpu.sync_copy(inv_hbm.at[pl.ds(base, _DG_PW)], idx_v)
        nch = _DG_PW // _DG_CH
        sems = (sem0, sem1)
        cps = [None] * nch

        def start(ch):
            return pltpu.async_copy(
                x_hbm.at[idx_v.at[pl.ds(ch * _DG_CH, _DG_CH)]],
                rows_v.at[ch % 2],
                sems[ch % 2],
            )

        cps[0] = start(0)
        for ch in range(nch):
            if ch + 1 < nch:
                cps[ch + 1] = start(ch + 1)
            cps[ch].wait()
            pltpu.sync_copy(
                rows_v.at[ch % 2],
                buf_hbm.at[pl.ds(base + ch * _DG_CH, _DG_CH)],
            )

    @functools.partial(
        pl.kernel,
        mesh=mesh,
        out_type=(
            jax.ShapeDtypeStruct((T, D), jnp.float32),
            jax.ShapeDtypeStruct((T, D), jnp.float32),
        ),
        scratch_types=[
            pltpu.VMEM((_CG_PW,), jnp.int32),
            pltpu.VMEM((_CG_PW,), jnp.int32),
            pltpu.VMEM((2, _CG_CH, D), jnp.float32),
            pltpu.SemaphoreType.DMA,
            pltpu.SemaphoreType.DMA,
        ],
    )
    def combine_gather(out_hbm, c0_hbm, c1_hbm, r0_hbm, r1_hbm, i0_v, i1_v,
                       rows_v, sem0, sem1):
        wid = lax.axis_index("s") * 2 + lax.axis_index("c")
        base = wid * _CG_PW
        pltpu.sync_copy(c0_hbm.at[pl.ds(base, _CG_PW)], i0_v)
        pltpu.sync_copy(c1_hbm.at[pl.ds(base, _CG_PW)], i1_v)
        sems = (sem0, sem1)
        tasks = []
        for iv, out in ((i0_v, r0_hbm), (i1_v, r1_hbm)):
            for ch in range(_CG_PW // _CG_CH):
                tasks.append((iv, ch * _CG_CH, out))
        cps = [None] * len(tasks)

        def start(k):
            iv, off, _ = tasks[k]
            return pltpu.async_copy(
                out_hbm.at[iv.at[pl.ds(off, _CG_CH)]],
                rows_v.at[k % 2],
                sems[k % 2],
            )

        cps[0] = start(0)
        for k in range(len(tasks)):
            if k + 1 < len(tasks):
                cps[k + 1] = start(k + 1)
            cps[k].wait()
            _, off, out = tasks[k]
            pltpu.sync_copy(
                rows_v.at[k % 2], out.at[pl.ds(base + off, _CG_CH)]
            )

    return build_inv, dispatch, combine_gather


def _ffn_body(buf_ref, w1_ref, b1_ref, w2_ref, b2_ref, out_ref):
    e = pl.program_id(0)
    fb = pl.program_id(1)
    xb = buf_ref[...].astype(jnp.bfloat16)
    h = jnp.dot(xb, w1_ref[0], preferred_element_type=jnp.float32)
    b1v = b1_ref[pl.ds(e, 1), pl.ds(fb * FB, FB)]
    h = jnp.maximum(h + b1v, 0.0)
    contrib = jnp.dot(
        h.astype(jnp.bfloat16), w2_ref[0], preferred_element_type=jnp.float32
    )

    @pl.when(fb == 0)
    def _():
        out_ref[...] = contrib + b2_ref[pl.ds(e, 1), :]

    @pl.when(fb > 0)
    def _():
        out_ref[...] = out_ref[...] + contrib


def _ffn(buf, W1, b1, W2, b2):
    n_fb = F // FB
    return pl.pallas_call(
        _ffn_body,
        grid=(E, n_fb),
        in_specs=[
            pl.BlockSpec((C, D), lambda e, fb: (e, 0)),
            pl.BlockSpec((1, D, FB), lambda e, fb: (e, 0, fb)),
            pl.BlockSpec((E, F), lambda e, fb: (0, 0)),
            pl.BlockSpec((1, FB, D), lambda e, fb: (e, fb, 0)),
            pl.BlockSpec((E, D), lambda e, fb: (0, 0)),
        ],
        out_specs=pl.BlockSpec((C, D), lambda e, fb: (e, 0)),
        out_shape=jax.ShapeDtypeStruct((S_TOT, D), jnp.float32),
    )(buf, W1.astype(jnp.bfloat16), b1, W2.astype(jnp.bfloat16), b2)


def _combine_body(r0_ref, r1_ref, g0_ref, g1_ref, y_ref):
    g0 = g0_ref[:, 0:1]
    g1 = g1_ref[:, 0:1]
    y_ref[...] = g0 * r0_ref[...] + g1 * r1_ref[...]


def _combine(r0, r1, g0, g1):
    return pl.pallas_call(
        _combine_body,
        grid=(NT,),
        in_specs=[
            pl.BlockSpec((TB, D), lambda i: (i, 0)),
            pl.BlockSpec((TB, D), lambda i: (i, 0)),
            pl.BlockSpec((TB, 8), lambda i: (i, 0)),
            pl.BlockSpec((TB, 8), lambda i: (i, 0)),
        ],
        out_specs=pl.BlockSpec((TB, D), lambda i: (i, 0)),
        out_shape=jax.ShapeDtypeStruct((T, D), jnp.float32),
    )(r0, r1, g0, g1)


def kernel(input, Wr, W1, b1, W2, b2):
    x = input
    wr_p = jnp.pad(Wr, ((0, 0), (0, LANES - E)))
    build_inv, dispatch, combine_gather = _sc_kernels()
    d0, d1, c0, c1, g0, g1, loss = _router(x, wr_p)
    inv = build_inv(d0[:, 0], d1[:, 0])
    buf = dispatch(x, inv)
    out = _ffn(buf, W1, b1, W2, b2)
    r0, r1 = combine_gather(out, c0[:, 0], c1[:, 0])
    y = _combine(r0, r1, g0, g1)
    return y, loss[0, 0]

# --- scband reference (transcript-rebuilt; emitter-appended) ---
"""Pipeline reference for scband-mixture-of-experts-model-32650341384279 (READ-ONLY COPY).

The authoritative reference and input builder live on the scoring server;
editing this copy changes nothing except your own understanding.
"""

import jax, jax.numpy as jnp
import numpy as np

T = 4096   # tokens = batch(2) * seq(2048)
D = 768    # d_model
E = 8      # num_experts
K = 2      # top_k
F = 3072   # d_ff
C = 1280   # expert capacity (T*K/E * 1.25)


def setup_inputs(seed: int = 0) -> dict:
    key = jax.random.key(seed)
    ks = jax.random.split(key, 6)
    x = jax.random.normal(ks[0], (T, D), dtype=jnp.float32)
    Wr = jax.random.normal(ks[1], (D, E), dtype=jnp.float32) * 0.02
    W1 = jax.random.normal(ks[2], (E, D, F), dtype=jnp.float32) * 0.02
    b1 = jnp.zeros((E, F), dtype=jnp.float32)
    W2 = jax.random.normal(ks[3], (E, F, D), dtype=jnp.float32) * 0.02
    b2 = jnp.zeros((E, D), dtype=jnp.float32)
    return {"input": x, "Wr": Wr, "W1": W1, "b1": b1, "W2": W2, "b2": b2}


def _moe(x, Wr, W1, b1, W2, b2):
    # Router: logit scores over experts (RouterModel.compute_logit_scores)
    logits = x @ Wr                                      # [T, E]
    probs = jax.nn.softmax(logits, axis=-1)
    # Sampler: top-k probabilities and indices (SamplerModel)
    topv, topi = jax.lax.top_k(probs, K)                 # [T, K]
    gates = topv / jnp.sum(topv, axis=-1, keepdims=True)
    # Load-balancing sampler loss
    me = jnp.mean(probs, axis=0)                         # [E]
    ce = jnp.mean(jnp.sum(jax.nn.one_hot(topi, E, dtype=jnp.float32), axis=1), axis=0) / K
    sampler_loss = E * jnp.sum(me * ce)
    # Expert stack: capacity-based dispatch (scatter) -> expert FFN -> combine (gather)
    flat_e = topi.reshape(-1)                            # [T*K] expert id per pair
    flat_g = gates.reshape(-1)                           # [T*K]
    token_idx = jnp.repeat(jnp.arange(T), K)             # [T*K]
    oh = jax.nn.one_hot(flat_e, E, dtype=jnp.int32)      # [T*K, E]
    pos = jnp.sum((jnp.cumsum(oh, axis=0) - oh) * oh, axis=-1)  # position within expert
    keep = pos < C
    safe_pos = jnp.where(keep, pos, C)                   # overflow slot C gets sliced off
    buf = jnp.zeros((E, C + 1, D), dtype=x.dtype).at[flat_e, safe_pos].add(x[token_idx])
    buf = buf[:, :C]                                     # [E, C, D]
    h = jnp.maximum(jnp.einsum('ecd,edf->ecf', buf, W1) + b1[:, None, :], 0.0)
    out_e = jnp.einsum('ecf,efd->ecd', h, W2) + b2[:, None, :]
    out_pad = jnp.concatenate([out_e, jnp.zeros((E, 1, D), dtype=x.dtype)], axis=1)
    pair_out = out_pad[flat_e, safe_pos] * (flat_g * keep.astype(x.dtype))[:, None]
    y = jnp.zeros((T, D), dtype=x.dtype).at[token_idx].add(pair_out)
    # expert_loss is zero in this stack; total_loss == sampler_loss
    total_loss = sampler_loss + jnp.asarray(0.0, dtype=jnp.float32)
    return y, total_loss


def reference(input, Wr, W1, b1, W2, b2):
    return _moe(input, Wr, W1, b1, W2, b2)

if __name__ == "__main__":
    import jax
    _d = setup_inputs()
    print(jax.jit(kernel)(*tuple(_d.values())))

</pallas_src>

<mosaic_0001>
#map = affine_map<(d0, d1) -> (0, 0)>
#map1 = affine_map<(d0, d1) -> (0)>
module attributes {stable_mosaic.version = 14 : i64} {
  func.func @dispatch(%arg0: i32, %arg1: i32, %arg2: memref<4096x768xf32, #tpu.memory_space<hbm>>, %arg3: memref<10368xi32, #tpu.memory_space<hbm>>, %arg4: memref<10240x768xf32, #tpu.memory_space<hbm>>, %arg5: memref<320xi32, #tpu.memory_space<vmem>>, %arg6: memref<2x64x768xf32, #tpu.memory_space<vmem>>, %arg7: memref<!tpu.dma_semaphore, #tpu.memory_space<semaphore_mem>>, %arg8: memref<!tpu.dma_semaphore, #tpu.memory_space<semaphore_mem>>) attributes {dimension_semantics = [#tpu.dimension_semantics<core_parallel>, #tpu.dimension_semantics<subcore_parallel>], iteration_bounds = array<i64: 2, 16>, scalar_prefetch = 0 : i64, scratch_operands = 4 : i64, tpu.core_type = #tpu.core_type<sc_vector_subcore>, window_params = [{transform_indices = #map}, {transform_indices = #map1}, {transform_indices = #map}]} {
    %mul3A = arith.constant 2 : i32
    %mul3A_0 = arith.muli %arg1, %mul3A : i32
    %add3A = arith.addi %mul3A_0, %arg0 : i32
    %mul3A_1 = arith.constant 320 : i32
    %mul3A_2 = arith.muli %add3A, %mul3A_1 : i32
    "tpu.region"() ({
      %run_scoped3A_115 = tpu.sem_alloc : memref<!tpu.dma_semaphore, #tpu.memory_space<semaphore_mem>>
      %dma_start3A_116 = tpu.memref_slice %arg3[%mul3A_2] : memref<10368xi32, #tpu.memory_space<hbm>> -> memref<320xi32, #tpu.memory_space<hbm>>
      %dma_start3A_117 = tpu.memref_slice %arg3[%mul3A_2] : memref<10368xi32, #tpu.memory_space<hbm>> -> memref<320xi32, #tpu.memory_space<hbm>>
      tpu.enqueue_dma source(%dma_start3A_117 : memref<320xi32, #tpu.memory_space<hbm>>) target(%arg5 : memref<320xi32, #tpu.memory_space<vmem>>) target_semaphore(%run_scoped3A_115 : memref<!tpu.dma_semaphore, #tpu.memory_space<semaphore_mem>>)
      %dma_wait3A_118 = tpu.memref_slice %arg3[%mul3A_2] : memref<10368xi32, #tpu.memory_space<hbm>> -> memref<320xi32, #tpu.memory_space<hbm>>
      %dma_wait3A_119 = tpu.memref_slice %arg3[%mul3A_2] : memref<10368xi32, #tpu.memory_space<hbm>> -> memref<320xi32, #tpu.memory_space<hbm>>
      tpu.wait_dma2 semaphore(%run_scoped3A_115 : memref<!tpu.dma_semaphore, #tpu.memory_space<semaphore_mem>>) src(%dma_wait3A_119 : memref<320xi32, #tpu.memory_space<hbm>>) dst(%arg5 : memref<320xi32, #tpu.memory_space<vmem>>)
      tpu.yield
    }) : () -> ()
    %dma_start3A = arith.constant 0 : i32
    %dma_start3A_3 = arith.constant 0 : i32
    %dma_start3A_4 = arith.constant 0 : i32
    %dma_start3A_5 = tpu.memref_slice %arg6[%dma_start3A, %dma_start3A_3, %dma_start3A_4] : memref<2x64x768xf32, #tpu.memory_space<vmem>> -> memref<1x64x768xf32, #tpu.memory_space<vmem>>
    %dma_start3A_6 = tpu.memref_squeeze %dma_start3A_5 : memref<1x64x768xf32, #tpu.memory_space<vmem>> -> memref<64x768xf32, #tpu.memory_space<vmem>>
    %dma_start3A_7 = arith.constant 0 : i32
    %dma_start3A_8 = tpu.memref_slice %arg5[%dma_start3A_7] : memref<320xi32, #tpu.memory_space<vmem>> -> memref<64xi32, #tpu.memory_space<vmem>>
    %dma_start3A_9 = arith.constant 0 : i32
    %dma_start3A_10 = arith.constant 0 : i32
    %dma_start3A_11 = tpu.memref_slice %arg2[%dma_start3A_9, %dma_start3A_10] : memref<4096x768xf32, #tpu.memory_space<hbm>> -> memref<4096x768xf32, #tpu.memory_space<hbm>>
    tpu.enqueue_indirect_dma source(%dma_start3A_11 : memref<4096x768xf32, #tpu.memory_space<hbm>>) target(%dma_start3A_6 : memref<64x768xf32, #tpu.memory_space<vmem>>) offsets(%dma_start3A_8 : memref<64xi32, #tpu.memory_space<vmem>>) semaphore(%arg7 : memref<!tpu.dma_semaphore, #tpu.memory_space<semaphore_mem>>)
    %dma_start3A_12 = arith.constant 1 : i32
    %dma_start3A_13 = arith.constant 0 : i32
    %dma_start3A_14 = arith.constant 0 : i32
    %dma_start3A_15 = tpu.memref_slice %arg6[%dma_start3A_12, %dma_start3A_13, %dma_start3A_14] : memref<2x64x768xf32, #tpu.memory_space<vmem>> -> memref<1x64x768xf32, #tpu.memory_space<vmem>>
    %dma_start3A_16 = tpu.memref_squeeze %dma_start3A_15 : memref<1x64x768xf32, #tpu.memory_space<vmem>> -> memref<64x768xf32, #tpu.memory_space<vmem>>
    %dma_start3A_17 = arith.constant 64 : i32
    %dma_start3A_18 = tpu.memref_slice %arg5[%dma_start3A_17] : memref<320xi32, #tpu.memory_space<vmem>> -> memref<64xi32, #tpu.memory_space<vmem>>
    %dma_start3A_19 = arith.constant 0 : i32
    %dma_start3A_20 = arith.constant 0 : i32
    %dma_start3A_21 = tpu.memref_slice %arg2[%dma_start3A_19, %dma_start3A_20] : memref<4096x768xf32, #tpu.memory_space<hbm>> -> memref<4096x768xf32, #tpu.memory_space<hbm>>
    tpu.enqueue_indirect_dma source(%dma_start3A_21 : memref<4096x768xf32, #tpu.memory_space<hbm>>) target(%dma_start3A_16 : memref<64x768xf32, #tpu.memory_space<vmem>>) offsets(%dma_start3A_18 : memref<64xi32, #tpu.memory_space<vmem>>) semaphore(%arg8 : memref<!tpu.dma_semaphore, #tpu.memory_space<semaphore_mem>>)
    %dma_wait3A = arith.constant 0 : i32
    %dma_wait3A_22 = arith.constant 0 : i32
    %dma_wait3A_23 = arith.constant 0 : i32
    %dma_wait3A_24 = tpu.memref_slice %arg6[%dma_wait3A, %dma_wait3A_22, %dma_wait3A_23] : memref<2x64x768xf32, #tpu.memory_space<vmem>> -> memref<1x64x768xf32, #tpu.memory_space<vmem>>
    %dma_wait3A_25 = tpu.memref_squeeze %dma_wait3A_24 : memref<1x64x768xf32, #tpu.memory_space<vmem>> -> memref<64x768xf32, #tpu.memory_space<vmem>>
    %dma_wait3A_26 = arith.constant 0 : i32
    %dma_wait3A_27 = tpu.memref_slice %arg5[%dma_wait3A_26] : memref<320xi32, #tpu.memory_space<vmem>> -> memref<64xi32, #tpu.memory_space<vmem>>
    %dma_wait3A_28 = arith.constant 0 : i32
    %dma_wait3A_29 = arith.constant 0 : i32
    %dma_wait3A_30 = tpu.memref_slice %arg2[%dma_wait3A_28, %dma_wait3A_29] : memref<4096x768xf32, #tpu.memory_space<hbm>> -> memref<4096x768xf32, #tpu.memory_space<hbm>>
    tpu.wait_indirect_dma semaphore(%arg7 : memref<!tpu.dma_semaphore, #tpu.memory_space<semaphore_mem>>) src(%dma_wait3A_30 : memref<4096x768xf32, #tpu.memory_space<hbm>>) dst(%dma_wait3A_25 : memref<64x768xf32, #tpu.memory_space<vmem>>)
    %add3A_31 = arith.constant 0 : i32
    %add3A_32 = arith.addi %mul3A_2, %add3A_31 : i32
    %run_scoped3A = arith.constant 0 : i32
    "tpu.region"() ({
      %run_scoped3A_115 = tpu.sem_alloc : memref<!tpu.dma_semaphore, #tpu.memory_space<semaphore_mem>>
      %dma_start3A_116 = arith.constant 0 : i32
      %dma_start3A_117 = arith.constant 0 : i32
      %dma_start3A_118 = tpu.memref_slice %arg6[%run_scoped3A, %dma_start3A_116, %dma_start3A_117] : memref<2x64x768xf32, #tpu.memory_space<vmem>> -> memref<1x64x768xf32, #tpu.memory_space<vmem>>
      %dma_start3A_119 = tpu.memref_squeeze %dma_start3A_118 : memref<1x64x768xf32, #tpu.memory_space<vmem>> -> memref<64x768xf32, #tpu.memory_space<vmem>>
      %dma_start3A_120 = arith.constant 0 : i32
      %dma_start3A_121 = tpu.memref_slice %arg4[%add3A_32, %dma_start3A_120] : memref<10240x768xf32, #tpu.memory_space<hbm>> -> memref<64x768xf32, #tpu.memory_space<hbm>>
      %dma_start3A_122 = arith.constant 0 : i32
      %dma_start3A_123 = tpu.memref_slice %arg4[%add3A_32, %dma_start3A_122] : memref<10240x768xf32, #tpu.memory_space<hbm>> -> memref<64x768xf32, #tpu.memory_space<hbm>>
      %dma_start3A_124 = arith.constant 0 : i32
      %dma_start3A_125 = arith.constant 0 : i32
      %dma_start3A_126 = tpu.memref_slice %arg6[%run_scoped3A, %dma_start3A_124, %dma_start3A_125] : memref<2x64x768xf32, #tpu.memory_space<vmem>> -> memref<1x64x768xf32, #tpu.memory_space<vmem>>
      %dma_start3A_127 = tpu.memref_squeeze %dma_start3A_126 : memref<1x64x768xf32, #tpu.memory_space<vmem>> -> memref<64x768xf32, #tpu.memory_space<vmem>>
      tpu.enqueue_dma source(%dma_start3A_127 : memref<64x768xf32, #tpu.memory_space<vmem>>) target(%dma_start3A_123 : memref<64x768xf32, #tpu.memory_space<hbm>>) target_semaphore(%run_scoped3A_115 : memref<!tpu.dma_semaphore, #tpu.memory_space<semaphore_mem>>)
      %dma_wait3A_128 = arith.constant 0 : i32
      %dma_wait3A_129 = arith.constant 0 : i32
      %dma_wait3A_130 = tpu.memref_slice %arg6[%run_scoped3A, %dma_wait3A_128, %dma_wait3A_129] : memref<2x64x768xf32, #tpu.memory_space<vmem>> -> memref<1x64x768xf32, #tpu.memory_space<vmem>>
      %dma_wait3A_131 = tpu.memref_squeeze %dma_wait3A_130 : memref<1x64x768xf32, #tpu.memory_space<vmem>> -> memref<64x768xf32, #tpu.memory_space<vmem>>
      %dma_wait3A_132 = arith.constant 0 : i32
      %dma_wait3A_133 = tpu.memref_slice %arg4[%add3A_32, %dma_wait3A_132] : memref<10240x768xf32, #tpu.memory_space<hbm>> -> memref<64x768xf32, #tpu.memory_space<hbm>>
      %dma_wait3A_134 = arith.constant 0 : i32
      %dma_wait3A_135 = tpu.memref_slice %arg4[%add3A_32, %dma_wait3A_134] : memref<10240x768xf32, #tpu.memory_space<hbm>> -> memref<64x768xf32, #tpu.memory_space<hbm>>
      %dma_wait3A_136 = arith.constant 0 : i32
      %dma_wait3A_137 = arith.constant 0 : i32
      %dma_wait3A_138 = tpu.memref_slice %arg6[%run_scoped3A, %dma_wait3A_136, %dma_wait3A_137] : memref<2x64x768xf32, #tpu.memory_space<vmem>> -> memref<1x64x768xf32, #tpu.memory_space<vmem>>
      %dma_wait3A_139 = tpu.memref_squeeze %dma_wait3A_138 : memref<1x64x768xf32, #tpu.memory_space<vmem>> -> memref<64x768xf32, #tpu.memory_space<vmem>>
      tpu.wait_dma2 semaphore(%run_scoped3A_115 : memref<!tpu.dma_semaphore, #tpu.memory_space<semaphore_mem>>) src(%dma_wait3A_139 : memref<64x768xf32, #tpu.memory_space<vmem>>) dst(%dma_wait3A_135 : memref<64x768xf32, #tpu.memory_space<hbm>>)
      tpu.yield
    }) : () -> ()
    %dma_start3A_33 = arith.constant 0 : i32
    %dma_start3A_34 = arith.constant 0 : i32
    %dma_start3A_35 = arith.constant 0 : i32
    %dma_start3A_36 = tpu.memref_slice %arg6[%dma_start3A_33, %dma_start3A_34, %dma_start3A_35] : memref<2x64x768xf32, #tpu.memory_space<vmem>> -> memref<1x64x768xf32, #tpu.memory_space<vmem>>
    %dma_start3A_37 = tpu.memref_squeeze %dma_start3A_36 : memref<1x64x768xf32, #tpu.memory_space<vmem>> -> memref<64x768xf32, #tpu.memory_space<vmem>>
    %dma_start3A_38 = arith.constant 128 : i32
    %dma_start3A_39 = tpu.memref_slice %arg5[%dma_start3A_38] : memref<320xi32, #tpu.memory_space<vmem>> -> memref<64xi32, #tpu.memory_space<vmem>>
    %dma_start3A_40 = arith.constant 0 : i32
    %dma_start3A_41 = arith.constant 0 : i32
    %dma_start3A_42 = tpu.memref_slice %arg2[%dma_start3A_40, %dma_start3A_41] : memref<4096x768xf32, #tpu.memory_space<hbm>> -> memref<4096x768xf32, #tpu.memory_space<hbm>>
    tpu.enqueue_indirect_dma source(%dma_start3A_42 : memref<4096x768xf32, #tpu.memory_space<hbm>>) target(%dma_start3A_37 : memref<64x768xf32, #tpu.memory_space<vmem>>) offsets(%dma_start3A_39 : memref<64xi32, #tpu.memory_space<vmem>>) semaphore(%arg7 : memref<!tpu.dma_semaphore, #tpu.memory_space<semaphore_mem>>)
    %dma_wait3A_43 = arith.constant 1 : i32
    %dma_wait3A_44 = arith.constant 0 : i32
    %dma_wait3A_45 = arith.constant 0 : i32
    %dma_wait3A_46 = tpu.memref_slice %arg6[%dma_wait3A_43, %dma_wait3A_44, %dma_wait3A_45] : memref<2x64x768xf32, #tpu.memory_space<vmem>> -> memref<1x64x768xf32, #tpu.memory_space<vmem>>
    %dma_wait3A_47 = tpu.memref_squeeze %dma_wait3A_46 : memref<1x64x768xf32, #tpu.memory_space<vmem>> -> memref<64x768xf32, #tpu.memory_space<vmem>>
    %dma_wait3A_48 = arith.constant 64 : i32
    %dma_wait3A_49 = tpu.memref_slice %arg5[%dma_wait3A_48] : memref<320xi32, #tpu.memory_space<vmem>> -> memref<64xi32, #tpu.memory_space<vmem>>
    %dma_wait3A_50 = arith.constant 0 : i32
    %dma_wait3A_51 = arith.constant 0 : i32
    %dma_wait3A_52 = tpu.memref_slice %arg2[%dma_wait3A_50, %dma_wait3A_51] : memref<4096x768xf32, #tpu.memory_space<hbm>> -> memref<4096x768xf32, #tpu.memory_space<hbm>>
    tpu.wait_indirect_dma semaphore(%arg8 : memref<!tpu.dma_semaphore, #tpu.memory_space<semaphore_mem>>) src(%dma_wait3A_52 : memref<4096x768xf32, #tpu.memory_space<hbm>>) dst(%dma_wait3A_47 : memref<64x768xf32, #tpu.memory_space<vmem>>)
    %add3A_53 = arith.constant 64 : i32
    %add3A_54 = arith.addi %mul3A_2, %add3A_53 : i32
    %run_scoped3A_55 = arith.constant 1 : i32
    "tpu.region"() ({
      %run_scoped3A_115 = tpu.sem_alloc : memref<!tpu.dma_semaphore, #tpu.memory_space<semaphore_mem>>
      %dma_start3A_116 = arith.constant 0 : i32
      %dma_start3A_117 = arith.constant 0 : i32
      %dma_start3A_118 = tpu.memref_slice %arg6[%run_scoped3A_55, %dma_start3A_116, %dma_start3A_117] : memref<2x64x768xf32, #tpu.memory_space<vmem>> -> memref<1x64x768xf32, #tpu.memory_space<vmem>>
      %dma_start3A_119 = tpu.memref_squeeze %dma_start3A_118 : memref<1x64x768xf32, #tpu.memory_space<vmem>> -> memref<64x768xf32, #tpu.memory_space<vmem>>
      %dma_start3A_120 = arith.constant 0 : i32
      %dma_start3A_121 = tpu.memref_slice %arg4[%add3A_54, %dma_start3A_120] : memref<10240x768xf32, #tpu.memory_space<hbm>> -> memref<64x768xf32, #tpu.memory_space<hbm>>
      %dma_start3A_122 = arith.constant 0 : i32
      %dma_start3A_123 = tpu.memref_slice %arg4[%add3A_54, %dma_start3A_122] : memref<10240x768xf32, #tpu.memory_space<hbm>> -> memref<64x768xf32, #tpu.memory_space<hbm>>
      %dma_start3A_124 = arith.constant 0 : i32
      %dma_start3A_125 = arith.constant 0 : i32
      %dma_start3A_126 = tpu.memref_slice %arg6[%run_scoped3A_55, %dma_start3A_124, %dma_start3A_125] : memref<2x64x768xf32, #tpu.memory_space<vmem>> -> memref<1x64x768xf32, #tpu.memory_space<vmem>>
      %dma_start3A_127 = tpu.memref_squeeze %dma_start3A_126 : memref<1x64x768xf32, #tpu.memory_space<vmem>> -> memref<64x768xf32, #tpu.memory_space<vmem>>
      tpu.enqueue_dma source(%dma_start3A_127 : memref<64x768xf32, #tpu.memory_space<vmem>>) target(%dma_start3A_123 : memref<64x768xf32, #tpu.memory_space<hbm>>) target_semaphore(%run_scoped3A_115 : memref<!tpu.dma_semaphore, #tpu.memory_space<semaphore_mem>>)
      %dma_wait3A_128 = arith.constant 0 : i32
      %dma_wait3A_129 = arith.constant 0 : i32
      %dma_wait3A_130 = tpu.memref_slice %arg6[%run_scoped3A_55, %dma_wait3A_128, %dma_wait3A_129] : memref<2x64x768xf32, #tpu.memory_space<vmem>> -> memref<1x64x768xf32, #tpu.memory_space<vmem>>
      %dma_wait3A_131 = tpu.memref_squeeze %dma_wait3A_130 : memref<1x64x768xf32, #tpu.memory_space<vmem>> -> memref<64x768xf32, #tpu.memory_space<vmem>>
      %dma_wait3A_132 = arith.constant 0 : i32
      %dma_wait3A_133 = tpu.memref_slice %arg4[%add3A_54, %dma_wait3A_132] : memref<10240x768xf32, #tpu.memory_space<hbm>> -> memref<64x768xf32, #tpu.memory_space<hbm>>
      %dma_wait3A_134 = arith.constant 0 : i32
      %dma_wait3A_135 = tpu.memref_slice %arg4[%add3A_54, %dma_wait3A_134] : memref<10240x768xf32, #tpu.memory_space<hbm>> -> memref<64x768xf32, #tpu.memory_space<hbm>>
      %dma_wait3A_136 = arith.constant 0 : i32
      %dma_wait3A_137 = arith.constant 0 : i32
      %dma_wait3A_138 = tpu.memref_slice %arg6[%run_scoped3A_55, %dma_wait3A_136, %dma_wait3A_137] : memref<2x64x768xf32, #tpu.memory_space<vmem>> -> memref<1x64x768xf32, #tpu.memory_space<vmem>>
      %dma_wait3A_139 = tpu.memref_squeeze %dma_wait3A_138 : memref<1x64x768xf32, #tpu.memory_space<vmem>> -> memref<64x768xf32, #tpu.memory_space<vmem>>
      tpu.wait_dma2 semaphore(%run_scoped3A_115 : memref<!tpu.dma_semaphore, #tpu.memory_space<semaphore_mem>>) src(%dma_wait3A_139 : memref<64x768xf32, #tpu.memory_space<vmem>>) dst(%dma_wait3A_135 : memref<64x768xf32, #tpu.memory_space<hbm>>)
      tpu.yield
    }) : () -> ()
    %dma_start3A_56 = arith.constant 1 : i32
    %dma_start3A_57 = arith.constant 0 : i32
    %dma_start3A_58 = arith.constant 0 : i32
    %dma_start3A_59 = tpu.memref_slice %arg6[%dma_start3A_56, %dma_start3A_57, %dma_start3A_58] : memref<2x64x768xf32, #tpu.memory_space<vmem>> -> memref<1x64x768xf32, #tpu.memory_space<vmem>>
    %dma_start3A_60 = tpu.memref_squeeze %dma_start3A_59 : memref<1x64x768xf32, #tpu.memory_space<vmem>> -> memref<64x768xf32, #tpu.memory_space<vmem>>
    %dma_start3A_61 = arith.constant 192 : i32
    %dma_start3A_62 = tpu.memref_slice %arg5[%dma_start3A_61] : memref<320xi32, #tpu.memory_space<vmem>> -> memref<64xi32, #tpu.memory_space<vmem>>
    %dma_start3A_63 = arith.constant 0 : i32
    %dma_start3A_64 = arith.constant 0 : i32
    %dma_start3A_65 = tpu.memref_slice %arg2[%dma_start3A_63, %dma_start3A_64] : memref<4096x768xf32, #tpu.memory_space<hbm>> -> memref<4096x768xf32, #tpu.memory_space<hbm>>
    tpu.enqueue_indirect_dma source(%dma_start3A_65 : memref<4096x768xf32, #tpu.memory_space<hbm>>) target(%dma_start3A_60 : memref<64x768xf32, #tpu.memory_space<vmem>>) offsets(%dma_start3A_62 : memref<64xi32, #tpu.memory_space<vmem>>) semaphore(%arg8 : memref<!tpu.dma_semaphore, #tpu.memory_space<semaphore_mem>>)
    %dma_wait3A_66 = arith.constant 0 : i32
    %dma_wait3A_67 = arith.constant 0 : i32
    %dma_wait3A_68 = arith.constant 0 : i32
    %dma_wait3A_69 = tpu.memref_slice %arg6[%dma_wait3A_66, %dma_wait3A_67, %dma_wait3A_68] : memref<2x64x768xf32, #tpu.memory_space<vmem>> -> memref<1x64x768xf32, #tpu.memory_space<vmem>>
    %dma_wait3A_70 = tpu.memref_squeeze %dma_wait3A_69 : memref<1x64x768xf32, #tpu.memory_space<vmem>> -> memref<64x768xf32, #tpu.memory_space<vmem>>
    %dma_wait3A_71 = arith.constant 128 : i32
    %dma_wait3A_72 = tpu.memref_slice %arg5[%dma_wait3A_71] : memref<320xi32, #tpu.memory_space<vmem>> -> memref<64xi32, #tpu.memory_space<vmem>>
    %dma_wait3A_73 = arith.constant 0 : i32
    %dma_wait3A_74 = arith.constant 0 : i32
    %dma_wait3A_75 = tpu.memref_slice %arg2[%dma_wait3A_73, %dma_wait3A_74] : memref<4096x768xf32, #tpu.memory_space<hbm>> -> memref<4096x768xf32, #tpu.memory_space<hbm>>
    tpu.wait_indirect_dma semaphore(%arg7 : memref<!tpu.dma_semaphore, #tpu.memory_space<semaphore_mem>>) src(%dma_wait3A_75 : memref<4096x768xf32, #tpu.memory_space<hbm>>) dst(%dma_wait3A_70 : memref<64x768xf32, #tpu.memory_space<vmem>>)
    %add3A_76 = arith.constant 128 : i32
    %add3A_77 = arith.addi %mul3A_2, %add3A_76 : i32
    %run_scoped3A_78 = arith.constant 0 : i32
    "tpu.region"() ({
      %run_scoped3A_115 = tpu.sem_alloc : memref<!tpu.dma_semaphore, #tpu.memory_space<semaphore_mem>>
      %dma_start3A_116 = arith.constant 0 : i32
      %dma_start3A_117 = arith.constant 0 : i32
      %dma_start3A_118 = tpu.memref_slice %arg6[%run_scoped3A_78, %dma_start3A_116, %dma_start3A_117] : memref<2x64x768xf32, #tpu.memory_space<vmem>> -> memref<1x64x768xf32, #tpu.memory_space<vmem>>
      %dma_start3A_119 = tpu.memref_squeeze %dma_start3A_118 : memref<1x64x768xf32, #tpu.memory_space<vmem>> -> memref<64x768xf32, #tpu.memory_space<vmem>>
      %dma_start3A_120 = arith.constant 0 : i32
      %dma_start3A_121 = tpu.memref_slice %arg4[%add3A_77, %dma_start3A_120] : memref<10240x768xf32, #tpu.memory_space<hbm>> -> memref<64x768xf32, #tpu.memory_space<hbm>>
      %dma_start3A_122 = arith.constant 0 : i32
      %dma_start3A_123 = tpu.memref_slice %arg4[%add3A_77, %dma_start3A_122] : memref<10240x768xf32, #tpu.memory_space<hbm>> -> memref<64x768xf32, #tpu.memory_space<hbm>>
      %dma_start3A_124 = arith.constant 0 : i32
      %dma_start3A_125 = arith.constant 0 : i32
      %dma_start3A_126 = tpu.memref_slice %arg6[%run_scoped3A_78, %dma_start3A_124, %dma_start3A_125] : memref<2x64x768xf32, #tpu.memory_space<vmem>> -> memref<1x64x768xf32, #tpu.memory_space<vmem>>
      %dma_start3A_127 = tpu.memref_squeeze %dma_start3A_126 : memref<1x64x768xf32, #tpu.memory_space<vmem>> -> memref<64x768xf32, #tpu.memory_space<vmem>>
      tpu.enqueue_dma source(%dma_start3A_127 : memref<64x768xf32, #tpu.memory_space<vmem>>) target(%dma_start3A_123 : memref<64x768xf32, #tpu.memory_space<hbm>>) target_semaphore(%run_scoped3A_115 : memref<!tpu.dma_semaphore, #tpu.memory_space<semaphore_mem>>)
      %dma_wait3A_128 = arith.constant 0 : i32
      %dma_wait3A_129 = arith.constant 0 : i32
      %dma_wait3A_130 = tpu.memref_slice %arg6[%run_scoped3A_78, %dma_wait3A_128, %dma_wait3A_129] : memref<2x64x768xf32, #tpu.memory_space<vmem>> -> memref<1x64x768xf32, #tpu.memory_space<vmem>>
      %dma_wait3A_131 = tpu.memref_squeeze %dma_wait3A_130 : memref<1x64x768xf32, #tpu.memory_space<vmem>> -> memref<64x768xf32, #tpu.memory_space<vmem>>
      %dma_wait3A_132 = arith.constant 0 : i32
      %dma_wait3A_133 = tpu.memref_slice %arg4[%add3A_77, %dma_wait3A_132] : memref<10240x768xf32, #tpu.memory_space<hbm>> -> memref<64x768xf32, #tpu.memory_space<hbm>>
      %dma_wait3A_134 = arith.constant 0 : i32
      %dma_wait3A_135 = tpu.memref_slice %arg4[%add3A_77, %dma_wait3A_134] : memref<10240x768xf32, #tpu.memory_space<hbm>> -> memref<64x768xf32, #tpu.memory_space<hbm>>
      %dma_wait3A_136 = arith.constant 0 : i32
      %dma_wait3A_137 = arith.constant 0 : i32
      %dma_wait3A_138 = tpu.memref_slice %arg6[%run_scoped3A_78, %dma_wait3A_136, %dma_wait3A_137] : memref<2x64x768xf32, #tpu.memory_space<vmem>> -> memref<1x64x768xf32, #tpu.memory_space<vmem>>
      %dma_wait3A_139 = tpu.memref_squeeze %dma_wait3A_138 : memref<1x64x768xf32, #tpu.memory_space<vmem>> -> memref<64x768xf32, #tpu.memory_space<vmem>>
      tpu.wait_dma2 semaphore(%run_scoped3A_115 : memref<!tpu.dma_semaphore, #tpu.memory_space<semaphore_mem>>) src(%dma_wait3A_139 : memref<64x768xf32, #tpu.memory_space<vmem>>) dst(%dma_wait3A_135 : memref<64x768xf32, #tpu.memory_space<hbm>>)
      tpu.yield
    }) : () -> ()
    %dma_start3A_79 = arith.constant 0 : i32
    %dma_start3A_80 = arith.constant 0 : i32
    %dma_start3A_81 = arith.constant 0 : i32
    %dma_start3A_82 = tpu.memref_slice %arg6[%dma_start3A_79, %dma_start3A_80, %dma_start3A_81] : memref<2x64x768xf32, #tpu.memory_space<vmem>> -> memref<1x64x768xf32, #tpu.memory_space<vmem>>
    %dma_start3A_83 = tpu.memref_squeeze %dma_start3A_82 : memref<1x64x768xf32, #tpu.memory_space<vmem>> -> memref<64x768xf32, #tpu.memory_space<vmem>>
    %dma_start3A_84 = arith.constant 256 : i32
    %dma_start3A_85 = tpu.memref_slice %arg5[%dma_start3A_84] : memref<320xi32, #tpu.memory_space<vmem>> -> memref<64xi32, #tpu.memory_space<vmem>>
    %dma_start3A_86 = arith.constant 0 : i32
    %dma_start3A_87 = arith.constant 0 : i32
    %dma_start3A_88 = tpu.memref_slice %arg2[%dma_start3A_86, %dma_start3A_87] : memref<4096x768xf32, #tpu.memory_space<hbm>> -> memref<4096x768xf32, #tpu.memory_space<hbm>>
    tpu.enqueue_indirect_dma source(%dma_start3A_88 : memref<4096x768xf32, #tpu.memory_space<hbm>>) target(%dma_start3A_83 : memref<64x768xf32, #tpu.memory_space<vmem>>) offsets(%dma_start3A_85 : memref<64xi32, #tpu.memory_space<vmem>>) semaphore(%arg7 : memref<!tpu.dma_semaphore, #tpu.memory_space<semaphore_mem>>)
    %dma_wait3A_89 = arith.constant 1 : i32
    %dma_wait3A_90 = arith.constant 0 : i32
    %dma_wait3A_91 = arith.constant 0 : i32
    %dma_wait3A_92 = tpu.memref_slice %arg6[%dma_wait3A_89, %dma_wait3A_90, %dma_wait3A_91] : memref<2x64x768xf32, #tpu.memory_space<vmem>> -> memref<1x64x768xf32, #tpu.memory_space<vmem>>
    %dma_wait3A_93 = tpu.memref_squeeze %dma_wait3A_92 : memref<1x64x768xf32, #tpu.memory_space<vmem>> -> memref<64x768xf32, #tpu.memory_space<vmem>>
    %dma_wait3A_94 = arith.constant 192 : i32
    %dma_wait3A_95 = tpu.memref_slice %arg5[%dma_wait3A_94] : memref<320xi32, #tpu.memory_space<vmem>> -> memref<64xi32, #tpu.memory_space<vmem>>
    %dma_wait3A_96 = arith.constant 0 : i32
    %dma_wait3A_97 = arith.constant 0 : i32
    %dma_wait3A_98 = tpu.memref_slice %arg2[%dma_wait3A_96, %dma_wait3A_97] : memref<4096x768xf32, #tpu.memory_space<hbm>> -> memref<4096x768xf32, #tpu.memory_space<hbm>>
    tpu.wait_indirect_dma semaphore(%arg8 : memref<!tpu.dma_semaphore, #tpu.memory_space<semaphore_mem>>) src(%dma_wait3A_98 : memref<4096x768xf32, #tpu.memory_space<hbm>>) dst(%dma_wait3A_93 : memref<64x768xf32, #tpu.memory_space<vmem>>)
    %add3A_99 = arith.constant 192 : i32
    %add3A_100 = arith.addi %mul3A_2, %add3A_99 : i32
    %run_scoped3A_101 = arith.constant 1 : i32
    "tpu.region"() ({
      %run_scoped3A_115 = tpu.sem_alloc : memref<!tpu.dma_semaphore, #tpu.memory_space<semaphore_mem>>
      %dma_start3A_116 = arith.constant 0 : i32
      %dma_start3A_117 = arith.constant 0 : i32
      %dma_start3A_118 = tpu.memref_slice %arg6[%run_scoped3A_101, %dma_start3A_116, %dma_start3A_117] : memref<2x64x768xf32, #tpu.memory_space<vmem>> -> memref<1x64x768xf32, #tpu.memory_space<vmem>>
      %dma_start3A_119 = tpu.memref_squeeze %dma_start3A_118 : memref<1x64x768xf32, #tpu.memory_space<vmem>> -> memref<64x768xf32, #tpu.memory_space<vmem>>
      %dma_start3A_120 = arith.constant 0 : i32
      %dma_start3A_121 = tpu.memref_slice %arg4[%add3A_100, %dma_start3A_120] : memref<10240x768xf32, #tpu.memory_space<hbm>> -> memref<64x768xf32, #tpu.memory_space<hbm>>
      %dma_start3A_122 = arith.constant 0 : i32
      %dma_start3A_123 = tpu.memref_slice %arg4[%add3A_100, %dma_start3A_122] : memref<10240x768xf32, #tpu.memory_space<hbm>> -> memref<64x768xf32, #tpu.memory_space<hbm>>
      %dma_start3A_124 = arith.constant 0 : i32
      %dma_start3A_125 = arith.constant 0 : i32
      %dma_start3A_126 = tpu.memref_slice %arg6[%run_scoped3A_101, %dma_start3A_124, %dma_start3A_125] : memref<2x64x768xf32, #tpu.memory_space<vmem>> -> memref<1x64x768xf32, #tpu.memory_space<vmem>>
      %dma_start3A_127 = tpu.memref_squeeze %dma_start3A_126 : memref<1x64x768xf32, #tpu.memory_space<vmem>> -> memref<64x768xf32, #tpu.memory_space<vmem>>
      tpu.enqueue_dma source(%dma_start3A_127 : memref<64x768xf32, #tpu.memory_space<vmem>>) target(%dma_start3A_123 : memref<64x768xf32, #tpu.memory_space<hbm>>) target_semaphore(%run_scoped3A_115 : memref<!tpu.dma_semaphore, #tpu.memory_space<semaphore_mem>>)
      %dma_wait3A_128 = arith.constant 0 : i32
      %dma_wait3A_129 = arith.constant 0 : i32
      %dma_wait3A_130 = tpu.memref_slice %arg6[%run_scoped3A_101, %dma_wait3A_128, %dma_wait3A_129] : memref<2x64x768xf32, #tpu.memory_space<vmem>> -> memref<1x64x768xf32, #tpu.memory_space<vmem>>
      %dma_wait3A_131 = tpu.memref_squeeze %dma_wait3A_130 : memref<1x64x768xf32, #tpu.memory_space<vmem>> -> memref<64x768xf32, #tpu.memory_space<vmem>>
      %dma_wait3A_132 = arith.constant 0 : i32
      %dma_wait3A_133 = tpu.memref_slice %arg4[%add3A_100, %dma_wait3A_132] : memref<10240x768xf32, #tpu.memory_space<hbm>> -> memref<64x768xf32, #tpu.memory_space<hbm>>
      %dma_wait3A_134 = arith.constant 0 : i32
      %dma_wait3A_135 = tpu.memref_slice %arg4[%add3A_100, %dma_wait3A_134] : memref<10240x768xf32, #tpu.memory_space<hbm>> -> memref<64x768xf32, #tpu.memory_space<hbm>>
      %dma_wait3A_136 = arith.constant 0 : i32
      %dma_wait3A_137 = arith.constant 0 : i32
      %dma_wait3A_138 = tpu.memref_slice %arg6[%run_scoped3A_101, %dma_wait3A_136, %dma_wait3A_137] : memref<2x64x768xf32, #tpu.memory_space<vmem>> -> memref<1x64x768xf32, #tpu.memory_space<vmem>>
      %dma_wait3A_139 = tpu.memref_squeeze %dma_wait3A_138 : memref<1x64x768xf32, #tpu.memory_space<vmem>> -> memref<64x768xf32, #tpu.memory_space<vmem>>
      tpu.wait_dma2 semaphore(%run_scoped3A_115 : memref<!tpu.dma_semaphore, #tpu.memory_space<semaphore_mem>>) src(%dma_wait3A_139 : memref<64x768xf32, #tpu.memory_space<vmem>>) dst(%dma_wait3A_135 : memref<64x768xf32, #tpu.memory_space<hbm>>)
      tpu.yield
    }) : () -> ()
    %dma_wait3A_102 = arith.constant 0 : i32
    %dma_wait3A_103 = arith.constant 0 : i32
    %dma_wait3A_104 = arith.constant 0 : i32
    %dma_wait3A_105 = tpu.memref_slice %arg6[%dma_wait3A_102, %dma_wait3A_103, %dma_wait3A_104] : memref<2x64x768xf32, #tpu.memory_space<vmem>> -> memref<1x64x768xf32, #tpu.memory_space<vmem>>
    %dma_wait3A_106 = tpu.memref_squeeze %dma_wait3A_105 : memref<1x64x768xf32, #tpu.memory_space<vmem>> -> memref<64x768xf32, #tpu.memory_space<vmem>>
    %dma_wait3A_107 = arith.constant 256 : i32
    %dma_wait3A_108 = tpu.memref_slice %arg5[%dma_wait3A_107] : memref<320xi32, #tpu.memory_space<vmem>> -> memref<64xi32, #tpu.memory_space<vmem>>
    %dma_wait3A_109 = arith.constant 0 : i32
    %dma_wait3A_110 = arith.constant 0 : i32
    %dma_wait3A_111 = tpu.memref_slice %arg2[%dma_wait3A_109, %dma_wait3A_110] : memref<4096x768xf32, #tpu.memory_space<hbm>> -> memref<4096x768xf32, #tpu.memory_space<hbm>>
    tpu.wait_indirect_dma semaphore(%arg7 : memref<!tpu.dma_semaphore, #tpu.memory_space<semaphore_mem>>) src(%dma_wait3A_111 : memref<4096x768xf32, #tpu.memory_space<hbm>>) dst(%dma_wait3A_106 : memref<64x768xf32, #tpu.memory_space<vmem>>)
    %add3A_112 = arith.constant 256 : i32
    %add3A_113 = arith.addi %mul3A_2, %add3A_112 : i32
    %run_scoped3A_114 = arith.constant 0 : i32
    "tpu.region"() ({
      %run_scoped3A_115 = tpu.sem_alloc : memref<!tpu.dma_semaphore, #tpu.memory_space<semaphore_mem>>
      %dma_start3A_116 = arith.constant 0 : i32
      %dma_start3A_117 = arith.constant 0 : i32
      %dma_start3A_118 = tpu.memref_slice %arg6[%run_scoped3A_114, %dma_start3A_116, %dma_start3A_117] : memref<2x64x768xf32, #tpu.memory_space<vmem>> -> memref<1x64x768xf32, #tpu.memory_space<vmem>>
      %dma_start3A_119 = tpu.memref_squeeze %dma_start3A_118 : memref<1x64x768xf32, #tpu.memory_space<vmem>> -> memref<64x768xf32, #tpu.memory_space<vmem>>
      %dma_start3A_120 = arith.constant 0 : i32
      %dma_start3A_121 = tpu.memref_slice %arg4[%add3A_113, %dma_start3A_120] : memref<10240x768xf32, #tpu.memory_space<hbm>> -> memref<64x768xf32, #tpu.memory_space<hbm>>
      %dma_start3A_122 = arith.constant 0 : i32
      %dma_start3A_123 = tpu.memref_slice %arg4[%add3A_113, %dma_start3A_122] : memref<10240x768xf32, #tpu.memory_space<hbm>> -> memref<64x768xf32, #tpu.memory_space<hbm>>
      %dma_start3A_124 = arith.constant 0 : i32
      %dma_start3A_125 = arith.constant 0 : i32
      %dma_start3A_126 = tpu.memref_slice %arg6[%run_scoped3A_114, %dma_start3A_124, %dma_start3A_125] : memref<2x64x768xf32, #tpu.memory_space<vmem>> -> memref<1x64x768xf32, #tpu.memory_space<vmem>>
      %dma_start3A_127 = tpu.memref_squeeze %dma_start3A_126 : memref<1x64x768xf32, #tpu.memory_space<vmem>> -> memref<64x768xf32, #tpu.memory_space<vmem>>
      tpu.enqueue_dma source(%dma_start3A_127 : memref<64x768xf32, #tpu.memory_space<vmem>>) target(%dma_start3A_123 : memref<64x768xf32, #tpu.memory_space<hbm>>) target_semaphore(%run_scoped3A_115 : memref<!tpu.dma_semaphore, #tpu.memory_space<semaphore_mem>>)
      %dma_wait3A_128 = arith.constant 0 : i32
      %dma_wait3A_129 = arith.constant 0 : i32
      %dma_wait3A_130 = tpu.memref_slice %arg6[%run_scoped3A_114, %dma_wait3A_128, %dma_wait3A_129] : memref<2x64x768xf32, #tpu.memory_space<vmem>> -> memref<1x64x768xf32, #tpu.memory_space<vmem>>
      %dma_wait3A_131 = tpu.memref_squeeze %dma_wait3A_130 : memref<1x64x768xf32, #tpu.memory_space<vmem>> -> memref<64x768xf32, #tpu.memory_space<vmem>>
      %dma_wait3A_132 = arith.constant 0 : i32
      %dma_wait3A_133 = tpu.memref_slice %arg4[%add3A_113, %dma_wait3A_132] : memref<10240x768xf32, #tpu.memory_space<hbm>> -> memref<64x768xf32, #tpu.memory_space<hbm>>
      %dma_wait3A_134 = arith.constant 0 : i32
      %dma_wait3A_135 = tpu.memref_slice %arg4[%add3A_113, %dma_wait3A_134] : memref<10240x768xf32, #tpu.memory_space<hbm>> -> memref<64x768xf32, #tpu.memory_space<hbm>>
      %dma_wait3A_136 = arith.constant 0 : i32
      %dma_wait3A_137 = arith.constant 0 : i32
      %dma_wait3A_138 = tpu.memref_slice %arg6[%run_scoped3A_114, %dma_wait3A_136, %dma_wait3A_137] : memref<2x64x768xf32, #tpu.memory_space<vmem>> -> memref<1x64x768xf32, #tpu.memory_space<vmem>>
      %dma_wait3A_139 = tpu.memref_squeeze %dma_wait3A_138 : memref<1x64x768xf32, #tpu.memory_space<vmem>> -> memref<64x768xf32, #tpu.memory_space<vmem>>
      tpu.wait_dma2 semaphore(%run_scoped3A_115 : memref<!tpu.dma_semaphore, #tpu.memory_space<semaphore_mem>>) src(%dma_wait3A_139 : memref<64x768xf32, #tpu.memory_space<vmem>>) dst(%dma_wait3A_135 : memref<64x768xf32, #tpu.memory_space<hbm>>)
      tpu.yield
    }) : () -> ()
    return
  }
}

#map = affine_map<(d0, d1) -> (0, 0)>
#map1 = affine_map<(d0, d1) -> (0)>
module attributes {stable_mosaic.version = 14 : i64} {
  func.func @combine_gather(%arg0: i32, %arg1: i32, %arg2: memref<10240x768xf32, #tpu.memory_space<hbm>>, %arg3: memref<4096xi32, #tpu.memory_space<hbm>>, %arg4: memref<4096xi32, #tpu.memory_space<hbm>>, %arg5: memref<4096x768xf32, #tpu.memory_space<hbm>>, %arg6: memref<4096x768xf32, #tpu.memory_space<hbm>>, %arg7: memref<128xi32, #tpu.memory_space<vmem>>, %arg8: memref<128xi32, #tpu.memory_space<vmem>>, %arg9: memref<2x64x768xf32, #tpu.memory_space<vmem>>, %arg10: memref<!tpu.dma_semaphore, #tpu.memory_space<semaphore_mem>>, %arg11: memref<!tpu.dma_semaphore, #tpu.memory_space<semaphore_mem>>) attributes {dimension_semantics = [#tpu.dimension_semantics<core_parallel>, #tpu.dimension_semantics<subcore_parallel>], iteration_bounds = array<i64: 2, 16>, scalar_prefetch = 0 : i64, scratch_operands = 5 : i64, tpu.core_type = #tpu.core_type<sc_vector_subcore>, window_params = [{transform_indices = #map}, {transform_indices = #map1}, {transform_indices = #map1}, {transform_indices = #map}, {transform_indices = #map}]} {
    %mul3A = arith.constant 2 : i32
    %mul3A_0 = arith.muli %arg1, %mul3A : i32
    %add3A = arith.addi %mul3A_0, %arg0 : i32
    %mul3A_1 = arith.constant 128 : i32
    %mul3A_2 = arith.muli %add3A, %mul3A_1 : i32
    "tpu.region"() ({
      %run_scoped3A_92 = tpu.sem_alloc : memref<!tpu.dma_semaphore, #tpu.memory_space<semaphore_mem>>
      %dma_start3A_93 = tpu.memref_slice %arg3[%mul3A_2] : memref<4096xi32, #tpu.memory_space<hbm>> -> memref<128xi32, #tpu.memory_space<hbm>>
      %dma_start3A_94 = tpu.memref_slice %arg3[%mul3A_2] : memref<4096xi32, #tpu.memory_space<hbm>> -> memref<128xi32, #tpu.memory_space<hbm>>
      tpu.enqueue_dma source(%dma_start3A_94 : memref<128xi32, #tpu.memory_space<hbm>>) target(%arg7 : memref<128xi32, #tpu.memory_space<vmem>>) target_semaphore(%run_scoped3A_92 : memref<!tpu.dma_semaphore, #tpu.memory_space<semaphore_mem>>)
      %dma_wait3A_95 = tpu.memref_slice %arg3[%mul3A_2] : memref<4096xi32, #tpu.memory_space<hbm>> -> memref<128xi32, #tpu.memory_space<hbm>>
      %dma_wait3A_96 = tpu.memref_slice %arg3[%mul3A_2] : memref<4096xi32, #tpu.memory_space<hbm>> -> memref<128xi32, #tpu.memory_space<hbm>>
      tpu.wait_dma2 semaphore(%run_scoped3A_92 : memref<!tpu.dma_semaphore, #tpu.memory_space<semaphore_mem>>) src(%dma_wait3A_96 : memref<128xi32, #tpu.memory_space<hbm>>) dst(%arg7 : memref<128xi32, #tpu.memory_space<vmem>>)
      tpu.yield
    }) : () -> ()
    "tpu.region"() ({
      %run_scoped3A_92 = tpu.sem_alloc : memref<!tpu.dma_semaphore, #tpu.memory_space<semaphore_mem>>
      %dma_start3A_93 = tpu.memref_slice %arg4[%mul3A_2] : memref<4096xi32, #tpu.memory_space<hbm>> -> memref<128xi32, #tpu.memory_space<hbm>>
      %dma_start3A_94 = tpu.memref_slice %arg4[%mul3A_2] : memref<4096xi32, #tpu.memory_space<hbm>> -> memref<128xi32, #tpu.memory_space<hbm>>
      tpu.enqueue_dma source(%dma_start3A_94 : memref<128xi32, #tpu.memory_space<hbm>>) target(%arg8 : memref<128xi32, #tpu.memory_space<vmem>>) target_semaphore(%run_scoped3A_92 : memref<!tpu.dma_semaphore, #tpu.memory_space<semaphore_mem>>)
      %dma_wait3A_95 = tpu.memref_slice %arg4[%mul3A_2] : memref<4096xi32, #tpu.memory_space<hbm>> -> memref<128xi32, #tpu.memory_space<hbm>>
      %dma_wait3A_96 = tpu.memref_slice %arg4[%mul3A_2] : memref<4096xi32, #tpu.memory_space<hbm>> -> memref<128xi32, #tpu.memory_space<hbm>>
      tpu.wait_dma2 semaphore(%run_scoped3A_92 : memref<!tpu.dma_semaphore, #tpu.memory_space<semaphore_mem>>) src(%dma_wait3A_96 : memref<128xi32, #tpu.memory_space<hbm>>) dst(%arg8 : memref<128xi32, #tpu.memory_space<vmem>>)
      tpu.yield
    }) : () -> ()
    %dma_start3A = arith.constant 0 : i32
    %dma_start3A_3 = arith.constant 0 : i32
    %dma_start3A_4 = arith.constant 0 : i32
    %dma_start3A_5 = tpu.memref_slice %arg9[%dma_start3A, %dma_start3A_3, %dma_start3A_4] : memref<2x64x768xf32, #tpu.memory_space<vmem>> -> memref<1x64x768xf32, #tpu.memory_space<vmem>>
    %dma_start3A_6 = tpu.memref_squeeze %dma_start3A_5 : memref<1x64x768xf32, #tpu.memory_space<vmem>> -> memref<64x768xf32, #tpu.memory_space<vmem>>
    %dma_start3A_7 = arith.constant 0 : i32
    %dma_start3A_8 = tpu.memref_slice %arg7[%dma_start3A_7] : memref<128xi32, #tpu.memory_space<vmem>> -> memref<64xi32, #tpu.memory_space<vmem>>
    %dma_start3A_9 = arith.constant 0 : i32
    %dma_start3A_10 = arith.constant 0 : i32
    %dma_start3A_11 = tpu.memref_slice %arg2[%dma_start3A_9, %dma_start3A_10] : memref<10240x768xf32, #tpu.memory_space<hbm>> -> memref<10240x768xf32, #tpu.memory_space<hbm>>
    tpu.enqueue_indirect_dma source(%dma_start3A_11 : memref<10240x768xf32, #tpu.memory_space<hbm>>) target(%dma_start3A_6 : memref<64x768xf32, #tpu.memory_space<vmem>>) offsets(%dma_start3A_8 : memref<64xi32, #tpu.memory_space<vmem>>) semaphore(%arg10 : memref<!tpu.dma_semaphore, #tpu.memory_space<semaphore_mem>>)
    %dma_start3A_12 = arith.constant 1 : i32
    %dma_start3A_13 = arith.constant 0 : i32
    %dma_start3A_14 = arith.constant 0 : i32
    %dma_start3A_15 = tpu.memref_slice %arg9[%dma_start3A_12, %dma_start3A_13, %dma_start3A_14] : memref<2x64x768xf32, #tpu.memory_space<vmem>> -> memref<1x64x768xf32, #tpu.memory_space<vmem>>
    %dma_start3A_16 = tpu.memref_squeeze %dma_start3A_15 : memref<1x64x768xf32, #tpu.memory_space<vmem>> -> memref<64x768xf32, #tpu.memory_space<vmem>>
    %dma_start3A_17 = arith.constant 64 : i32
    %dma_start3A_18 = tpu.memref_slice %arg7[%dma_start3A_17] : memref<128xi32, #tpu.memory_space<vmem>> -> memref<64xi32, #tpu.memory_space<vmem>>
    %dma_start3A_19 = arith.constant 0 : i32
    %dma_start3A_20 = arith.constant 0 : i32
    %dma_start3A_21 = tpu.memref_slice %arg2[%dma_start3A_19, %dma_start3A_20] : memref<10240x768xf32, #tpu.memory_space<hbm>> -> memref<10240x768xf32, #tpu.memory_space<hbm>>
    tpu.enqueue_indirect_dma source(%dma_start3A_21 : memref<10240x768xf32, #tpu.memory_space<hbm>>) target(%dma_start3A_16 : memref<64x768xf32, #tpu.memory_space<vmem>>) offsets(%dma_start3A_18 : memref<64xi32, #tpu.memory_space<vmem>>) semaphore(%arg11 : memref<!tpu.dma_semaphore, #tpu.memory_space<semaphore_mem>>)
    %dma_wait3A = arith.constant 0 : i32
    %dma_wait3A_22 = arith.constant 0 : i32
    %dma_wait3A_23 = arith.constant 0 : i32
    %dma_wait3A_24 = tpu.memref_slice %arg9[%dma_wait3A, %dma_wait3A_22, %dma_wait3A_23] : memref<2x64x768xf32, #tpu.memory_space<vmem>> -> memref<1x64x768xf32, #tpu.memory_space<vmem>>
    %dma_wait3A_25 = tpu.memref_squeeze %dma_wait3A_24 : memref<1x64x768xf32, #tpu.memory_space<vmem>> -> memref<64x768xf32, #tpu.memory_space<vmem>>
    %dma_wait3A_26 = arith.constant 0 : i32
    %dma_wait3A_27 = tpu.memref_slice %arg7[%dma_wait3A_26] : memref<128xi32, #tpu.memory_space<vmem>> -> memref<64xi32, #tpu.memory_space<vmem>>
    %dma_wait3A_28 = arith.constant 0 : i32
    %dma_wait3A_29 = arith.constant 0 : i32
    %dma_wait3A_30 = tpu.memref_slice %arg2[%dma_wait3A_28, %dma_wait3A_29] : memref<10240x768xf32, #tpu.memory_space<hbm>> -> memref<10240x768xf32, #tpu.memory_space<hbm>>
    tpu.wait_indirect_dma semaphore(%arg10 : memref<!tpu.dma_semaphore, #tpu.memory_space<semaphore_mem>>) src(%dma_wait3A_30 : memref<10240x768xf32, #tpu.memory_space<hbm>>) dst(%dma_wait3A_25 : memref<64x768xf32, #tpu.memory_space<vmem>>)
    %add3A_31 = arith.constant 0 : i32
    %add3A_32 = arith.addi %mul3A_2, %add3A_31 : i32
    %run_scoped3A = arith.constant 0 : i32
    "tpu.region"() ({
      %run_scoped3A_92 = tpu.sem_alloc : memref<!tpu.dma_semaphore, #tpu.memory_space<semaphore_mem>>
      %dma_start3A_93 = arith.constant 0 : i32
      %dma_start3A_94 = arith.constant 0 : i32
      %dma_start3A_95 = tpu.memref_slice %arg9[%run_scoped3A, %dma_start3A_93, %dma_start3A_94] : memref<2x64x768xf32, #tpu.memory_space<vmem>> -> memref<1x64x768xf32, #tpu.memory_space<vmem>>
      %dma_start3A_96 = tpu.memref_squeeze %dma_start3A_95 : memref<1x64x768xf32, #tpu.memory_space<vmem>> -> memref<64x768xf32, #tpu.memory_space<vmem>>
      %dma_start3A_97 = arith.constant 0 : i32
      %dma_start3A_98 = tpu.memref_slice %arg5[%add3A_32, %dma_start3A_97] : memref<4096x768xf32, #tpu.memory_space<hbm>> -> memref<64x768xf32, #tpu.memory_space<hbm>>
      %dma_start3A_99 = arith.constant 0 : i32
      %dma_start3A_100 = tpu.memref_slice %arg5[%add3A_32, %dma_start3A_99] : memref<4096x768xf32, #tpu.memory_space<hbm>> -> memref<64x768xf32, #tpu.memory_space<hbm>>
      %dma_start3A_101 = arith.constant 0 : i32
      %dma_start3A_102 = arith.constant 0 : i32
      %dma_start3A_103 = tpu.memref_slice %arg9[%run_scoped3A, %dma_start3A_101, %dma_start3A_102] : memref<2x64x768xf32, #tpu.memory_space<vmem>> -> memref<1x64x768xf32, #tpu.memory_space<vmem>>
      %dma_start3A_104 = tpu.memref_squeeze %dma_start3A_103 : memref<1x64x768xf32, #tpu.memory_space<vmem>> -> memref<64x768xf32, #tpu.memory_space<vmem>>
      tpu.enqueue_dma source(%dma_start3A_104 : memref<64x768xf32, #tpu.memory_space<vmem>>) target(%dma_start3A_100 : memref<64x768xf32, #tpu.memory_space<hbm>>) target_semaphore(%run_scoped3A_92 : memref<!tpu.dma_semaphore, #tpu.memory_space<semaphore_mem>>)
      %dma_wait3A_105 = arith.constant 0 : i32
      %dma_wait3A_106 = arith.constant 0 : i32
      %dma_wait3A_107 = tpu.memref_slice %arg9[%run_scoped3A, %dma_wait3A_105, %dma_wait3A_106] : memref<2x64x768xf32, #tpu.memory_space<vmem>> -> memref<1x64x768xf32, #tpu.memory_space<vmem>>
      %dma_wait3A_108 = tpu.memref_squeeze %dma_wait3A_107 : memref<1x64x768xf32, #tpu.memory_space<vmem>> -> memref<64x768xf32, #tpu.memory_space<vmem>>
      %dma_wait3A_109 = arith.constant 0 : i32
      %dma_wait3A_110 = tpu.memref_slice %arg5[%add3A_32, %dma_wait3A_109] : memref<4096x768xf32, #tpu.memory_space<hbm>> -> memref<64x768xf32, #tpu.memory_space<hbm>>
      %dma_wait3A_111 = arith.constant 0 : i32
      %dma_wait3A_112 = tpu.memref_slice %arg5[%add3A_32, %dma_wait3A_111] : memref<4096x768xf32, #tpu.memory_space<hbm>> -> memref<64x768xf32, #tpu.memory_space<hbm>>
      %dma_wait3A_113 = arith.constant 0 : i32
      %dma_wait3A_114 = arith.constant 0 : i32
      %dma_wait3A_115 = tpu.memref_slice %arg9[%run_scoped3A, %dma_wait3A_113, %dma_wait3A_114] : memref<2x64x768xf32, #tpu.memory_space<vmem>> -> memref<1x64x768xf32, #tpu.memory_space<vmem>>
      %dma_wait3A_116 = tpu.memref_squeeze %dma_wait3A_115 : memref<1x64x768xf32, #tpu.memory_space<vmem>> -> memref<64x768xf32, #tpu.memory_space<vmem>>
      tpu.wait_dma2 semaphore(%run_scoped3A_92 : memref<!tpu.dma_semaphore, #tpu.memory_space<semaphore_mem>>) src(%dma_wait3A_116 : memref<64x768xf32, #tpu.memory_space<vmem>>) dst(%dma_wait3A_112 : memref<64x768xf32, #tpu.memory_space<hbm>>)
      tpu.yield
    }) : () -> ()
    %dma_start3A_33 = arith.constant 0 : i32
    %dma_start3A_34 = arith.constant 0 : i32
    %dma_start3A_35 = arith.constant 0 : i32
    %dma_start3A_36 = tpu.memref_slice %arg9[%dma_start3A_33, %dma_start3A_34, %dma_start3A_35] : memref<2x64x768xf32, #tpu.memory_space<vmem>> -> memref<1x64x768xf32, #tpu.memory_space<vmem>>
    %dma_start3A_37 = tpu.memref_squeeze %dma_start3A_36 : memref<1x64x768xf32, #tpu.memory_space<vmem>> -> memref<64x768xf32, #tpu.memory_space<vmem>>
    %dma_start3A_38 = arith.constant 0 : i32
    %dma_start3A_39 = tpu.memref_slice %arg8[%dma_start3A_38] : memref<128xi32, #tpu.memory_space<vmem>> -> memref<64xi32, #tpu.memory_space<vmem>>
    %dma_start3A_40 = arith.constant 0 : i32
    %dma_start3A_41 = arith.constant 0 : i32
    %dma_start3A_42 = tpu.memref_slice %arg2[%dma_start3A_40, %dma_start3A_41] : memref<10240x768xf32, #tpu.memory_space<hbm>> -> memref<10240x768xf32, #tpu.memory_space<hbm>>
    tpu.enqueue_indirect_dma source(%dma_start3A_42 : memref<10240x768xf32, #tpu.memory_space<hbm>>) target(%dma_start3A_37 : memref<64x768xf32, #tpu.memory_space<vmem>>) offsets(%dma_start3A_39 : memref<64xi32, #tpu.memory_space<vmem>>) semaphore(%arg10 : memref<!tpu.dma_semaphore, #tpu.memory_space<semaphore_mem>>)
    %dma_wait3A_43 = arith.constant 1 : i32
    %dma_wait3A_44 = arith.constant 0 : i32
    %dma_wait3A_45 = arith.constant 0 : i32
    %dma_wait3A_46 = tpu.memref_slice %arg9[%dma_wait3A_43, %dma_wait3A_44, %dma_wait3A_45] : memref<2x64x768xf32, #tpu.memory_space<vmem>> -> memref<1x64x768xf32, #tpu.memory_space<vmem>>
    %dma_wait3A_47 = tpu.memref_squeeze %dma_wait3A_46 : memref<1x64x768xf32, #tpu.memory_space<vmem>> -> memref<64x768xf32, #tpu.memory_space<vmem>>
    %dma_wait3A_48 = arith.constant 64 : i32
    %dma_wait3A_49 = tpu.memref_slice %arg7[%dma_wait3A_48] : memref<128xi32, #tpu.memory_space<vmem>> -> memref<64xi32, #tpu.memory_space<vmem>>
    %dma_wait3A_50 = arith.constant 0 : i32
    %dma_wait3A_51 = arith.constant 0 : i32
    %dma_wait3A_52 = tpu.memref_slice %arg2[%dma_wait3A_50, %dma_wait3A_51] : memref<10240x768xf32, #tpu.memory_space<hbm>> -> memref<10240x768xf32, #tpu.memory_space<hbm>>
    tpu.wait_indirect_dma semaphore(%arg11 : memref<!tpu.dma_semaphore, #tpu.memory_space<semaphore_mem>>) src(%dma_wait3A_52 : memref<10240x768xf32, #tpu.memory_space<hbm>>) dst(%dma_wait3A_47 : memref<64x768xf32, #tpu.memory_space<vmem>>)
    %add3A_53 = arith.constant 64 : i32
    %add3A_54 = arith.addi %mul3A_2, %add3A_53 : i32
    %run_scoped3A_55 = arith.constant 1 : i32
    "tpu.region"() ({
      %run_scoped3A_92 = tpu.sem_alloc : memref<!tpu.dma_semaphore, #tpu.memory_space<semaphore_mem>>
      %dma_start3A_93 = arith.constant 0 : i32
      %dma_start3A_94 = arith.constant 0 : i32
      %dma_start3A_95 = tpu.memref_slice %arg9[%run_scoped3A_55, %dma_start3A_93, %dma_start3A_94] : memref<2x64x768xf32, #tpu.memory_space<vmem>> -> memref<1x64x768xf32, #tpu.memory_space<vmem>>
      %dma_start3A_96 = tpu.memref_squeeze %dma_start3A_95 : memref<1x64x768xf32, #tpu.memory_space<vmem>> -> memref<64x768xf32, #tpu.memory_space<vmem>>
      %dma_start3A_97 = arith.constant 0 : i32
      %dma_start3A_98 = tpu.memref_slice %arg5[%add3A_54, %dma_start3A_97] : memref<4096x768xf32, #tpu.memory_space<hbm>> -> memref<64x768xf32, #tpu.memory_space<hbm>>
      %dma_start3A_99 = arith.constant 0 : i32
      %dma_start3A_100 = tpu.memref_slice %arg5[%add3A_54, %dma_start3A_99] : memref<4096x768xf32, #tpu.memory_space<hbm>> -> memref<64x768xf32, #tpu.memory_space<hbm>>
      %dma_start3A_101 = arith.constant 0 : i32
      %dma_start3A_102 = arith.constant 0 : i32
      %dma_start3A_103 = tpu.memref_slice %arg9[%run_scoped3A_55, %dma_start3A_101, %dma_start3A_102] : memref<2x64x768xf32, #tpu.memory_space<vmem>> -> memref<1x64x768xf32, #tpu.memory_space<vmem>>
      %dma_start3A_104 = tpu.memref_squeeze %dma_start3A_103 : memref<1x64x768xf32, #tpu.memory_space<vmem>> -> memref<64x768xf32, #tpu.memory_space<vmem>>
      tpu.enqueue_dma source(%dma_start3A_104 : memref<64x768xf32, #tpu.memory_space<vmem>>) target(%dma_start3A_100 : memref<64x768xf32, #tpu.memory_space<hbm>>) target_semaphore(%run_scoped3A_92 : memref<!tpu.dma_semaphore, #tpu.memory_space<semaphore_mem>>)
      %dma_wait3A_105 = arith.constant 0 : i32
      %dma_wait3A_106 = arith.constant 0 : i32
      %dma_wait3A_107 = tpu.memref_slice %arg9[%run_scoped3A_55, %dma_wait3A_105, %dma_wait3A_106] : memref<2x64x768xf32, #tpu.memory_space<vmem>> -> memref<1x64x768xf32, #tpu.memory_space<vmem>>
      %dma_wait3A_108 = tpu.memref_squeeze %dma_wait3A_107 : memref<1x64x768xf32, #tpu.memory_space<vmem>> -> memref<64x768xf32, #tpu.memory_space<vmem>>
      %dma_wait3A_109 = arith.constant 0 : i32
      %dma_wait3A_110 = tpu.memref_slice %arg5[%add3A_54, %dma_wait3A_109] : memref<4096x768xf32, #tpu.memory_space<hbm>> -> memref<64x768xf32, #tpu.memory_space<hbm>>
      %dma_wait3A_111 = arith.constant 0 : i32
      %dma_wait3A_112 = tpu.memref_slice %arg5[%add3A_54, %dma_wait3A_111] : memref<4096x768xf32, #tpu.memory_space<hbm>> -> memref<64x768xf32, #tpu.memory_space<hbm>>
      %dma_wait3A_113 = arith.constant 0 : i32
      %dma_wait3A_114 = arith.constant 0 : i32
      %dma_wait3A_115 = tpu.memref_slice %arg9[%run_scoped3A_55, %dma_wait3A_113, %dma_wait3A_114] : memref<2x64x768xf32, #tpu.memory_space<vmem>> -> memref<1x64x768xf32, #tpu.memory_space<vmem>>
      %dma_wait3A_116 = tpu.memref_squeeze %dma_wait3A_115 : memref<1x64x768xf32, #tpu.memory_space<vmem>> -> memref<64x768xf32, #tpu.memory_space<vmem>>
      tpu.wait_dma2 semaphore(%run_scoped3A_92 : memref<!tpu.dma_semaphore, #tpu.memory_space<semaphore_mem>>) src(%dma_wait3A_116 : memref<64x768xf32, #tpu.memory_space<vmem>>) dst(%dma_wait3A_112 : memref<64x768xf32, #tpu.memory_space<hbm>>)
      tpu.yield
    }) : () -> ()
    %dma_start3A_56 = arith.constant 1 : i32
    %dma_start3A_57 = arith.constant 0 : i32
    %dma_start3A_58 = arith.constant 0 : i32
    %dma_start3A_59 = tpu.memref_slice %arg9[%dma_start3A_56, %dma_start3A_57, %dma_start3A_58] : memref<2x64x768xf32, #tpu.memory_space<vmem>> -> memref<1x64x768xf32, #tpu.memory_space<vmem>>
    %dma_start3A_60 = tpu.memref_squeeze %dma_start3A_59 : memref<1x64x768xf32, #tpu.memory_space<vmem>> -> memref<64x768xf32, #tpu.memory_space<vmem>>
    %dma_start3A_61 = arith.constant 64 : i32
    %dma_start3A_62 = tpu.memref_slice %arg8[%dma_start3A_61] : memref<128xi32, #tpu.memory_space<vmem>> -> memref<64xi32, #tpu.memory_space<vmem>>
    %dma_start3A_63 = arith.constant 0 : i32
    %dma_start3A_64 = arith.constant 0 : i32
    %dma_start3A_65 = tpu.memref_slice %arg2[%dma_start3A_63, %dma_start3A_64] : memref<10240x768xf32, #tpu.memory_space<hbm>> -> memref<10240x768xf32, #tpu.memory_space<hbm>>
    tpu.enqueue_indirect_dma source(%dma_start3A_65 : memref<10240x768xf32, #tpu.memory_space<hbm>>) target(%dma_start3A_60 : memref<64x768xf32, #tpu.memory_space<vmem>>) offsets(%dma_start3A_62 : memref<64xi32, #tpu.memory_space<vmem>>) semaphore(%arg11 : memref<!tpu.dma_semaphore, #tpu.memory_space<semaphore_mem>>)
    %dma_wait3A_66 = arith.constant 0 : i32
    %dma_wait3A_67 = arith.constant 0 : i32
    %dma_wait3A_68 = arith.constant 0 : i32
    %dma_wait3A_69 = tpu.memref_slice %arg9[%dma_wait3A_66, %dma_wait3A_67, %dma_wait3A_68] : memref<2x64x768xf32, #tpu.memory_space<vmem>> -> memref<1x64x768xf32, #tpu.memory_space<vmem>>
    %dma_wait3A_70 = tpu.memref_squeeze %dma_wait3A_69 : memref<1x64x768xf32, #tpu.memory_space<vmem>> -> memref<64x768xf32, #tpu.memory_space<vmem>>
    %dma_wait3A_71 = arith.constant 0 : i32
    %dma_wait3A_72 = tpu.memref_slice %arg8[%dma_wait3A_71] : memref<128xi32, #tpu.memory_space<vmem>> -> memref<64xi32, #tpu.memory_space<vmem>>
    %dma_wait3A_73 = arith.constant 0 : i32
    %dma_wait3A_74 = arith.constant 0 : i32
    %dma_wait3A_75 = tpu.memref_slice %arg2[%dma_wait3A_73, %dma_wait3A_74] : memref<10240x768xf32, #tpu.memory_space<hbm>> -> memref<10240x768xf32, #tpu.memory_space<hbm>>
    tpu.wait_indirect_dma semaphore(%arg10 : memref<!tpu.dma_semaphore, #tpu.memory_space<semaphore_mem>>) src(%dma_wait3A_75 : memref<10240x768xf32, #tpu.memory_space<hbm>>) dst(%dma_wait3A_70 : memref<64x768xf32, #tpu.memory_space<vmem>>)
    %add3A_76 = arith.constant 0 : i32
    %add3A_77 = arith.addi %mul3A_2, %add3A_76 : i32
    %run_scoped3A_78 = arith.constant 0 : i32
    "tpu.region"() ({
      %run_scoped3A_92 = tpu.sem_alloc : memref<!tpu.dma_semaphore, #tpu.memory_space<semaphore_mem>>
      %dma_start3A_93 = arith.constant 0 : i32
      %dma_start3A_94 = arith.constant 0 : i32
      %dma_start3A_95 = tpu.memref_slice %arg9[%run_scoped3A_78, %dma_start3A_93, %dma_start3A_94] : memref<2x64x768xf32, #tpu.memory_space<vmem>> -> memref<1x64x768xf32, #tpu.memory_space<vmem>>
      %dma_start3A_96 = tpu.memref_squeeze %dma_start3A_95 : memref<1x64x768xf32, #tpu.memory_space<vmem>> -> memref<64x768xf32, #tpu.memory_space<vmem>>
      %dma_start3A_97 = arith.constant 0 : i32
      %dma_start3A_98 = tpu.memref_slice %arg6[%add3A_77, %dma_start3A_97] : memref<4096x768xf32, #tpu.memory_space<hbm>> -> memref<64x768xf32, #tpu.memory_space<hbm>>
      %dma_start3A_99 = arith.constant 0 : i32
      %dma_start3A_100 = tpu.memref_slice %arg6[%add3A_77, %dma_start3A_99] : memref<4096x768xf32, #tpu.memory_space<hbm>> -> memref<64x768xf32, #tpu.memory_space<hbm>>
      %dma_start3A_101 = arith.constant 0 : i32
      %dma_start3A_102 = arith.constant 0 : i32
      %dma_start3A_103 = tpu.memref_slice %arg9[%run_scoped3A_78, %dma_start3A_101, %dma_start3A_102] : memref<2x64x768xf32, #tpu.memory_space<vmem>> -> memref<1x64x768xf32, #tpu.memory_space<vmem>>
      %dma_start3A_104 = tpu.memref_squeeze %dma_start3A_103 : memref<1x64x768xf32, #tpu.memory_space<vmem>> -> memref<64x768xf32, #tpu.memory_space<vmem>>
      tpu.enqueue_dma source(%dma_start3A_104 : memref<64x768xf32, #tpu.memory_space<vmem>>) target(%dma_start3A_100 : memref<64x768xf32, #tpu.memory_space<hbm>>) target_semaphore(%run_scoped3A_92 : memref<!tpu.dma_semaphore, #tpu.memory_space<semaphore_mem>>)
      %dma_wait3A_105 = arith.constant 0 : i32
      %dma_wait3A_106 = arith.constant 0 : i32
      %dma_wait3A_107 = tpu.memref_slice %arg9[%run_scoped3A_78, %dma_wait3A_105, %dma_wait3A_106] : memref<2x64x768xf32, #tpu.memory_space<vmem>> -> memref<1x64x768xf32, #tpu.memory_space<vmem>>
      %dma_wait3A_108 = tpu.memref_squeeze %dma_wait3A_107 : memref<1x64x768xf32, #tpu.memory_space<vmem>> -> memref<64x768xf32, #tpu.memory_space<vmem>>
      %dma_wait3A_109 = arith.constant 0 : i32
      %dma_wait3A_110 = tpu.memref_slice %arg6[%add3A_77, %dma_wait3A_109] : memref<4096x768xf32, #tpu.memory_space<hbm>> -> memref<64x768xf32, #tpu.memory_space<hbm>>
      %dma_wait3A_111 = arith.constant 0 : i32
      %dma_wait3A_112 = tpu.memref_slice %arg6[%add3A_77, %dma_wait3A_111] : memref<4096x768xf32, #tpu.memory_space<hbm>> -> memref<64x768xf32, #tpu.memory_space<hbm>>
      %dma_wait3A_113 = arith.constant 0 : i32
      %dma_wait3A_114 = arith.constant 0 : i32
      %dma_wait3A_115 = tpu.memref_slice %arg9[%run_scoped3A_78, %dma_wait3A_113, %dma_wait3A_114] : memref<2x64x768xf32, #tpu.memory_space<vmem>> -> memref<1x64x768xf32, #tpu.memory_space<vmem>>
      %dma_wait3A_116 = tpu.memref_squeeze %dma_wait3A_115 : memref<1x64x768xf32, #tpu.memory_space<vmem>> -> memref<64x768xf32, #tpu.memory_space<vmem>>
      tpu.wait_dma2 semaphore(%run_scoped3A_92 : memref<!tpu.dma_semaphore, #tpu.memory_space<semaphore_mem>>) src(%dma_wait3A_116 : memref<64x768xf32, #tpu.memory_space<vmem>>) dst(%dma_wait3A_112 : memref<64x768xf32, #tpu.memory_space<hbm>>)
      tpu.yield
    }) : () -> ()
    %dma_wait3A_79 = arith.constant 1 : i32
    %dma_wait3A_80 = arith.constant 0 : i32
    %dma_wait3A_81 = arith.constant 0 : i32
    %dma_wait3A_82 = tpu.memref_slice %arg9[%dma_wait3A_79, %dma_wait3A_80, %dma_wait3A_81] : memref<2x64x768xf32, #tpu.memory_space<vmem>> -> memref<1x64x768xf32, #tpu.memory_space<vmem>>
    %dma_wait3A_83 = tpu.memref_squeeze %dma_wait3A_82 : memref<1x64x768xf32, #tpu.memory_space<vmem>> -> memref<64x768xf32, #tpu.memory_space<vmem>>
    %dma_wait3A_84 = arith.constant 64 : i32
    %dma_wait3A_85 = tpu.memref_slice %arg8[%dma_wait3A_84] : memref<128xi32, #tpu.memory_space<vmem>> -> memref<64xi32, #tpu.memory_space<vmem>>
    %dma_wait3A_86 = arith.constant 0 : i32
    %dma_wait3A_87 = arith.constant 0 : i32
    %dma_wait3A_88 = tpu.memref_slice %arg2[%dma_wait3A_86, %dma_wait3A_87] : memref<10240x768xf32, #tpu.memory_space<hbm>> -> memref<10240x768xf32, #tpu.memory_space<hbm>>
    tpu.wait_indirect_dma semaphore(%arg11 : memref<!tpu.dma_semaphore, #tpu.memory_space<semaphore_mem>>) src(%dma_wait3A_88 : memref<10240x768xf32, #tpu.memory_space<hbm>>) dst(%dma_wait3A_83 : memref<64x768xf32, #tpu.memory_space<vmem>>)
    %add3A_89 = arith.constant 64 : i32
    %add3A_90 = arith.addi %mul3A_2, %add3A_89 : i32
    %run_scoped3A_91 = arith.constant 1 : i32
    "tpu.region"() ({
      %run_scoped3A_92 = tpu.sem_alloc : memref<!tpu.dma_semaphore, #tpu.memory_space<semaphore_mem>>
      %dma_start3A_93 = arith.constant 0 : i32
      %dma_start3A_94 = arith.constant 0 : i32
      %dma_start3A_95 = tpu.memref_slice %arg9[%run_scoped3A_91, %dma_start3A_93, %dma_start3A_94] : memref<2x64x768xf32, #tpu.memory_space<vmem>> -> memref<1x64x768xf32, #tpu.memory_space<vmem>>
      %dma_start3A_96 = tpu.memref_squeeze %dma_start3A_95 : memref<1x64x768xf32, #tpu.memory_space<vmem>> -> memref<64x768xf32, #tpu.memory_space<vmem>>
      %dma_start3A_97 = arith.constant 0 : i32
      %dma_start3A_98 = tpu.memref_slice %arg6[%add3A_90, %dma_start3A_97] : memref<4096x768xf32, #tpu.memory_space<hbm>> -> memref<64x768xf32, #tpu.memory_space<hbm>>
      %dma_start3A_99 = arith.constant 0 : i32
      %dma_start3A_100 = tpu.memref_slice %arg6[%add3A_90, %dma_start3A_99] : memref<4096x768xf32, #tpu.memory_space<hbm>> -> memref<64x768xf32, #tpu.memory_space<hbm>>
      %dma_start3A_101 = arith.constant 0 : i32
      %dma_start3A_102 = arith.constant 0 : i32
      %dma_start3A_103 = tpu.memref_slice %arg9[%run_scoped3A_91, %dma_start3A_101, %dma_start3A_102] : memref<2x64x768xf32, #tpu.memory_space<vmem>> -> memref<1x64x768xf32, #tpu.memory_space<vmem>>
      %dma_start3A_104 = tpu.memref_squeeze %dma_start3A_103 : memref<1x64x768xf32, #tpu.memory_space<vmem>> -> memref<64x768xf32, #tpu.memory_space<vmem>>
      tpu.enqueue_dma source(%dma_start3A_104 : memref<64x768xf32, #tpu.memory_space<vmem>>) target(%dma_start3A_100 : memref<64x768xf32, #tpu.memory_space<hbm>>) target_semaphore(%run_scoped3A_92 : memref<!tpu.dma_semaphore, #tpu.memory_space<semaphore_mem>>)
      %dma_wait3A_105 = arith.constant 0 : i32
      %dma_wait3A_106 = arith.constant 0 : i32
      %dma_wait3A_107 = tpu.memref_slice %arg9[%run_scoped3A_91, %dma_wait3A_105, %dma_wait3A_106] : memref<2x64x768xf32, #tpu.memory_space<vmem>> -> memref<1x64x768xf32, #tpu.memory_space<vmem>>
      %dma_wait3A_108 = tpu.memref_squeeze %dma_wait3A_107 : memref<1x64x768xf32, #tpu.memory_space<vmem>> -> memref<64x768xf32, #tpu.memory_space<vmem>>
      %dma_wait3A_109 = arith.constant 0 : i32
      %dma_wait3A_110 = tpu.memref_slice %arg6[%add3A_90, %dma_wait3A_109] : memref<4096x768xf32, #tpu.memory_space<hbm>> -> memref<64x768xf32, #tpu.memory_space<hbm>>
      %dma_wait3A_111 = arith.constant 0 : i32
      %dma_wait3A_112 = tpu.memref_slice %arg6[%add3A_90, %dma_wait3A_111] : memref<4096x768xf32, #tpu.memory_space<hbm>> -> memref<64x768xf32, #tpu.memory_space<hbm>>
      %dma_wait3A_113 = arith.constant 0 : i32
      %dma_wait3A_114 = arith.constant 0 : i32
      %dma_wait3A_115 = tpu.memref_slice %arg9[%run_scoped3A_91, %dma_wait3A_113, %dma_wait3A_114] : memref<2x64x768xf32, #tpu.memory_space<vmem>> -> memref<1x64x768xf32, #tpu.memory_space<vmem>>
      %dma_wait3A_116 = tpu.memref_squeeze %dma_wait3A_115 : memref<1x64x768xf32, #tpu.memory_space<vmem>> -> memref<64x768xf32, #tpu.memory_space<vmem>>
      tpu.wait_dma2 semaphore(%run_scoped3A_92 : memref<!tpu.dma_semaphore, #tpu.memory_space<semaphore_mem>>) src(%dma_wait3A_116 : memref<64x768xf32, #tpu.memory_space<vmem>>) dst(%dma_wait3A_112 : memref<64x768xf32, #tpu.memory_space<hbm>>)
      tpu.yield
    }) : () -> ()
    return
  }
}

#map = affine_map<(d0, d1) -> (0)>
module attributes {stable_mosaic.version = 14 : i64} {
  func.func @build_inv(%arg0: i32, %arg1: i32, %arg2: memref<4096xi32, #tpu.memory_space<hbm>>, %arg3: memref<4096xi32, #tpu.memory_space<hbm>>, %arg4: memref<10368xi32, #tpu.memory_space<hbm>>, %arg5: memref<4096xi32, #tpu.memory_space<vmem>>, %arg6: memref<4096xi32, #tpu.memory_space<vmem>>, %arg7: memref<10368xi32, #tpu.memory_space<vmem>>) attributes {dimension_semantics = [#tpu.dimension_semantics<core_parallel>, #tpu.dimension_semantics<subcore_parallel>], iteration_bounds = array<i64: 2, 16>, scalar_prefetch = 0 : i64, scratch_operands = 3 : i64, tpu.core_type = #tpu.core_type<sc_vector_subcore>, window_params = [{transform_indices = #map}, {transform_indices = #map}, {transform_indices = #map}]} {
    %mul3A = arith.constant 2 : i32
    %mul3A_0 = arith.muli %arg1, %mul3A : i32
    %add3A = arith.addi %mul3A_0, %arg0 : i32
    %eq3A = arith.constant 0 : i32
    %eq3A_1 = arith.cmpi eq, %add3A, %eq3A : i32
    %convert_element_type3A = arith.extui %eq3A_1 : i1 to i32
    %cond3A = arith.constant 0 : i32
    %cond3A_2 = arith.cmpi ne, %convert_element_type3A, %cond3A : i32
    scf.if %cond3A_2 {
      "tpu.region"() ({
        %run_scoped3A = tpu.sem_alloc : memref<!tpu.dma_semaphore, #tpu.memory_space<semaphore_mem>>
        tpu.enqueue_dma source(%arg2 : memref<4096xi32, #tpu.memory_space<hbm>>) target(%arg5 : memref<4096xi32, #tpu.memory_space<vmem>>) target_semaphore(%run_scoped3A : memref<!tpu.dma_semaphore, #tpu.memory_space<semaphore_mem>>)
        tpu.wait_dma2 semaphore(%run_scoped3A : memref<!tpu.dma_semaphore, #tpu.memory_space<semaphore_mem>>) src(%arg2 : memref<4096xi32, #tpu.memory_space<hbm>>) dst(%arg5 : memref<4096xi32, #tpu.memory_space<vmem>>)
        tpu.yield
      }) : () -> ()
      "tpu.region"() ({
        %run_scoped3A = tpu.sem_alloc : memref<!tpu.dma_semaphore, #tpu.memory_space<semaphore_mem>>
        tpu.enqueue_dma source(%arg3 : memref<4096xi32, #tpu.memory_space<hbm>>) target(%arg6 : memref<4096xi32, #tpu.memory_space<vmem>>) target_semaphore(%run_scoped3A : memref<!tpu.dma_semaphore, #tpu.memory_space<semaphore_mem>>)
        tpu.wait_dma2 semaphore(%run_scoped3A : memref<!tpu.dma_semaphore, #tpu.memory_space<semaphore_mem>>) src(%arg3 : memref<4096xi32, #tpu.memory_space<hbm>>) dst(%arg6 : memref<4096xi32, #tpu.memory_space<vmem>>)
        tpu.yield
      }) : () -> ()
      %scan3A = arith.constant 0 : i32
      %scan3A_3 = arith.constant 0 : i32
      %scan3A_4 = arith.constant 648 : i32
      %scan3A_5 = arith.addi %scan3A_3, %scan3A_4 : i32
      %scan3A_6 = arith.constant 1 : i32
      scf.for %scan3A_14 = %scan3A_3 to %scan3A_5 step %scan3A_6  : i32 {
        %iota3A = tpu.iota {dimensions = array<i32: 0>} : vector<16xi32>
        %mul3A_15 = arith.constant 16 : i32
        %mul3A_16 = arith.muli %scan3A_14, %mul3A_15 : i32
        %add3A_17 = vector.broadcast %mul3A_16 : i32 to vector<16xi32>
        %add3A_18 = arith.addi %iota3A, %add3A_17 : vector<16xi32>
        %and3A = arith.constant 4095 : i32
        %and3A_19 = vector.broadcast %and3A : i32 to vector<16xi32>
        %and3A_20 = arith.andi %add3A_18, %and3A_19 : vector<16xi32>
        %mul3A_21 = arith.constant 16 : i32
        %mul3A_22 = arith.muli %scan3A_14, %mul3A_21 : i32
        %swap3A = arith.index_cast %mul3A_22 : i32 to index
        %swap3A_23 = tpu.vector_load %arg7[%swap3A] {strides = array<i32>} : memref<10368xi32, #tpu.memory_space<vmem>>, vector<16xi32>,
        tpu.vector_store %arg7[%swap3A], %and3A_20 {strides = array<i32>} : memref<10368xi32, #tpu.memory_space<vmem>>, vector<16xi32>,
      }
      %scan3A_7 = arith.constant 648 : i32
      %scan3A_8 = arith.constant 0 : i32
      %scan3A_9 = arith.constant 0 : i32
      %scan3A_10 = arith.constant 256 : i32
      %scan3A_11 = arith.addi %scan3A_9, %scan3A_10 : i32
      %scan3A_12 = arith.constant 1 : i32
      scf.for %scan3A_14 = %scan3A_9 to %scan3A_11 step %scan3A_12  : i32 {
        %mul3A_15 = arith.constant 16 : i32
        %mul3A_16 = arith.muli %scan3A_14, %mul3A_15 : i32
        %iota3A = tpu.iota {dimensions = array<i32: 0>} : vector<16xi32>
        %add3A_17 = vector.broadcast %mul3A_16 : i32 to vector<16xi32>
        %add3A_18 = arith.addi %iota3A, %add3A_17 : vector<16xi32>
        %get3A = arith.index_cast %mul3A_16 : i32 to index
        %get3A_19 = tpu.vector_load %arg5[%get3A] {strides = array<i32>} : memref<4096xi32, #tpu.memory_space<vmem>>, vector<16xi32>,
        tpu.vector_store_idx %arg7[%get3A_19], %add3A_18 : memref<10368xi32, #tpu.memory_space<vmem>>[vector<16xi32>], vector<16xi32>,
        %get3A_20 = arith.index_cast %mul3A_16 : i32 to index
        %get3A_21 = tpu.vector_load %arg6[%get3A_20] {strides = array<i32>} : memref<4096xi32, #tpu.memory_space<vmem>>, vector<16xi32>,
        tpu.vector_store_idx %arg7[%get3A_21], %add3A_18 : memref<10368xi32, #tpu.memory_space<vmem>>[vector<16xi32>], vector<16xi32>,
      }
      %scan3A_13 = arith.constant 256 : i32
      "tpu.region"() ({
        %run_scoped3A = tpu.sem_alloc : memref<!tpu.dma_semaphore, #tpu.memory_space<semaphore_mem>>
        tpu.enqueue_dma source(%arg7 : memref<10368xi32, #tpu.memory_space<vmem>>) target(%arg4 : memref<10368xi32, #tpu.memory_space<hbm>>) target_semaphore(%run_scoped3A : memref<!tpu.dma_semaphore, #tpu.memory_space<semaphore_mem>>)
        tpu.wait_dma2 semaphore(%run_scoped3A : memref<!tpu.dma_semaphore, #tpu.memory_space<semaphore_mem>>) src(%arg7 : memref<10368xi32, #tpu.memory_space<vmem>>) dst(%arg4 : memref<10368xi32, #tpu.memory_space<hbm>>)
        tpu.yield
      }) : () -> ()
    } else {
    }
    return
  }
}

module attributes {stable_mosaic.version = 14 : i64} {
  func.func @_router_body(%arg0: i32, %arg1: memref<512x768xf32, #tpu.memory_space<vmem>>, %arg2: memref<768x128xf32, #tpu.memory_space<vmem>>, %arg3: memref<512x8xi32, #tpu.memory_space<vmem>>, %arg4: memref<512x8xi32, #tpu.memory_space<vmem>>, %arg5: memref<512x8xi32, #tpu.memory_space<vmem>>, %arg6: memref<512x8xi32, #tpu.memory_space<vmem>>, %arg7: memref<512x8xf32, #tpu.memory_space<vmem>>, %arg8: memref<512x8xf32, #tpu.memory_space<vmem>>, %arg9: memref<8x128xf32, #tpu.memory_space<vmem>>, %arg10: memref<8x128xf32, #tpu.memory_space<vmem>>, %arg11: memref<8x128xf32, #tpu.memory_space<vmem>>) attributes {dimension_semantics = [#tpu.dimension_semantics<arbitrary>], iteration_bounds = array<i64: 8>, scalar_prefetch = 0 : i64, scratch_operands = 2 : i64, tpu.core_type = #tpu.core_type<tc>, window_params = [{transform_indices = @transform_0, window_bounds = array<i64: 512, 768>}, {pipeline_mode = #tpu.pipeline_mode<synchronous>, transform_indices = @transform_1, window_bounds = array<i64: 768, 128>}, {transform_indices = @transform_2, window_bounds = array<i64: 512, 8>}, {transform_indices = @transform_3, window_bounds = array<i64: 512, 8>}, {transform_indices = @transform_4, window_bounds = array<i64: 512, 8>}, {transform_indices = @transform_5, window_bounds = array<i64: 512, 8>}, {transform_indices = @transform_6, window_bounds = array<i64: 512, 8>}, {transform_indices = @transform_7, window_bounds = array<i64: 512, 8>}, {pipeline_mode = #tpu.pipeline_mode<synchronous>, transform_indices = @transform_8, window_bounds = array<i64: 8, 128>}]} {
    %eq3A = arith.constant 0 : i32
    %eq3A_0 = arith.cmpi eq, %arg0, %eq3A : i32
    %convert_element_type3A = arith.extui %eq3A_0 : i1 to i32
    %cond3A = arith.constant 0 : i32
    %cond3A_1 = arith.cmpi ne, %convert_element_type3A, %cond3A : i32
    scf.if %cond3A_1 {
      %broadcast_in_dim3A_167 = arith.constant 0.000000e+00 : f32
      %broadcast_in_dim3A_168 = vector.broadcast %broadcast_in_dim3A_167 : f32 to vector<8x128xf32>
      %swap3A_169 = arith.constant 0 : index
      %swap3A_170 = arith.constant 0 : index
      %swap3A_171 = vector.load %arg10[%swap3A_169, %swap3A_170] : memref<8x128xf32, #tpu.memory_space<vmem>>, vector<8x128xf32>
      tpu.vector_store %arg10[%swap3A_169, %swap3A_170], %broadcast_in_dim3A_168 {strides = array<i32>} : memref<8x128xf32, #tpu.memory_space<vmem>>, vector<8x128xf32>,
      %broadcast_in_dim3A_172 = arith.constant 0.000000e+00 : f32
      %broadcast_in_dim3A_173 = vector.broadcast %broadcast_in_dim3A_172 : f32 to vector<8x128xf32>
      %swap3A_174 = arith.constant 0 : index
      %swap3A_175 = arith.constant 0 : index
      %swap3A_176 = vector.load %arg11[%swap3A_174, %swap3A_175] : memref<8x128xf32, #tpu.memory_space<vmem>>, vector<8x128xf32>
      tpu.vector_store %arg11[%swap3A_174, %swap3A_175], %broadcast_in_dim3A_173 {strides = array<i32>} : memref<8x128xf32, #tpu.memory_space<vmem>>, vector<8x128xf32>,
    } else {
    }
    %get3A = arith.constant 0 : index
    %get3A_2 = arith.constant 0 : index
    %get3A_3 = vector.load %arg1[%get3A, %get3A_2] : memref<512x768xf32, #tpu.memory_space<vmem>>, vector<512x768xf32>
    %get3A_4 = arith.constant 0 : index
    %get3A_5 = arith.constant 0 : index
    %get3A_6 = vector.load %arg2[%get3A_4, %get3A_5] : memref<768x128xf32, #tpu.memory_space<vmem>>, vector<768x128xf32>
    %dot_general3A = arith.constant dense<0.000000e+00> : vector<512x128xf32>
    %dot_general3A_7 = tpu.matmul %get3A_3, %get3A_6, %dot_general3A {dimension_numbers = #tpu.dot_dimension_numbers<[1], [0], [0], [1], [0, 0, 1, 1], [], []>, transpose_lhs_hint = false} : vector<512x768xf32>, vector<768x128xf32>, vector<512x128xf32> -> vector<512x128xf32>
    %iota3A = tpu.iota {dimensions = array<i32: 1>} : vector<512x128xi32>
    %lt3A = arith.constant 8 : i32
    %lt3A_8 = vector.broadcast %lt3A : i32 to vector<512x128xi32>
    %lt3A_9 = arith.cmpi slt, %iota3A, %lt3A_8 : vector<512x128xi32>
    %jit3A = arith.constant -1.000000e+30 : f32
    %broadcast_in_dim3A = vector.broadcast %jit3A : f32 to vector<512x128xf32>
    %select_n3A = arith.select %lt3A_9, %dot_general3A_7, %broadcast_in_dim3A : vector<512x128xi1>, vector<512x128xf32>
    %reduce_max3A = arith.constant dense<0xFF800000> : vector<512xf32>
    %reduce_max3A_10 = vector.multi_reduction <maximumf>, %select_n3A, %reduce_max3A [1] : vector<512x128xf32> to vector<512xf32>
    %broadcast_in_dim3A_11 = vector.shape_cast %reduce_max3A_10 : vector<512xf32> to vector<512x1xf32>
    %sub3A = vector.broadcast %broadcast_in_dim3A_11 : vector<512x1xf32> to vector<512x128xf32>
    %sub3A_12 = arith.subf %select_n3A, %sub3A : vector<512x128xf32>
    %exp3A = math.exp %sub3A_12 : vector<512x128xf32>
    %jit3A_13 = arith.constant 0.000000e+00 : f32
    %broadcast_in_dim3A_14 = vector.broadcast %jit3A_13 : f32 to vector<512x128xf32>
    %select_n3A_15 = arith.select %lt3A_9, %exp3A, %broadcast_in_dim3A_14 : vector<512x128xi1>, vector<512x128xf32>
    %reduce_sum3A = arith.constant dense<0.000000e+00> : vector<512xf32>
    %reduce_sum3A_16 = vector.multi_reduction <add>, %select_n3A_15, %reduce_sum3A [1] : vector<512x128xf32> to vector<512xf32>
    %broadcast_in_dim3A_17 = vector.shape_cast %reduce_sum3A_16 : vector<512xf32> to vector<512x1xf32>
    %div3A = vector.broadcast %broadcast_in_dim3A_17 : vector<512x1xf32> to vector<512x128xf32>
    %div3A_18 = arith.divf %select_n3A_15, %div3A : vector<512x128xf32>
    %reduce_max3A_19 = arith.constant dense<0xFF800000> : vector<512xf32>
    %reduce_max3A_20 = vector.multi_reduction <maximumf>, %div3A_18, %reduce_max3A_19 [1] : vector<512x128xf32> to vector<512xf32>
    %broadcast_in_dim3A_21 = vector.shape_cast %reduce_max3A_20 : vector<512xf32> to vector<512x1xf32>
    %eq3A_22 = vector.broadcast %broadcast_in_dim3A_21 : vector<512x1xf32> to vector<512x128xf32>
    %eq3A_23 = arith.cmpf oeq, %div3A_18, %eq3A_22 : vector<512x128xf32>
    %jit3A_24 = arith.constant 128 : i32
    %broadcast_in_dim3A_25 = vector.broadcast %jit3A_24 : i32 to vector<512x128xi32>
    %select_n3A_26 = arith.select %eq3A_23, %iota3A, %broadcast_in_dim3A_25 : vector<512x128xi1>, vector<512x128xi32>
    %reduce_min3A = arith.constant dense<2147483647> : vector<512xi32>
    %reduce_min3A_27 = vector.multi_reduction <minsi>, %select_n3A_26, %reduce_min3A [1] : vector<512x128xi32> to vector<512xi32>
    %broadcast_in_dim3A_28 = vector.shape_cast %reduce_min3A_27 : vector<512xi32> to vector<512x1xi32>
    %eq3A_29 = vector.broadcast %broadcast_in_dim3A_28 : vector<512x1xi32> to vector<512x128xi32>
    %eq3A_30 = arith.cmpi eq, %iota3A, %eq3A_29 : vector<512x128xi32>
    %convert_element_type3A_31 = arith.extui %eq3A_30 : vector<512x128xi1> to vector<512x128xi32>
    %convert_element_type3A_32 = arith.sitofp %convert_element_type3A_31 : vector<512x128xi32> to vector<512x128xf32>
    %eq3A_33 = vector.broadcast %broadcast_in_dim3A_28 : vector<512x1xi32> to vector<512x128xi32>
    %eq3A_34 = arith.cmpi eq, %iota3A, %eq3A_33 : vector<512x128xi32>
    %jit3A_35 = arith.constant -1.000000e+00 : f32
    %broadcast_in_dim3A_36 = vector.broadcast %jit3A_35 : f32 to vector<512x128xf32>
    %select_n3A_37 = arith.select %eq3A_34, %broadcast_in_dim3A_36, %div3A_18 : vector<512x128xi1>, vector<512x128xf32>
    %reduce_max3A_38 = arith.constant dense<0xFF800000> : vector<512xf32>
    %reduce_max3A_39 = vector.multi_reduction <maximumf>, %select_n3A_37, %reduce_max3A_38 [1] : vector<512x128xf32> to vector<512xf32>
    %broadcast_in_dim3A_40 = vector.shape_cast %reduce_max3A_39 : vector<512xf32> to vector<512x1xf32>
    %eq3A_41 = vector.broadcast %broadcast_in_dim3A_40 : vector<512x1xf32> to vector<512x128xf32>
    %eq3A_42 = arith.cmpf oeq, %select_n3A_37, %eq3A_41 : vector<512x128xf32>
    %jit3A_43 = arith.constant 128 : i32
    %broadcast_in_dim3A_44 = vector.broadcast %jit3A_43 : i32 to vector<512x128xi32>
    %select_n3A_45 = arith.select %eq3A_42, %iota3A, %broadcast_in_dim3A_44 : vector<512x128xi1>, vector<512x128xi32>
    %reduce_min3A_46 = arith.constant dense<2147483647> : vector<512xi32>
    %reduce_min3A_47 = vector.multi_reduction <minsi>, %select_n3A_45, %reduce_min3A_46 [1] : vector<512x128xi32> to vector<512xi32>
    %broadcast_in_dim3A_48 = vector.shape_cast %reduce_min3A_47 : vector<512xi32> to vector<512x1xi32>
    %eq3A_49 = vector.broadcast %broadcast_in_dim3A_48 : vector<512x1xi32> to vector<512x128xi32>
    %eq3A_50 = arith.cmpi eq, %iota3A, %eq3A_49 : vector<512x128xi32>
    %convert_element_type3A_51 = arith.extui %eq3A_50 : vector<512x128xi1> to vector<512x128xi32>
    %convert_element_type3A_52 = arith.sitofp %convert_element_type3A_51 : vector<512x128xi32> to vector<512x128xf32>
    %add3A = arith.addf %broadcast_in_dim3A_21, %broadcast_in_dim3A_40 : vector<512x1xf32>
    %div3A_53 = arith.divf %broadcast_in_dim3A_21, %add3A : vector<512x1xf32>
    %div3A_54 = arith.divf %broadcast_in_dim3A_40, %add3A : vector<512x1xf32>
    %add3A_55 = arith.addf %convert_element_type3A_32, %convert_element_type3A_52 : vector<512x128xf32>
    %iota3A_56 = tpu.iota {dimensions = array<i32: 0>} : vector<512x512xi32>
    %iota3A_57 = tpu.iota {dimensions = array<i32: 1>} : vector<512x512xi32>
    %gt3A = arith.cmpi sgt, %iota3A_56, %iota3A_57 : vector<512x512xi32>
    %convert_element_type3A_58 = arith.extui %gt3A : vector<512x512xi1> to vector<512x512xi32>
    %convert_element_type3A_59 = arith.sitofp %convert_element_type3A_58 : vector<512x512xi32> to vector<512x512xf32>
    %dot_general3A_60 = arith.constant dense<0.000000e+00> : vector<512x128xf32>
    %dot_general3A_61 = tpu.matmul %convert_element_type3A_59, %add3A_55, %dot_general3A_60 {dimension_numbers = #tpu.dot_dimension_numbers<[1], [0], [0], [1], [0, 0, 1, 1], [], []>, transpose_lhs_hint = false} : vector<512x512xf32>, vector<512x128xf32>, vector<512x128xf32> -> vector<512x128xf32>
    %get3A_62 = arith.constant 0 : index
    %get3A_63 = arith.constant 0 : index
    %get3A_64 = vector.load %arg11[%get3A_62, %get3A_63] : memref<8x128xf32, #tpu.memory_space<vmem>>, vector<1x128xf32>
    %add3A_65 = vector.broadcast %get3A_64 : vector<1x128xf32> to vector<512x128xf32>
    %add3A_66 = arith.addf %add3A_65, %dot_general3A_61 : vector<512x128xf32>
    %eq3A_67 = vector.broadcast %broadcast_in_dim3A_28 : vector<512x1xi32> to vector<512x128xi32>
    %eq3A_68 = arith.cmpi eq, %iota3A, %eq3A_67 : vector<512x128xi32>
    %jit3A_69 = arith.constant 0.000000e+00 : f32
    %broadcast_in_dim3A_70 = vector.broadcast %jit3A_69 : f32 to vector<512x128xf32>
    %select_n3A_71 = arith.select %eq3A_68, %add3A_66, %broadcast_in_dim3A_70 : vector<512x128xi1>, vector<512x128xf32>
    %reduce_sum3A_72 = arith.constant dense<0.000000e+00> : vector<512xf32>
    %reduce_sum3A_73 = vector.multi_reduction <add>, %select_n3A_71, %reduce_sum3A_72 [1] : vector<512x128xf32> to vector<512xf32>
    %broadcast_in_dim3A_74 = vector.shape_cast %reduce_sum3A_73 : vector<512xf32> to vector<512x1xf32>
    %eq3A_75 = vector.broadcast %broadcast_in_dim3A_48 : vector<512x1xi32> to vector<512x128xi32>
    %eq3A_76 = arith.cmpi eq, %iota3A, %eq3A_75 : vector<512x128xi32>
    %jit3A_77 = arith.constant 0.000000e+00 : f32
    %broadcast_in_dim3A_78 = vector.broadcast %jit3A_77 : f32 to vector<512x128xf32>
    %select_n3A_79 = arith.select %eq3A_76, %add3A_66, %broadcast_in_dim3A_78 : vector<512x128xi1>, vector<512x128xf32>
    %reduce_sum3A_80 = arith.constant dense<0.000000e+00> : vector<512xf32>
    %reduce_sum3A_81 = vector.multi_reduction <add>, %select_n3A_79, %reduce_sum3A_80 [1] : vector<512x128xf32> to vector<512xf32>
    %broadcast_in_dim3A_82 = vector.shape_cast %reduce_sum3A_81 : vector<512xf32> to vector<512x1xf32>
    %convert_element_type3A_83 = arith.fptosi %broadcast_in_dim3A_74 : vector<512x1xf32> to vector<512x1xi32>
    %convert_element_type3A_84 = arith.fptosi %broadcast_in_dim3A_82 : vector<512x1xf32> to vector<512x1xi32>
    %lt3A_85 = arith.constant 1280 : i32
    %lt3A_86 = vector.broadcast %lt3A_85 : i32 to vector<512x1xi32>
    %lt3A_87 = arith.cmpi slt, %convert_element_type3A_83, %lt3A_86 : vector<512x1xi32>
    %lt3A_88 = arith.constant 1280 : i32
    %lt3A_89 = vector.broadcast %lt3A_88 : i32 to vector<512x1xi32>
    %lt3A_90 = arith.cmpi slt, %convert_element_type3A_84, %lt3A_89 : vector<512x1xi32>
    %mul3A = arith.constant 1280 : i32
    %mul3A_91 = vector.broadcast %mul3A : i32 to vector<512x1xi32>
    %mul3A_92 = arith.muli %broadcast_in_dim3A_28, %mul3A_91 : vector<512x1xi32>
    %add3A_93 = arith.addi %mul3A_92, %convert_element_type3A_83 : vector<512x1xi32>
    %mul3A_94 = arith.constant 1280 : i32
    %mul3A_95 = vector.broadcast %mul3A_94 : i32 to vector<512x1xi32>
    %mul3A_96 = arith.muli %broadcast_in_dim3A_48, %mul3A_95 : vector<512x1xi32>
    %add3A_97 = arith.addi %mul3A_96, %convert_element_type3A_84 : vector<512x1xi32>
    %jit3A_98 = arith.constant 10240 : i32
    %broadcast_in_dim3A_99 = vector.broadcast %jit3A_98 : i32 to vector<512x1xi32>
    %select_n3A_100 = arith.select %lt3A_87, %add3A_93, %broadcast_in_dim3A_99 : vector<512x1xi1>, vector<512x1xi32>
    %jit3A_101 = arith.constant 10240 : i32
    %broadcast_in_dim3A_102 = vector.broadcast %jit3A_101 : i32 to vector<512x1xi32>
    %select_n3A_103 = arith.select %lt3A_90, %add3A_97, %broadcast_in_dim3A_102 : vector<512x1xi1>, vector<512x1xi32>
    %jit3A_104 = arith.constant 0 : i32
    %broadcast_in_dim3A_105 = vector.broadcast %jit3A_104 : i32 to vector<512x1xi32>
    %select_n3A_106 = arith.select %lt3A_87, %add3A_93, %broadcast_in_dim3A_105 : vector<512x1xi1>, vector<512x1xi32>
    %jit3A_107 = arith.constant 0 : i32
    %broadcast_in_dim3A_108 = vector.broadcast %jit3A_107 : i32 to vector<512x1xi32>
    %select_n3A_109 = arith.select %lt3A_90, %add3A_97, %broadcast_in_dim3A_108 : vector<512x1xi1>, vector<512x1xi32>
    %jit3A_110 = arith.constant 0.000000e+00 : f32
    %broadcast_in_dim3A_111 = vector.broadcast %jit3A_110 : f32 to vector<512x1xf32>
    %select_n3A_112 = arith.select %lt3A_87, %div3A_53, %broadcast_in_dim3A_111 : vector<512x1xi1>, vector<512x1xf32>
    %jit3A_113 = arith.constant 0.000000e+00 : f32
    %broadcast_in_dim3A_114 = vector.broadcast %jit3A_113 : f32 to vector<512x1xf32>
    %select_n3A_115 = arith.select %lt3A_90, %div3A_54, %broadcast_in_dim3A_114 : vector<512x1xi1>, vector<512x1xf32>
    %broadcast_in_dim3A_116 = vector.shape_cast %select_n3A_100 : vector<512x1xi32> to vector<512x1xi32>
    %broadcast_in_dim3A_117 = vector.broadcast %broadcast_in_dim3A_116 : vector<512x1xi32> to vector<512x8xi32>
    %swap3A = arith.constant 0 : index
    %swap3A_118 = arith.constant 0 : index
    %swap3A_119 = vector.load %arg3[%swap3A, %swap3A_118] : memref<512x8xi32, #tpu.memory_space<vmem>>, vector<512x8xi32>
    tpu.vector_store %arg3[%swap3A, %swap3A_118], %broadcast_in_dim3A_117 {strides = array<i32>} : memref<512x8xi32, #tpu.memory_space<vmem>>, vector<512x8xi32>,
    %broadcast_in_dim3A_120 = vector.shape_cast %select_n3A_103 : vector<512x1xi32> to vector<512x1xi32>
    %broadcast_in_dim3A_121 = vector.broadcast %broadcast_in_dim3A_120 : vector<512x1xi32> to vector<512x8xi32>
    %swap3A_122 = arith.constant 0 : index
    %swap3A_123 = arith.constant 0 : index
    %swap3A_124 = vector.load %arg4[%swap3A_122, %swap3A_123] : memref<512x8xi32, #tpu.memory_space<vmem>>, vector<512x8xi32>
    tpu.vector_store %arg4[%swap3A_122, %swap3A_123], %broadcast_in_dim3A_121 {strides = array<i32>} : memref<512x8xi32, #tpu.memory_space<vmem>>, vector<512x8xi32>,
    %broadcast_in_dim3A_125 = vector.shape_cast %select_n3A_106 : vector<512x1xi32> to vector<512x1xi32>
    %broadcast_in_dim3A_126 = vector.broadcast %broadcast_in_dim3A_125 : vector<512x1xi32> to vector<512x8xi32>
    %swap3A_127 = arith.constant 0 : index
    %swap3A_128 = arith.constant 0 : index
    %swap3A_129 = vector.load %arg5[%swap3A_127, %swap3A_128] : memref<512x8xi32, #tpu.memory_space<vmem>>, vector<512x8xi32>
    tpu.vector_store %arg5[%swap3A_127, %swap3A_128], %broadcast_in_dim3A_126 {strides = array<i32>} : memref<512x8xi32, #tpu.memory_space<vmem>>, vector<512x8xi32>,
    %broadcast_in_dim3A_130 = vector.shape_cast %select_n3A_109 : vector<512x1xi32> to vector<512x1xi32>
    %broadcast_in_dim3A_131 = vector.broadcast %broadcast_in_dim3A_130 : vector<512x1xi32> to vector<512x8xi32>
    %swap3A_132 = arith.constant 0 : index
    %swap3A_133 = arith.constant 0 : index
    %swap3A_134 = vector.load %arg6[%swap3A_132, %swap3A_133] : memref<512x8xi32, #tpu.memory_space<vmem>>, vector<512x8xi32>
    tpu.vector_store %arg6[%swap3A_132, %swap3A_133], %broadcast_in_dim3A_131 {strides = array<i32>} : memref<512x8xi32, #tpu.memory_space<vmem>>, vector<512x8xi32>,
    %broadcast_in_dim3A_135 = vector.shape_cast %select_n3A_112 : vector<512x1xf32> to vector<512x1xf32>
    %broadcast_in_dim3A_136 = vector.broadcast %broadcast_in_dim3A_135 : vector<512x1xf32> to vector<512x8xf32>
    %swap3A_137 = arith.constant 0 : index
    %swap3A_138 = arith.constant 0 : index
    %swap3A_139 = vector.load %arg7[%swap3A_137, %swap3A_138] : memref<512x8xf32, #tpu.memory_space<vmem>>, vector<512x8xf32>
    tpu.vector_store %arg7[%swap3A_137, %swap3A_138], %broadcast_in_dim3A_136 {strides = array<i32>} : memref<512x8xf32, #tpu.memory_space<vmem>>, vector<512x8xf32>,
    %broadcast_in_dim3A_140 = vector.shape_cast %select_n3A_115 : vector<512x1xf32> to vector<512x1xf32>
    %broadcast_in_dim3A_141 = vector.broadcast %broadcast_in_dim3A_140 : vector<512x1xf32> to vector<512x8xf32>
    %swap3A_142 = arith.constant 0 : index
    %swap3A_143 = arith.constant 0 : index
    %swap3A_144 = vector.load %arg8[%swap3A_142, %swap3A_143] : memref<512x8xf32, #tpu.memory_space<vmem>>, vector<512x8xf32>
    tpu.vector_store %arg8[%swap3A_142, %swap3A_143], %broadcast_in_dim3A_141 {strides = array<i32>} : memref<512x8xf32, #tpu.memory_space<vmem>>, vector<512x8xf32>,
    %reduce_sum3A_145 = arith.constant dense<0.000000e+00> : vector<128xf32>
    %reduce_sum3A_146 = vector.multi_reduction <add>, %add3A_55, %reduce_sum3A_145 [0] : vector<512x128xf32> to vector<128xf32>
    %broadcast_in_dim3A_147 = vector.shape_cast %reduce_sum3A_146 : vector<128xf32> to vector<1x128xf32>
    %add3A_148 = arith.addf %get3A_64, %broadcast_in_dim3A_147 : vector<1x128xf32>
    %swap3A_149 = arith.constant 0 : index
    %swap3A_150 = arith.constant 0 : index
    %swap3A_151 = vector.load %arg11[%swap3A_149, %swap3A_150] : memref<8x128xf32, #tpu.memory_space<vmem>>, vector<1x128xf32>
    tpu.vector_store %arg11[%swap3A_149, %swap3A_150], %add3A_148 {strides = array<i32>} : memref<8x128xf32, #tpu.memory_space<vmem>>, vector<1x128xf32>,
    %get3A_152 = arith.constant 0 : index
    %get3A_153 = arith.constant 0 : index
    %get3A_154 = vector.load %arg10[%get3A_152, %get3A_153] : memref<8x128xf32, #tpu.memory_space<vmem>>, vector<1x128xf32>
    %reduce_sum3A_155 = arith.constant dense<0.000000e+00> : vector<128xf32>
    %reduce_sum3A_156 = vector.multi_reduction <add>, %div3A_18, %reduce_sum3A_155 [0] : vector<512x128xf32> to vector<128xf32>
    %broadcast_in_dim3A_157 = vector.shape_cast %reduce_sum3A_156 : vector<128xf32> to vector<1x128xf32>
    %add3A_158 = arith.addf %get3A_154, %broadcast_in_dim3A_157 : vector<1x128xf32>
    %swap3A_159 = arith.constant 0 : index
    %swap3A_160 = arith.constant 0 : index
    %swap3A_161 = vector.load %arg10[%swap3A_159, %swap3A_160] : memref<8x128xf32, #tpu.memory_space<vmem>>, vector<1x128xf32>
    tpu.vector_store %arg10[%swap3A_159, %swap3A_160], %add3A_158 {strides = array<i32>} : memref<8x128xf32, #tpu.memory_space<vmem>>, vector<1x128xf32>,
    %eq3A_162 = arith.constant 7 : i32
    %eq3A_163 = arith.cmpi eq, %arg0, %eq3A_162 : i32
    %convert_element_type3A_164 = arith.extui %eq3A_163 : i1 to i32
    %cond3A_165 = arith.constant 0 : i32
    %cond3A_166 = arith.cmpi ne, %convert_element_type3A_164, %cond3A_165 : i32
    scf.if %cond3A_166 {
      %get3A_167 = arith.constant 0 : index
      %get3A_168 = arith.constant 0 : index
      %get3A_169 = vector.load %arg10[%get3A_167, %get3A_168] : memref<8x128xf32, #tpu.memory_space<vmem>>, vector<1x128xf32>
      %div3A_170 = arith.constant 4.096000e+03 : f32
      %div3A_171 = vector.broadcast %div3A_170 : f32 to vector<1x128xf32>
      %div3A_172 = arith.divf %get3A_169, %div3A_171 : vector<1x128xf32>
      %get3A_173 = arith.constant 0 : index
      %get3A_174 = arith.constant 0 : index
      %get3A_175 = vector.load %arg11[%get3A_173, %get3A_174] : memref<8x128xf32, #tpu.memory_space<vmem>>, vector<1x128xf32>
      %div3A_176 = arith.constant 8.192000e+03 : f32
      %div3A_177 = vector.broadcast %div3A_176 : f32 to vector<1x128xf32>
      %div3A_178 = arith.divf %get3A_175, %div3A_177 : vector<1x128xf32>
      %mul3A_179 = arith.mulf %div3A_172, %div3A_178 : vector<1x128xf32>
      %reduce_sum3A_180 = vector.shape_cast %mul3A_179 : vector<1x128xf32> to vector<1x1x128xf32>
      %reduce_sum3A_181 = arith.constant dense<0.000000e+00> : vector<1xf32>
      %reduce_sum3A_182 = vector.multi_reduction <add>, %reduce_sum3A_180, %reduce_sum3A_181 [1, 2] : vector<1x1x128xf32> to vector<1xf32>
      %reduce_sum3A_183 = vector.shape_cast %reduce_sum3A_182 : vector<1xf32> to vector<1x1x1xf32>
      %reduce_sum3A_184 = vector.extract %reduce_sum3A_183[0, 0, 0] : f32 from vector<1x1x1xf32>
      %mul3A_185 = arith.constant 8.000000e+00 : f32
      %mul3A_186 = arith.mulf %mul3A_185, %reduce_sum3A_184 : f32
      %broadcast_in_dim3A_187 = arith.constant 0.000000e+00 : f32
      %broadcast_in_dim3A_188 = vector.broadcast %broadcast_in_dim3A_187 : f32 to vector<8x128xf32>
      %add3A_189 = vector.broadcast %mul3A_186 : f32 to vector<8x128xf32>
      %add3A_190 = arith.addf %broadcast_in_dim3A_188, %add3A_189 : vector<8x128xf32>
      %swap3A_191 = arith.constant 0 : index
      %swap3A_192 = arith.constant 0 : index
      %swap3A_193 = vector.load %arg9[%swap3A_191, %swap3A_192] : memref<8x128xf32, #tpu.memory_space<vmem>>, vector<8x128xf32>
      tpu.vector_store %arg9[%swap3A_191, %swap3A_192], %add3A_190 {strides = array<i32>} : memref<8x128xf32, #tpu.memory_space<vmem>>, vector<8x128xf32>,
    } else {
    }
    return
  }
  func.func @transform_0(%arg0: i32) -> (i32, i32) {
    %c0_i32 = arith.constant 0 : i32
    %c0_i32_0 = arith.constant 0 : i32
    return %arg0, %c0_i32 : i32, i32
  }
  func.func @transform_1(%arg0: i32) -> (i32, i32) {
    %c0_i32 = arith.constant 0 : i32
    %c0_i32_0 = arith.constant 0 : i32
    %c0_i32_1 = arith.constant 0 : i32
    return %c0_i32, %c0_i32_0 : i32, i32
  }
  func.func @transform_2(%arg0: i32) -> (i32, i32) {
    %c0_i32 = arith.constant 0 : i32
    %c0_i32_0 = arith.constant 0 : i32
    return %arg0, %c0_i32 : i32, i32
  }
  func.func @transform_3(%arg0: i32) -> (i32, i32) {
    %c0_i32 = arith.constant 0 : i32
    %c0_i32_0 = arith.constant 0 : i32
    return %arg0, %c0_i32 : i32, i32
  }
  func.func @transform_4(%arg0: i32) -> (i32, i32) {
    %c0_i32 = arith.constant 0 : i32
    %c0_i32_0 = arith.constant 0 : i32
    return %arg0, %c0_i32 : i32, i32
  }
  func.func @transform_5(%arg0: i32) -> (i32, i32) {
    %c0_i32 = arith.constant 0 : i32
    %c0_i32_0 = arith.constant 0 : i32
    return %arg0, %c0_i32 : i32, i32
  }
  func.func @transform_6(%arg0: i32) -> (i32, i32) {
    %c0_i32 = arith.constant 0 : i32
    %c0_i32_0 = arith.constant 0 : i32
    return %arg0, %c0_i32 : i32, i32
  }
  func.func @transform_7(%arg0: i32) -> (i32, i32) {
    %c0_i32 = arith.constant 0 : i32
    %c0_i32_0 = arith.constant 0 : i32
    return %arg0, %c0_i32 : i32, i32
  }
  func.func @transform_8(%arg0: i32) -> (i32, i32) {
    %c0_i32 = arith.constant 0 : i32
    %c0_i32_0 = arith.constant 0 : i32
    %c0_i32_1 = arith.constant 0 : i32
    return %c0_i32, %c0_i32_0 : i32, i32
  }
}

module attributes {stable_mosaic.version = 14 : i64} {
  func.func @_ffn_body(%arg0: i32, %arg1: i32, %arg2: memref<1280x768xf32, #tpu.memory_space<vmem>>, %arg3: memref<1x768x768xbf16, #tpu.memory_space<vmem>>, %arg4: memref<8x3072xf32, #tpu.memory_space<vmem>>, %arg5: memref<1x768x768xbf16, #tpu.memory_space<vmem>>, %arg6: memref<8x768xf32, #tpu.memory_space<vmem>>, %arg7: memref<1280x768xf32, #tpu.memory_space<vmem>>) attributes {dimension_semantics = [#tpu.dimension_semantics<arbitrary>, #tpu.dimension_semantics<arbitrary>], iteration_bounds = array<i64: 8, 4>, scalar_prefetch = 0 : i64, scratch_operands = 0 : i64, tpu.core_type = #tpu.core_type<tc>, window_params = [{transform_indices = @transform_0, window_bounds = array<i64: 1280, 768>}, {transform_indices = @transform_1, window_bounds = array<i64: 1, 768, 768>}, {pipeline_mode = #tpu.pipeline_mode<synchronous>, transform_indices = @transform_2, window_bounds = array<i64: 8, 3072>}, {transform_indices = @transform_3, window_bounds = array<i64: 1, 768, 768>}, {pipeline_mode = #tpu.pipeline_mode<synchronous>, transform_indices = @transform_4, window_bounds = array<i64: 8, 768>}, {transform_indices = @transform_5, window_bounds = array<i64: 1280, 768>}]} {
    %get3A = arith.constant 0 : index
    %get3A_0 = arith.constant 0 : index
    %get3A_1 = vector.load %arg2[%get3A, %get3A_0] : memref<1280x768xf32, #tpu.memory_space<vmem>>, vector<1280x768xf32>
    %convert_element_type3A = arith.truncf %get3A_1 : vector<1280x768xf32> to vector<1280x768xbf16>
    %get3A_2 = arith.constant 0 : index
    %get3A_3 = arith.constant 0 : index
    %get3A_4 = arith.constant 0 : index
    %get3A_5 = vector.load %arg3[%get3A_2, %get3A_3, %get3A_4] : memref<1x768x768xbf16, #tpu.memory_space<vmem>>, vector<1x768x768xbf16>
    %get3A_6 = vector.shape_cast %get3A_5 : vector<1x768x768xbf16> to vector<768x768xbf16>
    %dot_general3A = arith.constant dense<0.000000e+00> : vector<1280x768xf32>
    %dot_general3A_7 = tpu.matmul %convert_element_type3A, %get3A_6, %dot_general3A {dimension_numbers = #tpu.dot_dimension_numbers<[1], [0], [0], [1], [0, 0, 1, 1], [], []>, transpose_lhs_hint = false} : vector<1280x768xbf16>, vector<768x768xbf16>, vector<1280x768xf32> -> vector<1280x768xf32>
    %mul3A = arith.constant 768 : i32
    %mul3A_8 = arith.muli %arg1, %mul3A : i32
    %get3A_9 = arith.index_cast %arg0 : i32 to index
    %get3A_10 = arith.index_cast %mul3A_8 : i32 to index
    %get3A_11 = vector.load %arg4[%get3A_9, %get3A_10] : memref<8x3072xf32, #tpu.memory_space<vmem>>, vector<1x768xf32>
    %add3A = vector.broadcast %get3A_11 : vector<1x768xf32> to vector<1280x768xf32>
    %add3A_12 = arith.addf %dot_general3A_7, %add3A : vector<1280x768xf32>
    %max3A = arith.constant 0.000000e+00 : f32
    %max3A_13 = vector.broadcast %max3A : f32 to vector<1280x768xf32>
    %max3A_14 = arith.maximumf %add3A_12, %max3A_13 : vector<1280x768xf32>
    %convert_element_type3A_15 = arith.truncf %max3A_14 : vector<1280x768xf32> to vector<1280x768xbf16>
    %get3A_16 = arith.constant 0 : index
    %get3A_17 = arith.constant 0 : index
    %get3A_18 = arith.constant 0 : index
    %get3A_19 = vector.load %arg5[%get3A_16, %get3A_17, %get3A_18] : memref<1x768x768xbf16, #tpu.memory_space<vmem>>, vector<1x768x768xbf16>
    %get3A_20 = vector.shape_cast %get3A_19 : vector<1x768x768xbf16> to vector<768x768xbf16>
    %dot_general3A_21 = arith.constant dense<0.000000e+00> : vector<1280x768xf32>
    %dot_general3A_22 = tpu.matmul %convert_element_type3A_15, %get3A_20, %dot_general3A_21 {dimension_numbers = #tpu.dot_dimension_numbers<[1], [0], [0], [1], [0, 0, 1, 1], [], []>, transpose_lhs_hint = false} : vector<1280x768xbf16>, vector<768x768xbf16>, vector<1280x768xf32> -> vector<1280x768xf32>
    %eq3A = arith.constant 0 : i32
    %eq3A_23 = arith.cmpi eq, %arg1, %eq3A : i32
    %convert_element_type3A_24 = arith.extui %eq3A_23 : i1 to i32
    %cond3A = arith.constant 0 : i32
    %cond3A_25 = arith.cmpi ne, %convert_element_type3A_24, %cond3A : i32
    scf.if %cond3A_25 {
      %get3A_30 = arith.index_cast %arg0 : i32 to index
      %get3A_31 = arith.constant 0 : index
      %get3A_32 = vector.load %arg6[%get3A_30, %get3A_31] : memref<8x768xf32, #tpu.memory_space<vmem>>, vector<1x768xf32>
      %add3A_33 = vector.broadcast %get3A_32 : vector<1x768xf32> to vector<1280x768xf32>
      %add3A_34 = arith.addf %dot_general3A_22, %add3A_33 : vector<1280x768xf32>
      %swap3A = arith.constant 0 : index
      %swap3A_35 = arith.constant 0 : index
      %swap3A_36 = vector.load %arg7[%swap3A, %swap3A_35] : memref<1280x768xf32, #tpu.memory_space<vmem>>, vector<1280x768xf32>
      tpu.vector_store %arg7[%swap3A, %swap3A_35], %add3A_34 {strides = array<i32>} : memref<1280x768xf32, #tpu.memory_space<vmem>>, vector<1280x768xf32>,
    } else {
    }
    %gt3A = arith.constant 0 : i32
    %gt3A_26 = arith.cmpi sgt, %arg1, %gt3A : i32
    %convert_element_type3A_27 = arith.extui %gt3A_26 : i1 to i32
    %cond3A_28 = arith.constant 0 : i32
    %cond3A_29 = arith.cmpi ne, %convert_element_type3A_27, %cond3A_28 : i32
    scf.if %cond3A_29 {
      %get3A_30 = arith.constant 0 : index
      %get3A_31 = arith.constant 0 : index
      %get3A_32 = vector.load %arg7[%get3A_30, %get3A_31] : memref<1280x768xf32, #tpu.memory_space<vmem>>, vector<1280x768xf32>
      %add3A_33 = arith.addf %get3A_32, %dot_general3A_22 : vector<1280x768xf32>
      %swap3A = arith.constant 0 : index
      %swap3A_34 = arith.constant 0 : index
      %swap3A_35 = vector.load %arg7[%swap3A, %swap3A_34] : memref<1280x768xf32, #tpu.memory_space<vmem>>, vector<1280x768xf32>
      tpu.vector_store %arg7[%swap3A, %swap3A_34], %add3A_33 {strides = array<i32>} : memref<1280x768xf32, #tpu.memory_space<vmem>>, vector<1280x768xf32>,
    } else {
    }
    return
  }
  func.func @transform_0(%arg0: i32, %arg1: i32) -> (i32, i32) {
    %c0_i32 = arith.constant 0 : i32
    %c0_i32_0 = arith.constant 0 : i32
    return %arg0, %c0_i32 : i32, i32
  }
  func.func @transform_1(%arg0: i32, %arg1: i32) -> (i32, i32, i32) {
    %c0_i32 = arith.constant 0 : i32
    %c0_i32_0 = arith.constant 0 : i32
    return %arg0, %c0_i32, %arg1 : i32, i32, i32
  }
  func.func @transform_2(%arg0: i32, %arg1: i32) -> (i32, i32) {
    %c0_i32 = arith.constant 0 : i32
    %c0_i32_0 = arith.constant 0 : i32
    %c0_i32_1 = arith.constant 0 : i32
    return %c0_i32, %c0_i32_0 : i32, i32
  }
  func.func @transform_3(%arg0: i32, %arg1: i32) -> (i32, i32, i32) {
    %c0_i32 = arith.constant 0 : i32
    %c0_i32_0 = arith.constant 0 : i32
    return %arg0, %arg1, %c0_i32 : i32, i32, i32
  }
  func.func @transform_4(%arg0: i32, %arg1: i32) -> (i32, i32) {
    %c0_i32 = arith.constant 0 : i32
    %c0_i32_0 = arith.constant 0 : i32
    %c0_i32_1 = arith.constant 0 : i32
    return %c0_i32, %c0_i32_0 : i32, i32
  }
  func.func @transform_5(%arg0: i32, %arg1: i32) -> (i32, i32) {
    %c0_i32 = arith.constant 0 : i32
    %c0_i32_0 = arith.constant 0 : i32
    return %arg0, %c0_i32 : i32, i32
  }
}

module attributes {stable_mosaic.version = 14 : i64} {
  func.func @_combine_body(%arg0: i32, %arg1: memref<512x768xf32, #tpu.memory_space<vmem>>, %arg2: memref<512x768xf32, #tpu.memory_space<vmem>>, %arg3: memref<512x8xf32, #tpu.memory_space<vmem>>, %arg4: memref<512x8xf32, #tpu.memory_space<vmem>>, %arg5: memref<512x768xf32, #tpu.memory_space<vmem>>) attributes {dimension_semantics = [#tpu.dimension_semantics<arbitrary>], iteration_bounds = array<i64: 8>, scalar_prefetch = 0 : i64, scratch_operands = 0 : i64, tpu.core_type = #tpu.core_type<tc>, window_params = [{transform_indices = @transform_0, window_bounds = array<i64: 512, 768>}, {transform_indices = @transform_1, window_bounds = array<i64: 512, 768>}, {transform_indices = @transform_2, window_bounds = array<i64: 512, 8>}, {transform_indices = @transform_3, window_bounds = array<i64: 512, 8>}, {transform_indices = @transform_4, window_bounds = array<i64: 512, 768>}]} {
    %get3A = arith.constant 0 : index
    %get3A_0 = arith.constant 0 : index
    %get3A_1 = vector.load %arg3[%get3A, %get3A_0] : memref<512x8xf32, #tpu.memory_space<vmem>>, vector<512x1xf32>
    %get3A_2 = arith.constant 0 : index
    %get3A_3 = arith.constant 0 : index
    %get3A_4 = vector.load %arg4[%get3A_2, %get3A_3] : memref<512x8xf32, #tpu.memory_space<vmem>>, vector<512x1xf32>
    %get3A_5 = arith.constant 0 : index
    %get3A_6 = arith.constant 0 : index
    %get3A_7 = vector.load %arg1[%get3A_5, %get3A_6] : memref<512x768xf32, #tpu.memory_space<vmem>>, vector<512x768xf32>
    %mul3A = vector.broadcast %get3A_1 : vector<512x1xf32> to vector<512x768xf32>
    %mul3A_8 = arith.mulf %mul3A, %get3A_7 : vector<512x768xf32>
    %get3A_9 = arith.constant 0 : index
    %get3A_10 = arith.constant 0 : index
    %get3A_11 = vector.load %arg2[%get3A_9, %get3A_10] : memref<512x768xf32, #tpu.memory_space<vmem>>, vector<512x768xf32>
    %mul3A_12 = vector.broadcast %get3A_4 : vector<512x1xf32> to vector<512x768xf32>
    %mul3A_13 = arith.mulf %mul3A_12, %get3A_11 : vector<512x768xf32>
    %add3A = arith.addf %mul3A_8, %mul3A_13 : vector<512x768xf32>
    %swap3A = arith.constant 0 : index
    %swap3A_14 = arith.constant 0 : index
    %swap3A_15 = vector.load %arg5[%swap3A, %swap3A_14] : memref<512x768xf32, #tpu.memory_space<vmem>>, vector<512x768xf32>
    tpu.vector_store %arg5[%swap3A, %swap3A_14], %add3A {strides = array<i32>} : memref<512x768xf32, #tpu.memory_space<vmem>>, vector<512x768xf32>,
    return
  }
  func.func @transform_0(%arg0: i32) -> (i32, i32) {
    %c0_i32 = arith.constant 0 : i32
    %c0_i32_0 = arith.constant 0 : i32
    return %arg0, %c0_i32 : i32, i32
  }
  func.func @transform_1(%arg0: i32) -> (i32, i32) {
    %c0_i32 = arith.constant 0 : i32
    %c0_i32_0 = arith.constant 0 : i32
    return %arg0, %c0_i32 : i32, i32
  }
  func.func @transform_2(%arg0: i32) -> (i32, i32) {
    %c0_i32 = arith.constant 0 : i32
    %c0_i32_0 = arith.constant 0 : i32
    return %arg0, %c0_i32 : i32, i32
  }
  func.func @transform_3(%arg0: i32) -> (i32, i32) {
    %c0_i32 = arith.constant 0 : i32
    %c0_i32_0 = arith.constant 0 : i32
    return %arg0, %c0_i32 : i32, i32
  }
  func.func @transform_4(%arg0: i32) -> (i32, i32) {
    %c0_i32 = arith.constant 0 : i32
    %c0_i32_0 = arith.constant 0 : i32
    return %arg0, %c0_i32 : i32, i32
  }
}

</mosaic_0001>

<sc_bundles>
// kernel: kernel.11.cloned.1.call-start
scs
__scs_entry_jumppad:
0x0: {  	(pc) =	sbr.rel $0x88, $3  }
0x1: {  	(tag) =	ssettag $0x0;
	lr =	simm.s32 $0x1  }
0x2: {  	[smem:$0x3F9B] =	sst lr;
	_ =	strace $0xD0000000  }
0x3: {  	_ = 	snop  }
0x4: {  	_ = 	snop  }
0x5: {  	_ = 	snop  }
0x6: {  	_ = 	snop  }
0x7: {  	_ = 	snop  }
__scs_overlays_trampoline_lowered:
0x8: {  	[smem:$0x3FAA] =	sst s0  }
0x9: {  	[smem:$0x3FAB] =	sst s1  }
0xa: {  	[smem:$0x3FAC] =	sst s2  }
0xb: {  	[smem:$0x3FAD] =	sst s3  }
0xc: {  	[smem:$0x3FAE] =	sst s4  }
0xd: {  	[smem:$0x3FAF] =	sst s5  }
0xe: {  	[smem:$0x3FB0] =	sst s6  }
0xf: {  	[smem:$0x3FB1] =	sst s7  }
0x10: {  	[smem:$0x3FB2] =	sst s8  }
0x11: {  	[smem:$0x3FB3] =	sst s9;
	s0 =	simm.s32 @!p0 $0x0  }
0x12: {  	s1 =	sld [smem:$0x3F99];
	s0 =	simm.s32 @p0 $0x1  }
0x13: {  	[smem:$0x3FB4] =	sst s0;
	s0 =	simm.s32 @!p1 $0x0  }
0x14: {  	s2 =	sld [smem:$0x3F98];
	s0 =	simm.s32 @p1 $0x1  }
0x15: {  	[smem:$0x3FB5] =	sst s0;
	s0 =	simm.s32 @!p2 $0x0  }
0x16: {  	s3 =	sld [smem:$0x3FDB];
	s0 =	simm.s32 @p2 $0x1  }
0x17: {  	s4 =	simm.s32 $0x1BF5;
	[smem:$0x3FB7] =	sst s0  }
0x18: {  	s0 =	sld [smem:$0x3F9A];
	_ =	swait.ge [sflag:s4], $0x0  }
0x19: {  	s7 =	sld [smem:$0x3F9B]  }
0x1a: {  	s8 =	sadd.s32 $0xFFFFE003, lr  }
0x1b: {  	s9 =	sadd.s32 $0xFFFFFEF7, lr;
	s5 =	simm.s32 $0xFFFFFFFF;
	p2 =	slt.u32 s8, $0xFFFFF086  }
0x1c: {  	p1 =	slt.u32 s9, $0xF7A;
	s5 =	simm.s32 @!p2 $0x0  }
0x1d: {  	s5 =	simm.s32 @p1 $0x1;
	p0 =	seq.s32 s7, s2  }
0x1e: {  	s7 =	smul.u32 @!p0 $0xF7A, s2;
	p2 =	seq.s32 @!p0 s5, $0x0  }
0x1f: {  	s9 =	smul.u32 $0xF7A, s1;
	s8 =	simm.s32 @!p0 $0x1BF5;
	p2 =	por !p2, p0  }
0x20: {  	[sflag:s8] =	ssyncset.s32 @!p0 $0xFFFFF086;
	s6 =	sadd.s32 @!p0 s3, s7;
	s7 =	simm.s32 @!p0 $0x108  }
0x21: {  	s3 =	sadd.s32 s3, s9;
	s6 =	sadd.s32 @!p0 $0x88, s6;
	s7 =	simm.s32 @p2 $0x1082  }
0x22: {  	[simem:s7], [sflag:s8] =	dma.local @!p0 [hbm:s6], $0xF7A  }
0x23: {  	s9 =	sor.u32 $0xD0000000, s2;
	s6 =	simm.s32 $0x108;
	_ =	swait.ge @!p0 [sflag:s8], $0x0  }
0x24: {  	s3 =	sadd.s32 $0x88, s3;
	s6 =	simm.s32 @!p1 $0x1082;
	[sflag:s4] =	ssyncset.s32 $0xFFFFF086  }
0x25: {  	[simem:s6], [sflag:s4] =	dma.local [hbm:s3], $0xF7A  }
0x26: {  	[smem:$0x3F9B] =	sst s1;
	(tag) =	ssettag s2;
	_ =	strace s9  }
0x27: {  	s1 =	sld [smem:$0x3FAB]  }
0x28: {  	s2 =	sld [smem:$0x3FAC]  }
0x29: {  	s4 =	sld [smem:$0x3FAE]  }
0x2a: {  	p0 =	seq.s32 s5, $0x0;
	s5 =	sld [smem:$0x3FAF]  }
0x2b: {  	s6 =	sld [smem:$0x3FB0]  }
0x2c: {  	s7 =	sld [smem:$0x3FB1]  }
0x2d: {  	s3 =	simm.s32 $0x108;
	s8 =	sld [smem:$0x3FB2]  }
0x2e: {  	s3 =	simm.s32 @!p0 $0x1082;
	s9 =	sld [smem:$0x3FB3]  }
0x2f: {  	lr =	sadd.s32 s0, s3;
	s0 =	sld [smem:$0x3FAA]  }
0x30: {  	s3 =	sld [smem:$0x3FAD]  }
0x31: {  	[smem:$0x3FB6] =	sst s10  }
0x32: {  	s10 =	sld [smem:$0x3FB4];
	_ =	sdelay $0x3  }
0x33: {  	p0 =	seq.s32 s10, $0x1;
	s10 =	sld [smem:$0x3FB6];
	_ =	sdelay $0x3  }
0x34: {  	[smem:$0x3FB6] =	sst s10  }
0x35: {  	s10 =	sld [smem:$0x3FB5];
	_ =	sdelay $0x3  }
0x36: {  	p1 =	seq.s32 s10, $0x1;
	s10 =	sld [smem:$0x3FB6];
	_ =	sdelay $0x3  }
0x37: {  	[smem:$0x3FB6] =	sst s10  }
0x38: {  	s10 =	sld [smem:$0x3FB7]  }
0x39: {  	_ = 	snop;
	(pc) =	sbr.ind lr, $3  }
0x3a: {  	_ = 	snop  }
0x3b: {  	_ = 	snop  }
0x3c: {  	p2 =	seq.s32 s10, $0x1;
	s10 =	sld [smem:$0x3FB6]  }
0x3d: {  	_ =	shalt  }
0x3e: {  	_ =	shalt  }
0x3f: {  	_ =	shalt  }
0x40: {  	_ =	shalt  }
0x41: {  	_ =	shalt  }
0x42: {  	_ =	shalt  }
0x43: {  	_ =	shalt  }
0x44: {  	_ =	shalt  }
0x45: {  	_ =	shalt  }
0x46: {  	_ =	shalt  }
0x47: {  	_ =	shalt  }
0x48: {  	_ =	shalt  }
0x49: {  	_ =	shalt  }
0x4a: {  	_ =	shalt  }
0x4b: {  	_ =	shalt  }
0x4c: {  	_ =	shalt  }
0x4d: {  	_ =	shalt  }
0x4e: {  	_ =	shalt  }
0x4f: {  	_ =	shalt  }
0x50: {  	_ =	shalt  }
0x51: {  	_ =	shalt  }
0x52: {  	_ =	shalt  }
0x53: {  	_ =	shalt  }
0x54: {  	_ =	shalt  }
0x55: {  	_ =	shalt  }
0x56: {  	_ =	shalt  }
0x57: {  	_ =	shalt  }
0x58: {  	_ =	shalt  }
0x59: {  	_ =	shalt  }
0x5a: {  	_ =	shalt  }
0x5b: {  	_ =	shalt  }
0x5c: {  	_ =	shalt  }
0x5d: {  	_ =	shalt  }
0x5e: {  	_ =	shalt  }
0x5f: {  	_ =	shalt  }
0x60: {  	_ =	shalt  }
0x61: {  	_ =	shalt  }
0x62: {  	_ =	shalt  }
0x63: {  	_ =	shalt  }
0x64: {  	_ =	shalt  }
0x65: {  	_ =	shalt  }
0x66: {  	_ =	shalt  }
0x67: {  	_ =	shalt  }
0x68: {  	_ =	shalt  }
0x69: {  	_ =	shalt  }
0x6a: {  	_ =	shalt  }
0x6b: {  	_ =	shalt  }
0x6c: {  	_ =	shalt  }
0x6d: {  	_ =	shalt  }
0x6e: {  	_ =	shalt  }
0x6f: {  	_ =	shalt  }
0x70: {  	_ =	shalt  }
0x71: {  	_ =	shalt  }
0x72: {  	_ =	shalt  }
0x73: {  	_ =	shalt  }
0x74: {  	_ =	shalt  }
0x75: {  	_ =	shalt  }
0x76: {  	_ =	shalt  }
0x77: {  	_ =	shalt  }
0x78: {  	_ =	shalt  }
0x79: {  	_ =	shalt  }
0x7a: {  	_ =	shalt  }
0x7b: {  	_ =	shalt  }
0x7c: {  	_ =	shalt  }
0x7d: {  	_ =	shalt  }
0x7e: {  	_ =	shalt  }
0x7f: {  	_ =	shalt  }
0x80: {  	_ =	shalt  }
0x81: {  	_ =	shalt  }
0x82: {  	_ =	shalt  }
0x83: {  	_ =	shalt  }
0x84: {  	_ =	shalt  }
0x85: {  	_ =	shalt  }
0x86: {  	_ =	shalt  }
0x87: {  	_ =	shalt  }
.Lfunc_end0:
.L_simem_size_0:
called_computation.1_lowered:
.L_overlay_start_0:
0x88: {  	s2 =	sld [smem:$0x3FD9]  }
0x89: {  	s3 =	sld [smem:$0x3FFE];
	_ =	sdelay $0x1  }
0x8a: {  	s1 =	srdreg.scid  }
0x8b: {  	s0 =	sand.u32 $0x1, s1  }
0x8c: {  	s14 =	sshll.u32 s0, $0xA;
	s2 =	sadd.s32 s3, s2  }
0x8d: {  	s2 =	sadd.s32 s2, s14  }
0x8e: {  	[smem:$0x3FC2] =	sst s2  }
0x8f: {  	_ = 	snop  }
0x90: {  	s2 =	sld [smem:$0x3FD0];
	_ =	sdelay $0x2  }
0x91: {  	s4 =	simm.s32 $0xA;
	s5 =	simm.s32 $0x10;
	s15 =	sld [smem:$0x3FC9]  }
0x92: {  	[smem:s5], [sflag:s4] =	dma.local [hbm:s2], $0x1  }
0x93: {  	_ =	swait.eq [sflag:s4], $0x1  }
0x94: {  	[sflag:s4] =	ssyncset.done $0x0  }
0x95: {  	[sflag:s4] =	ssyncadd.s32 $0xFFFFFFFF  }
0x96: {  	s16 =	sld [smem:$0x10];
	(tm) =	ssettm $0x1  }
0x97: {  	s17 =	sld [smem:$0x3FFB];
	_ =	sdelay $0x3  }
0x98: {  	_ =	strace s17  }
0x99: {  	s4 =	sld [smem:$0x3FFC];
	_ =	sdelay $0x3  }
0x9a: {  	_ =	strace s4  }
0x9b: {  	s4 =	sld [smem:$0x3FFD];
	_ =	sdelay $0x3  }
0x9c: {  	_ =	strace s4  }
0x9d: {  	_ =	strace $0x8FFFFFFF  }
0x9e: {  	s18 =	sld [smem:$0x3FDB];
	_ =	sdelay $0x1  }
0x9f: {  	s19 =	simm.s32 $_scs_section_size  }
0xa0: {  	s6 =	simm.s32 $_size__tile_overlayer_lowered;
	s7 =	simm.s32 $_tile_overlayer_lowered  }
0xa1: {  	s22 =	simm.s32 $0x1BFF;
	s21 =	sshll.u32 s7, $0x1;
	s4 =	sadd.s32 s19, s18  }
0xa2: {  	s8 =	simm.s32 $0x0;
	s20 =	sshll.u32 s6, $0x1;
	s6 =	sadd.s32 s21, s4  }
0xa3: {  	[timem:s8], [sflag:s22] =	dma.local [hbm:s6], s20  }
0xa4: {  	_ =	swait.ge [sflag:s22], s20  }
0xa5: {  	s5 =	ssub.s32 $0x0, s20;
	[sflag:s22] =	ssyncset.done $0x0  }
0xa6: {  	[sflag:s22] =	ssyncadd.s32 s5;
	_ =	sdelay $0x1  }
0xa7: {  	s23 =	simm.s32 $0x1B8B  }
0xa8: {  	_ =	swait.ge [sflag:s23], $0x1  }
0xa9: {  	[sflag:s23] =	ssyncset.done $0x0  }
0xaa: {  	s25 =	simm.s32 $0x1B8E;
	s24 =	sld [smem:$0x3FFE];
	[sflag:s23] =	ssyncadd.s32 $0xFFFFFFFF  }
0xab: {  	s26 =	simm.s32 $execute0_lowered;
	[smem:$0x3FD2] =	sst s25  }
0xac: {  	s6 =	sshll.u32 s26, $0x1;
	_ =	strace $0x80000049;
	[dreg:$0x1] =	wrdreg $0xFFFFFFFF  }
0xad: {  	s28 =	simm.s32 $_size_execute0_lowered;
	s4 =	sadd.s32 s4, s6;
	[dreg:$0x0] =	wrdreg $0x0  }
0xae: {  	s6 =	sshll.u32 s28, $0x1;
	[dreg:$0x2] =	wrdreg s4  }
0xaf: {  	[dreg:$0x3] =	wrdreg s6  }
0xb0: {  	[dreg:$0x4] =	wrdreg $0xC0  }
0xb1: {  	_ =	task [dreg:s8], $0x5FFFF  }
0xb2: {  	[dreg:$0x1] =	wrdreg $0xFFFFFFFF  }
0xb3: {  	[dreg:$0x0] =	wrdreg $0x60  }
0xb4: {  	[dreg:$0x2] =	wrdreg s15  }
0xb5: {  	[dreg:$0x3] =	wrdreg s16  }
0xb6: {  	[dreg:$0x4] =	wrdreg s24  }
0xb7: {  	[dreg:$0x5] =	wrdreg $0x9  }
0xb8: {  	_ =	task.clear_ibuf [dreg:s8], $0x6FFFF;
	_ =	strace $0x90000049  }
0xb9: {  	s29 =	simm.s32 $0x9;
	_ =	strace $0x8000004B  }
0xba: {  	_ =	swait.ge [sflag:s29], $0x1  }
0xbb: {  	[sflag:s29] =	ssyncadd.s32 $0xFFFFFFFF  }
0xbc: {  	_ =	strace $0x9000004B  }
0xbd: {  	_ =	sfence  }
0xbe: {  	s30 =	sld [smem:$0x0];
	_ =	sdelay $0x2  }
0xbf: {  	s31 =	sshll.u32 s1, $0xD;
	s1 =	sshrl.u32 s1, $0x2  }
0xc0: {  	s3 =	sand.u32 $0x4000, s31;
	s1 =	sadd.s32 s1, s30  }
0xc1: {  	s0 =	sor.u32 s3, s0;
	s1 =	sshll.u32 s1, $0x11  }
0xc2: {  	s0 =	sor.u32 s1, s0  }
0xc3: {  	s0 =	sadd.s32 $0x8F2B, s0  }
0xc4: {  	[sflag:s0] =	ssyncadd.remote.s32 $0x1  }
0xc5: {  	_ =	sfence.sel $0xFFFF  }
0xc6: {  	[dreg:$0x0] =	wrdreg $0xFFFFFFFF;
	(pc) =	sbr.abs _section_cstart, $3  }
0xc7: {  	[dreg:$0x1] =	wrdreg $0xFFFFFFFF  }
0xc8: {  	_ =	task.clear_ibuf [dreg:s8], $0x2FFFF;
	_ =	strace $0x9FFFFFFF  }
0xc9: {  	(tm) =	ssettm $0x7FFFFFFF  }
tec
execute0_lowered:
.L_overlay_start_1:
0x0: {  	(tag) =	ssettag $0x1  }
0x1: {  	s0 =	srdreg.scid;
	s2 =	rddreg [dreg:$0x0]  }
0x2: {  	s1 =	stileid.u32;
	s4 =	rddreg [dreg:$0x1]  }
0x3: {  	s5 =	rddreg [dreg:$0x2];
	s3 =	simm.s32 $0x0;
	s7 =	simm.s32 $0x3  }
0x4: {  	s10 =	simm.s32 $0x180;
	s12 =	simm.s32 $0xD980;
	s13 =	simm.s32 $0xE180  }
0x5: {  	s14 =	simm.s32 $0xE980;
	s0 =	sand.u32 $0x1, s0;
	s1 =	sshll.u32 s1, $0x1  }
0x6: {  	s15 =	simm.s32 $0xF180;
	s16 =	simm.s32 $0xF980;
	s1 =	sor.u32 s0, s1  }
0x7: {  	s17 =	simm.s32 $0x10180;
	s18 =	simm.s32 $0x10980;
	s1 =	smul.u32 $0x140, s1  }
0x8: {  	s19 =	simm.s32 $0x11180;
	s20 =	simm.s32 $0x11980;
	s28 =	simm.s32 $0x15180  }
0x9: {  	s29 =	simm.s32 $0x15980;
	s30 =	simm.s32 $0x16180;
	s1 =	sshrl.u32 s1, $0x3  }
0xa: {  	[smem:$0x7FF] =	sst s3;
	s0 =	ssub.s32 $0x2, s0;
	s6 =	smul.u32 $0x300, s1  }
0xb: {  	s31 =	simm.s32 $0x16980;
	_ =	strace $0x8000004A;
	s23 =	sshrl.u32 s0, $0x1  }
0xc: {  	s0 =	ssub.s32 s0, s23;
	s1 =	sadd.s32 s4, s1;
	s5 =	sadd.s32 s6, s5  }
0xd: {  	s23 =	simm.s32 $0x13180;
	[dreg:$0x4] =	wrdreg s1;
	s21 =	sadd.s32 $0x21200, s5  }
0xe: {  	s4 =	sadd.s32 $0x100, s2;
	s22 =	sadd.s32 $0x22A00, s5;
	[dreg:$0x5] =	wrdreg s21  }
0xf: {  	s1 =	simm.s32 $0x1;
	s24 =	sadd.s32 $0x24200, s5;
	[dreg:$0x6] =	wrdreg s22  }
0x10: {  	s6 =	smax.u32 s0, $0x1;
	s25 =	sadd.s32 $0x25A00, s5;
	[dreg:$0x7] =	wrdreg s24  }
0x11: {  	v2 =	vlaneseq.u32;
	s26 =	sadd.s32 $0x27200, s5;
	s5 =	sadd.s32 $0x200, s2;
	[dreg:$0x8] =	wrdreg s25  }
0x12: {  	vm0 =	vmmov $0xffff;
	v1 =	vshrl.u32 v2, $0x3;
	[dreg:$0x9] =	wrdreg s26;
	s21 =	simm.s32 $0x12180;
	s22 =	simm.s32 $0x12980  }
0x13: {  	v0 =	vand.u32 $0x7, v2;
	v2 =	vor.u32 $0x8, v2;
	v1 =	vmul.u32 $0x8, v1;
	s24 =	simm.s32 $0x13980;
	s25 =	simm.s32 $0x14180;
	s26 =	simm.s32 $0x14980  }
.LBB2_1:
0x14: {  	s11 =	rddreg [dreg:$0x4]  }
0x15: {  	[tilespmem:s3], [sflag:$0x3] =	stream.linear.gather [hbm4b:s11+s3], $0x140, $0x38;
	[tilespmem:$0x18180] =	vst v63  }
0x16: {  	_ =	swait.ge [sflag:s7], $0x140  }
0x17: {  	[sflag:s7] =	ssyncset.done $0x0  }
0x18: {  	[sflag:s7] =	ssyncadd.s32 $0xFFFFFEC0  }
0x19: {  	v3 =	vld [tilespmem:$0x0];
	_ =	sdelay $0x4  }
0x1a: {  	v4 =	vshrl.u32 v3, $0x3  }
0x1b: {  	v4 =	vmul.u32 $0x30, v4  }
0x1c: {  	v3 =	vand.u32 $0x7, v3  }
0x1d: {  	v3 =	vor.u32 v3, v4  }
0x1e: {  	v4 =	vperm.xlane v3, v0;
	_ =	sdelay $0x1  }
0x1f: {  	v4 =	vadd.s32 v1, v4;
	_ =	sdelay $0x3  }
0x20: {  	v3 =	vperm.xlane v3, v2  }
0x21: {  	[tilespmem:s10], [sflag:$0x1] =	stream.indirect_vreg.gather [hbm4b:s2+s3], $0x80, v4, vm0, $0xb8;
	[tilespmem:$0x18180] =	vst v63  }
0x22: {  	s0 =	simm.s32 $0x980;
	v3 =	vadd.s32 v1, v3  }
0x23: {  	[tilespmem:s0], [sflag:$0x1] =	stream.indirect_vreg.gather [hbm4b:s4+s3], $0x80, v4, vm0, $0xb8;
	[tilespmem:$0x18180] =	vst v63  }
0x24: {  	s8 =	simm.s32 $0x1180  }
0x25: {  	[tilespmem:s8], [sflag:$0x1] =	stream.indirect_vreg.gather [hbm4b:s5+s3], $0x80, v4, vm0, $0xb8;
	[tilespmem:$0x18180] =	vst v63  }
0x26: {  	s9 =	simm.s32 $0x1980  }
0x27: {  	[tilespmem:s9], [sflag:$0x1] =	stream.indirect_vreg.gather [hbm4b:s2+s3], $0x80, v3, vm0, $0xb8;
	[tilespmem:$0x18180] =	vst v63  }
0x28: {  	s11 =	simm.s32 $0x2180  }
0x29: {  	[tilespmem:s11], [sflag:$0x1] =	stream.indirect_vreg.gather [hbm4b:s4+s3], $0x80, v3, vm0, $0xb8;
	[tilespmem:$0x18180] =	vst v63  }
0x2a: {  	s8 =	simm.s32 $0x2980  }
0x2b: {  	[tilespmem:s8], [sflag:$0x1] =	stream.indirect_vreg.gather [hbm4b:s5+s3], $0x80, v3, vm0, $0xb8;
	[tilespmem:$0x18180] =	vst v63  }
0x2c: {  	v3 =	vld [tilespmem:$0x10];
	_ =	sdelay $0x4  }
0x2d: {  	v45 =	vshrl.u32 v3, $0x3  }
0x2e: {  	v4 =	vmul.u32 $0x30, v45  }
0x2f: {  	v3 =	vand.u32 $0x7, v3  }
0x30: {  	v3 =	vor.u32 v3, v4  }
0x31: {  	v4 =	vperm.xlane v3, v0;
	_ =	sdelay $0x1  }
0x32: {  	v4 =	vadd.s32 v1, v4;
	_ =	sdelay $0x3  }
0x33: {  	s9 =	simm.s32 $0x3180;
	v3 =	vperm.xlane v3, v2  }
0x34: {  	[tilespmem:s9], [sflag:$0x1] =	stream.indirect_vreg.gather [hbm4b:s2+s3], $0x80, v4, vm0, $0xb8;
	[tilespmem:$0x18180] =	vst v63  }
0x35: {  	s11 =	simm.s32 $0x3980;
	v3 =	vadd.s32 v1, v3  }
0x36: {  	[tilespmem:s11], [sflag:$0x1] =	stream.indirect_vreg.gather [hbm4b:s4+s3], $0x80, v4, vm0, $0xb8;
	[tilespmem:$0x18180] =	vst v63  }
0x37: {  	s8 =	simm.s32 $0x4180  }
0x38: {  	[tilespmem:s8], [sflag:$0x1] =	stream.indirect_vreg.gather [hbm4b:s5+s3], $0x80, v4, vm0, $0xb8;
	[tilespmem:$0x18180] =	vst v63  }
0x39: {  	s9 =	simm.s32 $0x4980  }
0x3a: {  	[tilespmem:s9], [sflag:$0x1] =	stream.indirect_vreg.gather [hbm4b:s2+s3], $0x80, v3, vm0, $0xb8;
	[tilespmem:$0x18180] =	vst v63  }
0x3b: {  	s11 =	simm.s32 $0x5180  }
0x3c: {  	[tilespmem:s11], [sflag:$0x1] =	stream.indirect_vreg.gather [hbm4b:s4+s3], $0x80, v3, vm0, $0xb8;
	[tilespmem:$0x18180] =	vst v63  }
0x3d: {  	s8 =	simm.s32 $0x5980  }
0x3e: {  	[tilespmem:s8], [sflag:$0x1] =	stream.indirect_vreg.gather [hbm4b:s5+s3], $0x80, v3, vm0, $0xb8;
	[tilespmem:$0x18180] =	vst v63  }
0x3f: {  	v3 =	vld [tilespmem:$0x20];
	_ =	sdelay $0x4  }
0x40: {  	v46 =	vshrl.u32 v3, $0x3  }
0x41: {  	v4 =	vmul.u32 $0x30, v46  }
0x42: {  	v3 =	vand.u32 $0x7, v3  }
0x43: {  	v3 =	vor.u32 v3, v4  }
0x44: {  	v4 =	vperm.xlane v3, v0;
	_ =	sdelay $0x1  }
0x45: {  	v4 =	vadd.s32 v1, v4;
	_ =	sdelay $0x3  }
0x46: {  	s9 =	simm.s32 $0x6180;
	v3 =	vperm.xlane v3, v2  }
0x47: {  	[tilespmem:s9], [sflag:$0x1] =	stream.indirect_vreg.gather [hbm4b:s2+s3], $0x80, v4, vm0, $0xb8;
	[tilespmem:$0x18180] =	vst v63  }
0x48: {  	s11 =	simm.s32 $0x6980;
	v3 =	vadd.s32 v1, v3  }
0x49: {  	[tilespmem:s11], [sflag:$0x1] =	stream.indirect_vreg.gather [hbm4b:s4+s3], $0x80, v4, vm0, $0xb8;
	[tilespmem:$0x18180] =	vst v63  }
0x4a: {  	s8 =	simm.s32 $0x7180  }
0x4b: {  	[tilespmem:s8], [sflag:$0x1] =	stream.indirect_vreg.gather [hbm4b:s5+s3], $0x80, v4, vm0, $0xb8;
	[tilespmem:$0x18180] =	vst v63  }
0x4c: {  	s9 =	simm.s32 $0x7980  }
0x4d: {  	[tilespmem:s9], [sflag:$0x1] =	stream.indirect_vreg.gather [hbm4b:s2+s3], $0x80, v3, vm0, $0xb8;
	[tilespmem:$0x18180] =	vst v63  }
0x4e: {  	s11 =	simm.s32 $0x8180  }
0x4f: {  	[tilespmem:s11], [sflag:$0x1] =	stream.indirect_vreg.gather [hbm4b:s4+s3], $0x80, v3, vm0, $0xb8;
	[tilespmem:$0x18180] =	vst v63  }
0x50: {  	s8 =	simm.s32 $0x8980  }
0x51: {  	[tilespmem:s8], [sflag:$0x1] =	stream.indirect_vreg.gather [hbm4b:s5+s3], $0x80, v3, vm0, $0xb8;
	[tilespmem:$0x18180] =	vst v63  }
0x52: {  	v3 =	vld [tilespmem:$0x30];
	_ =	sdelay $0x4  }
0x53: {  	v47 =	vshrl.u32 v3, $0x3  }
0x54: {  	v4 =	vmul.u32 $0x30, v47  }
0x55: {  	v3 =	vand.u32 $0x7, v3  }
0x56: {  	v3 =	vor.u32 v3, v4  }
0x57: {  	v4 =	vperm.xlane v3, v0;
	_ =	sdelay $0x1  }
0x58: {  	v4 =	vadd.s32 v1, v4;
	_ =	sdelay $0x3  }
0x59: {  	s9 =	simm.s32 $0x9180;
	v3 =	vperm.xlane v3, v2  }
0x5a: {  	[tilespmem:s9], [sflag:$0x1] =	stream.indirect_vreg.gather [hbm4b:s2+s3], $0x80, v4, vm0, $0xb8;
	[tilespmem:$0x18180] =	vst v63  }
0x5b: {  	s11 =	simm.s32 $0x9980;
	v3 =	vadd.s32 v1, v3  }
0x5c: {  	[tilespmem:s11], [sflag:$0x1] =	stream.indirect_vreg.gather [hbm4b:s4+s3], $0x80, v4, vm0, $0xb8;
	[tilespmem:$0x18180] =	vst v63  }
0x5d: {  	s8 =	simm.s32 $0xA180  }
0x5e: {  	[tilespmem:s8], [sflag:$0x1] =	stream.indirect_vreg.gather [hbm4b:s5+s3], $0x80, v4, vm0, $0xb8;
	[tilespmem:$0x18180] =	vst v63  }
0x5f: {  	s9 =	simm.s32 $0xA980  }
0x60: {  	[tilespmem:s9], [sflag:$0x1] =	stream.indirect_vreg.gather [hbm4b:s2+s3], $0x80, v3, vm0, $0xb8;
	[tilespmem:$0x18180] =	vst v63  }
0x61: {  	s11 =	simm.s32 $0xB180  }
0x62: {  	[tilespmem:s11], [sflag:$0x1] =	stream.indirect_vreg.gather [hbm4b:s4+s3], $0x80, v3, vm0, $0xb8;
	[tilespmem:$0x18180] =	vst v63  }
0x63: {  	s8 =	simm.s32 $0xB980  }
0x64: {  	[tilespmem:s8], [sflag:$0x1] =	stream.indirect_vreg.gather [hbm4b:s5+s3], $0x80, v3, vm0, $0xb8;
	[tilespmem:$0x18180] =	vst v63  }
0x65: {  	v3 =	vld [tilespmem:$0x40];
	_ =	sdelay $0x4  }
0x66: {  	v48 =	vshrl.u32 v3, $0x3  }
0x67: {  	v4 =	vmul.u32 $0x30, v48  }
0x68: {  	v3 =	vand.u32 $0x7, v3  }
0x69: {  	v3 =	vor.u32 v3, v4  }
0x6a: {  	v4 =	vperm.xlane v3, v0;
	_ =	sdelay $0x1  }
0x6b: {  	v4 =	vadd.s32 v1, v4;
	_ =	sdelay $0x3  }
0x6c: {  	s9 =	simm.s32 $0xC180;
	v3 =	vperm.xlane v3, v2  }
0x6d: {  	[tilespmem:s9], [sflag:$0x2] =	stream.indirect_vreg.gather [hbm4b:s2+s3], $0x80, v4, vm0, $0xb8;
	[tilespmem:$0x18180] =	vst v63  }
0x6e: {  	s8 =	simm.s32 $0xC980;
	v3 =	vadd.s32 v1, v3  }
0x6f: {  	[tilespmem:s8], [sflag:$0x2] =	stream.indirect_vreg.gather [hbm4b:s4+s3], $0x80, v4, vm0, $0xb8;
	[tilespmem:$0x18180] =	vst v63  }
0x70: {  	s11 =	simm.s32 $0xD180  }
0x71: {  	[tilespmem:s11], [sflag:$0x2] =	stream.indirect_vreg.gather [hbm4b:s5+s3], $0x80, v4, vm0, $0xb8;
	[tilespmem:$0x18180] =	vst v63  }
0x72: {  	_ = 	snop  }
0x73: {  	[tilespmem:s12], [sflag:$0x2] =	stream.indirect_vreg.gather [hbm4b:s2+s3], $0x80, v3, vm0, $0xb8;
	[tilespmem:$0x18180] =	vst v63  }
0x74: {  	_ = 	snop  }
0x75: {  	[tilespmem:s13], [sflag:$0x2] =	stream.indirect_vreg.gather [hbm4b:s4+s3], $0x80, v3, vm0, $0xb8;
	[tilespmem:$0x18180] =	vst v63  }
0x76: {  	_ = 	snop  }
0x77: {  	[tilespmem:s14], [sflag:$0x2] =	stream.indirect_vreg.gather [hbm4b:s5+s3], $0x80, v3, vm0, $0xb8;
	[tilespmem:$0x18180] =	vst v63  }
0x78: {  	v3 =	vld [tilespmem:$0x50];
	_ =	sdelay $0x4  }
0x79: {  	v49 =	vshrl.u32 v3, $0x3  }
0x7a: {  	v4 =	vmul.u32 $0x30, v49  }
0x7b: {  	v3 =	vand.u32 $0x7, v3  }
0x7c: {  	v3 =	vor.u32 v3, v4  }
0x7d: {  	v4 =	vperm.xlane v3, v0;
	_ =	sdelay $0x1  }
0x7e: {  	v4 =	vadd.s32 v1, v4;
	_ =	sdelay $0x3  }
0x7f: {  	v3 =	vperm.xlane v3, v2  }
0x80: {  	[tilespmem:s15], [sflag:$0x2] =	stream.indirect_vreg.gather [hbm4b:s2+s3], $0x80, v4, vm0, $0xb8;
	[tilespmem:$0x18180] =	vst v63  }
0x81: {  	v3 =	vadd.s32 v1, v3  }
0x82: {  	[tilespmem:s16], [sflag:$0x2] =	stream.indirect_vreg.gather [hbm4b:s4+s3], $0x80, v4, vm0, $0xb8;
	[tilespmem:$0x18180] =	vst v63  }
0x83: {  	_ = 	snop  }
0x84: {  	[tilespmem:s17], [sflag:$0x2] =	stream.indirect_vreg.gather [hbm4b:s5+s3], $0x80, v4, vm0, $0xb8;
	[tilespmem:$0x18180] =	vst v63  }
0x85: {  	_ = 	snop  }
0x86: {  	[tilespmem:s18], [sflag:$0x2] =	stream.indirect_vreg.gather [hbm4b:s2+s3], $0x80, v3, vm0, $0xb8;
	[tilespmem:$0x18180] =	vst v63  }
0x87: {  	_ = 	snop  }
0x88: {  	[tilespmem:s19], [sflag:$0x2] =	stream.indirect_vreg.gather [hbm4b:s4+s3], $0x80, v3, vm0, $0xb8;
	[tilespmem:$0x18180] =	vst v63  }
0x89: {  	_ = 	snop  }
0x8a: {  	[tilespmem:s20], [sflag:$0x2] =	stream.indirect_vreg.gather [hbm4b:s5+s3], $0x80, v3, vm0, $0xb8;
	[tilespmem:$0x18180] =	vst v63  }
0x8b: {  	v3 =	vld [tilespmem:$0x60];
	_ =	sdelay $0x4  }
0x8c: {  	v50 =	vshrl.u32 v3, $0x3  }
0x8d: {  	v4 =	vmul.u32 $0x30, v50  }
0x8e: {  	v3 =	vand.u32 $0x7, v3  }
0x8f: {  	v3 =	vor.u32 v3, v4  }
0x90: {  	v4 =	vperm.xlane v3, v0;
	_ =	sdelay $0x1  }
0x91: {  	v4 =	vadd.s32 v1, v4;
	_ =	sdelay $0x3  }
0x92: {  	v3 =	vperm.xlane v3, v2  }
0x93: {  	[tilespmem:s21], [sflag:$0x2] =	stream.indirect_vreg.gather [hbm4b:s2+s3], $0x80, v4, vm0, $0xb8;
	[tilespmem:$0x18180] =	vst v63  }
0x94: {  	v3 =	vadd.s32 v1, v3  }
0x95: {  	[tilespmem:s22], [sflag:$0x2] =	stream.indirect_vreg.gather [hbm4b:s4+s3], $0x80, v4, vm0, $0xb8;
	[tilespmem:$0x18180] =	vst v63  }
0x96: {  	_ = 	snop  }
0x97: {  	[tilespmem:s23], [sflag:$0x2] =	stream.indirect_vreg.gather [hbm4b:s5+s3], $0x80, v4, vm0, $0xb8;
	[tilespmem:$0x18180] =	vst v63  }
0x98: {  	_ = 	snop  }
0x99: {  	[tilespmem:s24], [sflag:$0x2] =	stream.indirect_vreg.gather [hbm4b:s2+s3], $0x80, v3, vm0, $0xb8;
	[tilespmem:$0x18180] =	vst v63  }
0x9a: {  	_ = 	snop  }
0x9b: {  	[tilespmem:s25], [sflag:$0x2] =	stream.indirect_vreg.gather [hbm4b:s4+s3], $0x80, v3, vm0, $0xb8;
	[tilespmem:$0x18180] =	vst v63  }
0x9c: {  	_ = 	snop  }
0x9d: {  	[tilespmem:s26], [sflag:$0x2] =	stream.indirect_vreg.gather [hbm4b:s5+s3], $0x80, v3, vm0, $0xb8;
	[tilespmem:$0x18180] =	vst v63  }
0x9e: {  	v3 =	vld [tilespmem:$0x70];
	_ =	sdelay $0x4  }
0x9f: {  	v51 =	vshrl.u32 v3, $0x3  }
0xa0: {  	v4 =	vmul.u32 $0x30, v51  }
0xa1: {  	v3 =	vand.u32 $0x7, v3  }
0xa2: {  	v3 =	vor.u32 v3, v4  }
0xa3: {  	v4 =	vperm.xlane v3, v0;
	_ =	sdelay $0x1  }
0xa4: {  	v4 =	vadd.s32 v1, v4;
	_ =	sdelay $0x3  }
0xa5: {  	v3 =	vperm.xlane v3, v2  }
0xa6: {  	[tilespmem:s28], [sflag:$0x2] =	stream.indirect_vreg.gather [hbm4b:s2+s3], $0x80, v4, vm0, $0xb8;
	[tilespmem:$0x18180] =	vst v63  }
0xa7: {  	v3 =	vadd.s32 v1, v3  }
0xa8: {  	[tilespmem:s29], [sflag:$0x2] =	stream.indirect_vreg.gather [hbm4b:s4+s3], $0x80, v4, vm0, $0xb8;
	[tilespmem:$0x18180] =	vst v63  }
0xa9: {  	_ = 	snop  }
0xaa: {  	[tilespmem:s30], [sflag:$0x2] =	stream.indirect_vreg.gather [hbm4b:s5+s3], $0x80, v4, vm0, $0xb8;
	[tilespmem:$0x18180] =	vst v63  }
0xab: {  	_ = 	snop  }
0xac: {  	[tilespmem:s31], [sflag:$0x2] =	stream.indirect_vreg.gather [hbm4b:s2+s3], $0x80, v3, vm0, $0xb8;
	[tilespmem:$0x18180] =	vst v63  }
0xad: {  	s9 =	simm.s32 $0x17180  }
0xae: {  	[tilespmem:s9], [sflag:$0x2] =	stream.indirect_vreg.gather [hbm4b:s4+s3], $0x80, v3, vm0, $0xb8;
	[tilespmem:$0x18180] =	vst v63  }
0xaf: {  	s11 =	simm.s32 $0x17980  }
0xb0: {  	[tilespmem:s11], [sflag:$0x2] =	stream.indirect_vreg.gather [hbm4b:s5+s3], $0x80, v3, vm0, $0xb8;
	[tilespmem:$0x18180] =	vst v63  }
0xb1: {  	_ =	swait.ge [sflag:s1], $0xC000  }
0xb2: {  	[sflag:s1] =	ssyncset.done $0x0  }
0xb3: {  	s0 =	rddreg [dreg:$0x5];
	[sflag:s1] =	ssyncadd.s32 $0xFFFF4000  }
0xb4: {  	[hbm4b:s0+s3] =	stream.linear.scatter [tilespmem:s10], [sflag:$0x3], $0xC000, $0x38;
	[tilespmem:$0x18180] =	vst v63  }
0xb5: {  	_ =	swait.ge [sflag:s7], $0xC000  }
0xb6: {  	[sflag:s7] =	ssyncset.done $0x0  }
0xb7: {  	[sflag:s7] =	ssyncadd.s32 $0xFFFF4000  }
0xb8: {  	v3 =	vld [tilespmem:$0x80];
	_ =	sdelay $0x4  }
0xb9: {  	v52 =	vshrl.u32 v3, $0x3  }
0xba: {  	v4 =	vmul.u32 $0x30, v52  }
0xbb: {  	v3 =	vand.u32 $0x7, v3  }
0xbc: {  	v3 =	vor.u32 v3, v4  }
0xbd: {  	v4 =	vperm.xlane v3, v0;
	_ =	sdelay $0x1  }
0xbe: {  	v4 =	vadd.s32 v1, v4;
	_ =	sdelay $0x3  }
0xbf: {  	v3 =	vperm.xlane v3, v2  }
0xc0: {  	[tilespmem:s10], [sflag:$0x1] =	stream.indirect_vreg.gather [hbm4b:s2+s3], $0x80, v4, vm0, $0xb8;
	[tilespmem:$0x18180] =	vst v63  }
0xc1: {  	s9 =	simm.s32 $0x980;
	v3 =	vadd.s32 v1, v3  }
0xc2: {  	[tilespmem:s9], [sflag:$0x1] =	stream.indirect_vreg.gather [hbm4b:s4+s3], $0x80, v4, vm0, $0xb8;
	[tilespmem:$0x18180] =	vst v63  }
0xc3: {  	s11 =	simm.s32 $0x1180  }
0xc4: {  	[tilespmem:s11], [sflag:$0x1] =	stream.indirect_vreg.gather [hbm4b:s5+s3], $0x80, v4, vm0, $0xb8;
	[tilespmem:$0x18180] =	vst v63  }
0xc5: {  	s9 =	simm.s32 $0x1980  }
0xc6: {  	[tilespmem:s9], [sflag:$0x1] =	stream.indirect_vreg.gather [hbm4b:s2+s3], $0x80, v3, vm0, $0xb8;
	[tilespmem:$0x18180] =	vst v63  }
0xc7: {  	s11 =	simm.s32 $0x2180  }
0xc8: {  	[tilespmem:s11], [sflag:$0x1] =	stream.indirect_vreg.gather [hbm4b:s4+s3], $0x80, v3, vm0, $0xb8;
	[tilespmem:$0x18180] =	vst v63  }
0xc9: {  	s9 =	simm.s32 $0x2980  }
0xca: {  	[tilespmem:s9], [sflag:$0x1] =	stream.indirect_vreg.gather [hbm4b:s5+s3], $0x80, v3, vm0, $0xb8;
	[tilespmem:$0x18180] =	vst v63  }
0xcb: {  	v3 =	vld [tilespmem:$0x90];
	_ =	sdelay $0x4  }
0xcc: {  	v53 =	vshrl.u32 v3, $0x3  }
0xcd: {  	v4 =	vmul.u32 $0x30, v53  }
0xce: {  	v3 =	vand.u32 $0x7, v3  }
0xcf: {  	v3 =	vor.u32 v3, v4  }
0xd0: {  	v4 =	vperm.xlane v3, v0;
	_ =	sdelay $0x1  }
0xd1: {  	v4 =	vadd.s32 v1, v4;
	_ =	sdelay $0x3  }
0xd2: {  	s11 =	simm.s32 $0x3180;
	v3 =	vperm.xlane v3, v2  }
0xd3: {  	[tilespmem:s11], [sflag:$0x1] =	stream.indirect_vreg.gather [hbm4b:s2+s3], $0x80, v4, vm0, $0xb8;
	[tilespmem:$0x18180] =	vst v63  }
0xd4: {  	s9 =	simm.s32 $0x3980;
	v3 =	vadd.s32 v1, v3  }
0xd5: {  	[tilespmem:s9], [sflag:$0x1] =	stream.indirect_vreg.gather [hbm4b:s4+s3], $0x80, v4, vm0, $0xb8;
	[tilespmem:$0x18180] =	vst v63  }
0xd6: {  	s11 =	simm.s32 $0x4180  }
0xd7: {  	[tilespmem:s11], [sflag:$0x1] =	stream.indirect_vreg.gather [hbm4b:s5+s3], $0x80, v4, vm0, $0xb8;
	[tilespmem:$0x18180] =	vst v63  }
0xd8: {  	s9 =	simm.s32 $0x4980  }
0xd9: {  	[tilespmem:s9], [sflag:$0x1] =	stream.indirect_vreg.gather [hbm4b:s2+s3], $0x80, v3, vm0, $0xb8;
	[tilespmem:$0x18180] =	vst v63  }
0xda: {  	s11 =	simm.s32 $0x5180  }
0xdb: {  	[tilespmem:s11], [sflag:$0x1] =	stream.indirect_vreg.gather [hbm4b:s4+s3], $0x80, v3, vm0, $0xb8;
	[tilespmem:$0x18180] =	vst v63  }
0xdc: {  	s9 =	simm.s32 $0x5980  }
0xdd: {  	[tilespmem:s9], [sflag:$0x1] =	stream.indirect_vreg.gather [hbm4b:s5+s3], $0x80, v3, vm0, $0xb8;
	[tilespmem:$0x18180] =	vst v63  }
0xde: {  	v3 =	vld [tilespmem:$0xA0];
	_ =	sdelay $0x4  }
0xdf: {  	v54 =	vshrl.u32 v3, $0x3  }
0xe0: {  	v4 =	vmul.u32 $0x30, v54  }
0xe1: {  	v3 =	vand.u32 $0x7, v3  }
0xe2: {  	v3 =	vor.u32 v3, v4  }
0xe3: {  	v4 =	vperm.xlane v3, v0;
	_ =	sdelay $0x1  }
0xe4: {  	v4 =	vadd.s32 v1, v4;
	_ =	sdelay $0x3  }
0xe5: {  	s11 =	simm.s32 $0x6180;
	v3 =	vperm.xlane v3, v2  }
0xe6: {  	[tilespmem:s11], [sflag:$0x1] =	stream.indirect_vreg.gather [hbm4b:s2+s3], $0x80, v4, vm0, $0xb8;
	[tilespmem:$0x18180] =	vst v63  }
0xe7: {  	s9 =	simm.s32 $0x6980;
	v3 =	vadd.s32 v1, v3  }
0xe8: {  	[tilespmem:s9], [sflag:$0x1] =	stream.indirect_vreg.gather [hbm4b:s4+s3], $0x80, v4, vm0, $0xb8;
	[tilespmem:$0x18180] =	vst v63  }
0xe9: {  	s11 =	simm.s32 $0x7180  }
0xea: {  	[tilespmem:s11], [sflag:$0x1] =	stream.indirect_vreg.gather [hbm4b:s5+s3], $0x80, v4, vm0, $0xb8;
	[tilespmem:$0x18180] =	vst v63  }
0xeb: {  	s9 =	simm.s32 $0x7980  }
0xec: {  	[tilespmem:s9], [sflag:$0x1] =	stream.indirect_vreg.gather [hbm4b:s2+s3], $0x80, v3, vm0, $0xb8;
	[tilespmem:$0x18180] =	vst v63  }
0xed: {  	s11 =	simm.s32 $0x8180  }
0xee: {  	[tilespmem:s11], [sflag:$0x1] =	stream.indirect_vreg.gather [hbm4b:s4+s3], $0x80, v3, vm0, $0xb8;
	[tilespmem:$0x18180] =	vst v63  }
0xef: {  	s9 =	simm.s32 $0x8980  }
0xf0: {  	[tilespmem:s9], [sflag:$0x1] =	stream.indirect_vreg.gather [hbm4b:s5+s3], $0x80, v3, vm0, $0xb8;
	[tilespmem:$0x18180] =	vst v63  }
0xf1: {  	v3 =	vld [tilespmem:$0xB0];
	_ =	sdelay $0x4  }
0xf2: {  	v55 =	vshrl.u32 v3, $0x3  }
0xf3: {  	v4 =	vmul.u32 $0x30, v55  }
0xf4: {  	v3 =	vand.u32 $0x7, v3  }
0xf5: {  	v3 =	vor.u32 v3, v4  }
0xf6: {  	v4 =	vperm.xlane v3, v0;
	_ =	sdelay $0x1  }
0xf7: {  	v4 =	vadd.s32 v1, v4;
	_ =	sdelay $0x3  }
0xf8: {  	s11 =	simm.s32 $0x9180;
	v3 =	vperm.xlane v3, v2  }
0xf9: {  	[tilespmem:s11], [sflag:$0x1] =	stream.indirect_vreg.gather [hbm4b:s2+s3], $0x80, v4, vm0, $0xb8;
	[tilespmem:$0x18180] =	vst v63  }
0xfa: {  	s9 =	simm.s32 $0x9980;
	v3 =	vadd.s32 v1, v3  }
0xfb: {  	[tilespmem:s9], [sflag:$0x1] =	stream.indirect_vreg.gather [hbm4b:s4+s3], $0x80, v4, vm0, $0xb8;
	[tilespmem:$0x18180] =	vst v63  }
0xfc: {  	s11 =	simm.s32 $0xA180  }
0xfd: {  	[tilespmem:s11], [sflag:$0x1] =	stream.indirect_vreg.gather [hbm4b:s5+s3], $0x80, v4, vm0, $0xb8;
	[tilespmem:$0x18180] =	vst v63  }
0xfe: {  	s9 =	simm.s32 $0xA980  }
0xff: {  	[tilespmem:s9], [sflag:$0x1] =	stream.indirect_vreg.gather [hbm4b:s2+s3], $0x80, v3, vm0, $0xb8;
	[tilespmem:$0x18180] =	vst v63  }
0x100: {  	s11 =	simm.s32 $0xB180  }
0x101: {  	[tilespmem:s11], [sflag:$0x1] =	stream.indirect_vreg.gather [hbm4b:s4+s3], $0x80, v3, vm0, $0xb8;
	[tilespmem:$0x18180] =	vst v63  }
0x102: {  	s0 =	simm.s32 $0x2;
	s9 =	simm.s32 $0xB980  }
0x103: {  	[tilespmem:s9], [sflag:$0x1] =	stream.indirect_vreg.gather [hbm4b:s5+s3], $0x80, v3, vm0, $0xb8;
	[tilespmem:$0x18180] =	vst v63  }
0x104: {  	_ =	swait.ge [sflag:s0], $0xC000  }
0x105: {  	[sflag:s0] =	ssyncset.done $0x0  }
0x106: {  	s9 =	simm.s32 $0xC180;
	s11 =	rddreg [dreg:$0x6];
	[sflag:s0] =	ssyncadd.s32 $0xFFFF4000  }
0x107: {  	[hbm4b:s11+s3] =	stream.linear.scatter [tilespmem:s9], [sflag:$0x3], $0xC000, $0x38;
	[tilespmem:$0x18180] =	vst v63  }
0x108: {  	_ =	swait.ge [sflag:s7], $0xC000  }
0x109: {  	[sflag:s7] =	ssyncset.done $0x0  }
0x10a: {  	[sflag:s7] =	ssyncadd.s32 $0xFFFF4000  }
0x10b: {  	v3 =	vld [tilespmem:$0xC0];
	_ =	sdelay $0x4  }
0x10c: {  	v56 =	vshrl.u32 v3, $0x3  }
0x10d: {  	v4 =	vmul.u32 $0x30, v56  }
0x10e: {  	v3 =	vand.u32 $0x7, v3  }
0x10f: {  	v3 =	vor.u32 v3, v4  }
0x110: {  	v4 =	vperm.xlane v3, v0;
	_ =	sdelay $0x1  }
0x111: {  	v4 =	vadd.s32 v1, v4;
	_ =	sdelay $0x3  }
0x112: {  	v3 =	vperm.xlane v3, v2  }
0x113: {  	[tilespmem:s9], [sflag:$0x2] =	stream.indirect_vreg.gather [hbm4b:s2+s3], $0x80, v4, vm0, $0xb8;
	[tilespmem:$0x18180] =	vst v63  }
0x114: {  	v3 =	vadd.s32 v1, v3  }
0x115: {  	[tilespmem:s8], [sflag:$0x2] =	stream.indirect_vreg.gather [hbm4b:s4+s3], $0x80, v4, vm0, $0xb8;
	[tilespmem:$0x18180] =	vst v63  }
0x116: {  	s11 =	simm.s32 $0xD180  }
0x117: {  	[tilespmem:s11], [sflag:$0x2] =	stream.indirect_vreg.gather [hbm4b:s5+s3], $0x80, v4, vm0, $0xb8;
	[tilespmem:$0x18180] =	vst v63  }
0x118: {  	_ = 	snop  }
0x119: {  	[tilespmem:s12], [sflag:$0x2] =	stream.indirect_vreg.gather [hbm4b:s2+s3], $0x80, v3, vm0, $0xb8;
	[tilespmem:$0x18180] =	vst v63  }
0x11a: {  	_ = 	snop  }
0x11b: {  	[tilespmem:s13], [sflag:$0x2] =	stream.indirect_vreg.gather [hbm4b:s4+s3], $0x80, v3, vm0, $0xb8;
	[tilespmem:$0x18180] =	vst v63  }
0x11c: {  	_ = 	snop  }
0x11d: {  	[tilespmem:s14], [sflag:$0x2] =	stream.indirect_vreg.gather [hbm4b:s5+s3], $0x80, v3, vm0, $0xb8;
	[tilespmem:$0x18180] =	vst v63  }
0x11e: {  	v3 =	vld [tilespmem:$0xD0];
	_ =	sdelay $0x4  }
0x11f: {  	v57 =	vshrl.u32 v3, $0x3  }
0x120: {  	v4 =	vmul.u32 $0x30, v57  }
0x121: {  	v3 =	vand.u32 $0x7, v3  }
0x122: {  	v3 =	vor.u32 v3, v4  }
0x123: {  	v4 =	vperm.xlane v3, v0;
	_ =	sdelay $0x1  }
0x124: {  	v4 =	vadd.s32 v1, v4;
	_ =	sdelay $0x3  }
0x125: {  	v3 =	vperm.xlane v3, v2  }
0x126: {  	[tilespmem:s15], [sflag:$0x2] =	stream.indirect_vreg.gather [hbm4b:s2+s3], $0x80, v4, vm0, $0xb8;
	[tilespmem:$0x18180] =	vst v63  }
0x127: {  	v3 =	vadd.s32 v1, v3  }
0x128: {  	[tilespmem:s16], [sflag:$0x2] =	stream.indirect_vreg.gather [hbm4b:s4+s3], $0x80, v4, vm0, $0xb8;
	[tilespmem:$0x18180] =	vst v63  }
0x129: {  	_ = 	snop  }
0x12a: {  	[tilespmem:s17], [sflag:$0x2] =	stream.indirect_vreg.gather [hbm4b:s5+s3], $0x80, v4, vm0, $0xb8;
	[tilespmem:$0x18180] =	vst v63  }
0x12b: {  	_ = 	snop  }
0x12c: {  	[tilespmem:s18], [sflag:$0x2] =	stream.indirect_vreg.gather [hbm4b:s2+s3], $0x80, v3, vm0, $0xb8;
	[tilespmem:$0x18180] =	vst v63  }
0x12d: {  	_ = 	snop  }
0x12e: {  	[tilespmem:s19], [sflag:$0x2] =	stream.indirect_vreg.gather [hbm4b:s4+s3], $0x80, v3, vm0, $0xb8;
	[tilespmem:$0x18180] =	vst v63  }
0x12f: {  	_ = 	snop  }
0x130: {  	[tilespmem:s20], [sflag:$0x2] =	stream.indirect_vreg.gather [hbm4b:s5+s3], $0x80, v3, vm0, $0xb8;
	[tilespmem:$0x18180] =	vst v63  }
0x131: {  	v3 =	vld [tilespmem:$0xE0];
	_ =	sdelay $0x4  }
0x132: {  	v58 =	vshrl.u32 v3, $0x3  }
0x133: {  	v4 =	vmul.u32 $0x30, v58  }
0x134: {  	v3 =	vand.u32 $0x7, v3  }
0x135: {  	v3 =	vor.u32 v3, v4  }
0x136: {  	v4 =	vperm.xlane v3, v0;
	_ =	sdelay $0x1  }
0x137: {  	v4 =	vadd.s32 v1, v4;
	_ =	sdelay $0x3  }
0x138: {  	v3 =	vperm.xlane v3, v2  }
0x139: {  	[tilespmem:s21], [sflag:$0x2] =	stream.indirect_vreg.gather [hbm4b:s2+s3], $0x80, v4, vm0, $0xb8;
	[tilespmem:$0x18180] =	vst v63  }
0x13a: {  	v3 =	vadd.s32 v1, v3  }
0x13b: {  	[tilespmem:s22], [sflag:$0x2] =	stream.indirect_vreg.gather [hbm4b:s4+s3], $0x80, v4, vm0, $0xb8;
	[tilespmem:$0x18180] =	vst v63  }
0x13c: {  	_ = 	snop  }
0x13d: {  	[tilespmem:s23], [sflag:$0x2] =	stream.indirect_vreg.gather [hbm4b:s5+s3], $0x80, v4, vm0, $0xb8;
	[tilespmem:$0x18180] =	vst v63  }
0x13e: {  	_ = 	snop  }
0x13f: {  	[tilespmem:s24], [sflag:$0x2] =	stream.indirect_vreg.gather [hbm4b:s2+s3], $0x80, v3, vm0, $0xb8;
	[tilespmem:$0x18180] =	vst v63  }
0x140: {  	_ = 	snop  }
0x141: {  	[tilespmem:s25], [sflag:$0x2] =	stream.indirect_vreg.gather [hbm4b:s4+s3], $0x80, v3, vm0, $0xb8;
	[tilespmem:$0x18180] =	vst v63  }
0x142: {  	_ = 	snop  }
0x143: {  	[tilespmem:s26], [sflag:$0x2] =	stream.indirect_vreg.gather [hbm4b:s5+s3], $0x80, v3, vm0, $0xb8;
	[tilespmem:$0x18180] =	vst v63  }
0x144: {  	v3 =	vld [tilespmem:$0xF0];
	_ =	sdelay $0x4  }
0x145: {  	v59 =	vshrl.u32 v3, $0x3  }
0x146: {  	v4 =	vmul.u32 $0x30, v59  }
0x147: {  	v3 =	vand.u32 $0x7, v3  }
0x148: {  	v3 =	vor.u32 v3, v4  }
0x149: {  	v4 =	vperm.xlane v3, v0;
	_ =	sdelay $0x1  }
0x14a: {  	v4 =	vadd.s32 v1, v4;
	_ =	sdelay $0x3  }
0x14b: {  	v3 =	vperm.xlane v3, v2  }
0x14c: {  	[tilespmem:s28], [sflag:$0x2] =	stream.indirect_vreg.gather [hbm4b:s2+s3], $0x80, v4, vm0, $0xb8;
	[tilespmem:$0x18180] =	vst v63  }
0x14d: {  	v3 =	vadd.s32 v1, v3  }
0x14e: {  	[tilespmem:s29], [sflag:$0x2] =	stream.indirect_vreg.gather [hbm4b:s4+s3], $0x80, v4, vm0, $0xb8;
	[tilespmem:$0x18180] =	vst v63  }
0x14f: {  	_ = 	snop  }
0x150: {  	[tilespmem:s30], [sflag:$0x2] =	stream.indirect_vreg.gather [hbm4b:s5+s3], $0x80, v4, vm0, $0xb8;
	[tilespmem:$0x18180] =	vst v63  }
0x151: {  	_ = 	snop  }
0x152: {  	[tilespmem:s31], [sflag:$0x2] =	stream.indirect_vreg.gather [hbm4b:s2+s3], $0x80, v3, vm0, $0xb8;
	[tilespmem:$0x18180] =	vst v63  }
0x153: {  	s11 =	simm.s32 $0x17180  }
0x154: {  	[tilespmem:s11], [sflag:$0x2] =	stream.indirect_vreg.gather [hbm4b:s4+s3], $0x80, v3, vm0, $0xb8;
	[tilespmem:$0x18180] =	vst v63  }
0x155: {  	s11 =	simm.s32 $0x17980  }
0x156: {  	[tilespmem:s11], [sflag:$0x2] =	stream.indirect_vreg.gather [hbm4b:s5+s3], $0x80, v3, vm0, $0xb8;
	[tilespmem:$0x18180] =	vst v63  }
0x157: {  	_ =	swait.ge [sflag:s1], $0xC000  }
0x158: {  	[sflag:s1] =	ssyncset.done $0x0  }
0x159: {  	s8 =	rddreg [dreg:$0x7];
	[sflag:s1] =	ssyncadd.s32 $0xFFFF4000  }
0x15a: {  	[hbm4b:s8+s3] =	stream.linear.scatter [tilespmem:s10], [sflag:$0x3], $0xC000, $0x38;
	[tilespmem:$0x18180] =	vst v63  }
0x15b: {  	_ =	swait.ge [sflag:s7], $0xC000  }
0x15c: {  	[sflag:s7] =	ssyncset.done $0x0  }
0x15d: {  	[sflag:s7] =	ssyncadd.s32 $0xFFFF4000  }
0x15e: {  	v3 =	vld [tilespmem:$0x100];
	_ =	sdelay $0x4  }
0x15f: {  	v60 =	vshrl.u32 v3, $0x3  }
0x160: {  	v4 =	vmul.u32 $0x30, v60  }
0x161: {  	v3 =	vand.u32 $0x7, v3  }
0x162: {  	v3 =	vor.u32 v3, v4  }
0x163: {  	v4 =	vperm.xlane v3, v0;
	_ =	sdelay $0x1  }
0x164: {  	v4 =	vadd.s32 v1, v4;
	_ =	sdelay $0x3  }
0x165: {  	v3 =	vperm.xlane v3, v2  }
0x166: {  	[tilespmem:s10], [sflag:$0x1] =	stream.indirect_vreg.gather [hbm4b:s2+s3], $0x80, v4, vm0, $0xb8;
	[tilespmem:$0x18180] =	vst v63  }
0x167: {  	s11 =	simm.s32 $0x980;
	v3 =	vadd.s32 v1, v3  }
0x168: {  	[tilespmem:s11], [sflag:$0x1] =	stream.indirect_vreg.gather [hbm4b:s4+s3], $0x80, v4, vm0, $0xb8;
	[tilespmem:$0x18180] =	vst v63  }
0x169: {  	s11 =	simm.s32 $0x1180  }
0x16a: {  	[tilespmem:s11], [sflag:$0x1] =	stream.indirect_vreg.gather [hbm4b:s5+s3], $0x80, v4, vm0, $0xb8;
	[tilespmem:$0x18180] =	vst v63  }
0x16b: {  	s11 =	simm.s32 $0x1980  }
0x16c: {  	[tilespmem:s11], [sflag:$0x1] =	stream.indirect_vreg.gather [hbm4b:s2+s3], $0x80, v3, vm0, $0xb8;
	[tilespmem:$0x18180] =	vst v63  }
0x16d: {  	s11 =	simm.s32 $0x2180  }
0x16e: {  	[tilespmem:s11], [sflag:$0x1] =	stream.indirect_vreg.gather [hbm4b:s4+s3], $0x80, v3, vm0, $0xb8;
	[tilespmem:$0x18180] =	vst v63  }
0x16f: {  	s11 =	simm.s32 $0x2980  }
0x170: {  	[tilespmem:s11], [sflag:$0x1] =	stream.indirect_vreg.gather [hbm4b:s5+s3], $0x80, v3, vm0, $0xb8;
	[tilespmem:$0x18180] =	vst v63  }
0x171: {  	v3 =	vld [tilespmem:$0x110];
	_ =	sdelay $0x4  }
0x172: {  	v61 =	vshrl.u32 v3, $0x3  }
0x173: {  	v4 =	vmul.u32 $0x30, v61  }
0x174: {  	v3 =	vand.u32 $0x7, v3  }
0x175: {  	v3 =	vor.u32 v3, v4  }
0x176: {  	v4 =	vperm.xlane v3, v0;
	_ =	sdelay $0x1  }
0x177: {  	v4 =	vadd.s32 v1, v4;
	_ =	sdelay $0x3  }
0x178: {  	s11 =	simm.s32 $0x3180;
	v3 =	vperm.xlane v3, v2  }
0x179: {  	[tilespmem:s11], [sflag:$0x1] =	stream.indirect_vreg.gather [hbm4b:s2+s3], $0x80, v4, vm0, $0xb8;
	[tilespmem:$0x18180] =	vst v63  }
0x17a: {  	v3 =	vadd.s32 v1, v3;
	s11 =	simm.s32 $0x3980  }
0x17b: {  	[tilespmem:s11], [sflag:$0x1] =	stream.indirect_vreg.gather [hbm4b:s4+s3], $0x80, v4, vm0, $0xb8;
	[tilespmem:$0x18180] =	vst v63  }
0x17c: {  	s11 =	simm.s32 $0x4180  }
0x17d: {  	[tilespmem:s11], [sflag:$0x1] =	stream.indirect_vreg.gather [hbm4b:s5+s3], $0x80, v4, vm0, $0xb8;
	[tilespmem:$0x18180] =	vst v63  }
0x17e: {  	s11 =	simm.s32 $0x4980  }
0x17f: {  	[tilespmem:s11], [sflag:$0x1] =	stream.indirect_vreg.gather [hbm4b:s2+s3], $0x80, v3, vm0, $0xb8;
	[tilespmem:$0x18180] =	vst v63  }
0x180: {  	s11 =	simm.s32 $0x5180  }
0x181: {  	[tilespmem:s11], [sflag:$0x1] =	stream.indirect_vreg.gather [hbm4b:s4+s3], $0x80, v3, vm0, $0xb8;
	[tilespmem:$0x18180] =	vst v63  }
0x182: {  	s11 =	simm.s32 $0x5980  }
0x183: {  	[tilespmem:s11], [sflag:$0x1] =	stream.indirect_vreg.gather [hbm4b:s5+s3], $0x80, v3, vm0, $0xb8;
	[tilespmem:$0x18180] =	vst v63  }
0x184: {  	v3 =	vld [tilespmem:$0x120];
	_ =	sdelay $0x4  }
0x185: {  	v62 =	vshrl.u32 v3, $0x3  }
0x186: {  	v4 =	vmul.u32 $0x30, v62  }
0x187: {  	v3 =	vand.u32 $0x7, v3  }
0x188: {  	v3 =	vor.u32 v3, v4  }
0x189: {  	v4 =	vperm.xlane v3, v0;
	_ =	sdelay $0x1  }
0x18a: {  	v4 =	vadd.s32 v1, v4;
	_ =	sdelay $0x3  }
0x18b: {  	s11 =	simm.s32 $0x6180;
	v3 =	vperm.xlane v3, v2  }
0x18c: {  	[tilespmem:s11], [sflag:$0x1] =	stream.indirect_vreg.gather [hbm4b:s2+s3], $0x80, v4, vm0, $0xb8;
	[tilespmem:$0x18180] =	vst v63  }
0x18d: {  	v3 =	vadd.s32 v1, v3;
	s11 =	simm.s32 $0x6980  }
0x18e: {  	[tilespmem:s11], [sflag:$0x1] =	stream.indirect_vreg.gather [hbm4b:s4+s3], $0x80, v4, vm0, $0xb8;
	[tilespmem:$0x18180] =	vst v63  }
0x18f: {  	s11 =	simm.s32 $0x7180  }
0x190: {  	[tilespmem:s11], [sflag:$0x1] =	stream.indirect_vreg.gather [hbm4b:s5+s3], $0x80, v4, vm0, $0xb8;
	[tilespmem:$0x18180] =	vst v63  }
0x191: {  	s11 =	simm.s32 $0x7980  }
0x192: {  	[tilespmem:s11], [sflag:$0x1] =	stream.indirect_vreg.gather [hbm4b:s2+s3], $0x80, v3, vm0, $0xb8;
	[tilespmem:$0x18180] =	vst v63  }
0x193: {  	s11 =	simm.s32 $0x8180  }
0x194: {  	[tilespmem:s11], [sflag:$0x1] =	stream.indirect_vreg.gather [hbm4b:s4+s3], $0x80, v3, vm0, $0xb8;
	[tilespmem:$0x18180] =	vst v63  }
0x195: {  	s11 =	simm.s32 $0x8980  }
0x196: {  	[tilespmem:s11], [sflag:$0x1] =	stream.indirect_vreg.gather [hbm4b:s5+s3], $0x80, v3, vm0, $0xb8;
	[tilespmem:$0x18180] =	vst v63  }
0x197: {  	v3 =	vld [tilespmem:$0x130];
	_ =	sdelay $0x4  }
0x198: {  	v63 =	vshrl.u32 v3, $0x3  }
0x199: {  	v4 =	vmul.u32 $0x30, v63  }
0x19a: {  	v3 =	vand.u32 $0x7, v3  }
0x19b: {  	v3 =	vor.u32 v3, v4  }
0x19c: {  	v4 =	vperm.xlane v3, v0;
	_ =	sdelay $0x1  }
0x19d: {  	v4 =	vadd.s32 v1, v4;
	_ =	sdelay $0x3  }
0x19e: {  	s11 =	simm.s32 $0x9180;
	v3 =	vperm.xlane v3, v2  }
0x19f: {  	[tilespmem:s11], [sflag:$0x1] =	stream.indirect_vreg.gather [hbm4b:s2+s3], $0x80, v4, vm0, $0xb8;
	[tilespmem:$0x18180] =	vst v63  }
0x1a0: {  	v3 =	vadd.s32 v1, v3;
	s11 =	simm.s32 $0x9980  }
0x1a1: {  	[tilespmem:s11], [sflag:$0x1] =	stream.indirect_vreg.gather [hbm4b:s4+s3], $0x80, v4, vm0, $0xb8;
	[tilespmem:$0x18180] =	vst v63  }
0x1a2: {  	s11 =	simm.s32 $0xA180  }
0x1a3: {  	[tilespmem:s11], [sflag:$0x1] =	stream.indirect_vreg.gather [hbm4b:s5+s3], $0x80, v4, vm0, $0xb8;
	[tilespmem:$0x18180] =	vst v63  }
0x1a4: {  	s11 =	simm.s32 $0xA980  }
0x1a5: {  	[tilespmem:s11], [sflag:$0x1] =	stream.indirect_vreg.gather [hbm4b:s2+s3], $0x80, v3, vm0, $0xb8;
	[tilespmem:$0x18180] =	vst v63  }
0x1a6: {  	s11 =	simm.s32 $0xB180  }
0x1a7: {  	[tilespmem:s11], [sflag:$0x1] =	stream.indirect_vreg.gather [hbm4b:s4+s3], $0x80, v3, vm0, $0xb8;
	[tilespmem:$0x18180] =	vst v63  }
0x1a8: {  	s11 =	simm.s32 $0xB980  }
0x1a9: {  	[tilespmem:s11], [sflag:$0x1] =	stream.indirect_vreg.gather [hbm4b:s5+s3], $0x80, v3, vm0, $0xb8;
	[tilespmem:$0x18180] =	vst v63  }
0x1aa: {  	_ =	swait.ge [sflag:s0], $0xC000  }
0x1ab: {  	[sflag:s0] =	ssyncset.done $0x0  }
0x1ac: {  	s9 =	simm.s32 $0xC180;
	s8 =	rddreg [dreg:$0x8];
	[sflag:s0] =	ssyncadd.s32 $0xFFFF4000  }
0x1ad: {  	[hbm4b:s8+s3] =	stream.linear.scatter [tilespmem:s9], [sflag:$0x3], $0xC000, $0x38;
	[tilespmem:$0x18180] =	vst v63  }
0x1ae: {  	_ =	swait.ge [sflag:s7], $0xC000  }
0x1af: {  	[sflag:s7] =	ssyncset.done $0x0  }
0x1b0: {  	[sflag:s7] =	ssyncadd.s32 $0xFFFF4000  }
0x1b1: {  	_ =	swait.ge [sflag:s1], $0xC000  }
0x1b2: {  	p0 =	sne.s32 s6, $0x1;
	[sflag:s1] =	ssyncset.done $0x0  }
.Ltmp0:
0x1b3: {  	s9 =	rddreg [dreg:$0x9];
	[sflag:s1] =	ssyncadd.s32 $0xFFFF4000;
	(pc) =	sbr.rel @p0 .LBB2_1-.Ltmp0, $4  }
0x1b4: {  	[hbm4b:s9+s3] =	stream.linear.scatter [tilespmem:s10], [sflag:$0x3], $0xC000, $0x38;
	[tilespmem:$0x18180] =	vst v63  }
0x1b5: {  	_ =	swait.ge [sflag:s7], $0xC000  }
0x1b6: {  	[sflag:s7] =	ssyncset.done $0x0  }
0x1b7: {  	s6 =	sadd.s32 $0xFFFFFFFF, s6;
	[sflag:s7] =	ssyncadd.s32 $0xFFFF4000  }
0x1b8: {  	_ =	sfence.sel $0x180000  }
0x1b9: {  	[bflag:$0x0] =	sbarrier.arrive $0xFFFF  }
0x1ba: {  	_ =	strace $0x9000004A  }
0x1bb: {  	s0 =	stileid.u32;
	[bflag:$0x2] =	sbarrier.arrive $0xFFFF  }
0x1bc: {  	p0 =	sne.s32 s0, $0x0;
	s0 =	rddreg [dreg:$0x3]  }
0x1bd: {  	s0 =	sadd.s32 @!p0 $0x100000, s0  }
0x1be: {  	[sflag:s0] =	ssyncadd.tile.s32 @!p0 $0x1;
	_ =	shalt  }
.Lfunc_end2:
_tile_overlayer_lowered:
.L_overlay_start_2:
0x1bf: {  	(tag) =	ssettag $0x2  }
0x1c0: {  	s0 =	rddreg [dreg:$0x0];
	s2 =	stileid.u32  }
0x1c1: {  	s1 =	rddreg [dreg:$0x1];
	p0 =	sne.s32 s2, $0x0  }
0x1c2: {  	s3 =	rddreg [dreg:$0x2];
	[bflag:$0x3] =	sbarrier.arrive $0xFFFF;
	s2 =	simm.s32 @!p0 $0x1C03  }
0x1c3: {  	[timem:s3], [sflag:s2] =	dma.local @!p0 [hbm:s0], s1  }
0x1c4: {  	s0 =	simm.s32 @!p0 $0x3  }
0x1c5: {  	_ =	swait.ge @!p0 [sflag:s0], s1  }
0x1c6: {  	s1 =	ssub.s32 @!p0 $0x0, s1;
	[sflag:s0] =	ssyncset.done @!p0 $0x0  }
0x1c7: {  	[sflag:s0] =	ssyncadd.s32 @!p0 s1  }
0x1c8: {  	[bflag:$0x3] =	sbarrier.arrive $0xFFFF  }
0x1c9: {  	_ =	shalt  }

// kernel: kernel.14.cloned.1.call-start
scs
__scs_entry_jumppad:
0x0: {  	(pc) =	sbr.rel $0x88, $3  }
0x1: {  	(tag) =	ssettag $0x0;
	lr =	simm.s32 $0x1  }
0x2: {  	[smem:$0x3F9B] =	sst lr;
	_ =	strace $0xD0000000  }
0x3: {  	_ = 	snop  }
0x4: {  	_ = 	snop  }
0x5: {  	_ = 	snop  }
0x6: {  	_ = 	snop  }
0x7: {  	_ = 	snop  }
__scs_overlays_trampoline_lowered:
0x8: {  	[smem:$0x3FAA] =	sst s0  }
0x9: {  	[smem:$0x3FAB] =	sst s1  }
0xa: {  	[smem:$0x3FAC] =	sst s2  }
0xb: {  	[smem:$0x3FAD] =	sst s3  }
0xc: {  	[smem:$0x3FAE] =	sst s4  }
0xd: {  	[smem:$0x3FAF] =	sst s5  }
0xe: {  	[smem:$0x3FB0] =	sst s6  }
0xf: {  	[smem:$0x3FB1] =	sst s7  }
0x10: {  	[smem:$0x3FB2] =	sst s8  }
0x11: {  	[smem:$0x3FB3] =	sst s9;
	s0 =	simm.s32 @!p0 $0x0  }
0x12: {  	s1 =	sld [smem:$0x3F99];
	s0 =	simm.s32 @p0 $0x1  }
0x13: {  	[smem:$0x3FB4] =	sst s0;
	s0 =	simm.s32 @!p1 $0x0  }
0x14: {  	s2 =	sld [smem:$0x3F98];
	s0 =	simm.s32 @p1 $0x1  }
0x15: {  	[smem:$0x3FB5] =	sst s0;
	s0 =	simm.s32 @!p2 $0x0  }
0x16: {  	s3 =	sld [smem:$0x3FDB];
	s0 =	simm.s32 @p2 $0x1  }
0x17: {  	s4 =	simm.s32 $0x1BF5;
	[smem:$0x3FB7] =	sst s0  }
0x18: {  	s0 =	sld [smem:$0x3F9A];
	_ =	swait.ge [sflag:s4], $0x0  }
0x19: {  	s7 =	sld [smem:$0x3F9B]  }
0x1a: {  	s8 =	sadd.s32 $0xFFFFE003, lr  }
0x1b: {  	s9 =	sadd.s32 $0xFFFFFEF7, lr;
	s5 =	simm.s32 $0xFFFFFFFF;
	p2 =	slt.u32 s8, $0xFFFFF086  }
0x1c: {  	p1 =	slt.u32 s9, $0xF7A;
	s5 =	simm.s32 @!p2 $0x0  }
0x1d: {  	s5 =	simm.s32 @p1 $0x1;
	p0 =	seq.s32 s7, s2  }
0x1e: {  	s7 =	smul.u32 @!p0 $0xF7A, s2;
	p2 =	seq.s32 @!p0 s5, $0x0  }
0x1f: {  	s9 =	smul.u32 $0xF7A, s1;
	s8 =	simm.s32 @!p0 $0x1BF5;
	p2 =	por !p2, p0  }
0x20: {  	[sflag:s8] =	ssyncset.s32 @!p0 $0xFFFFF086;
	s6 =	sadd.s32 @!p0 s3, s7;
	s7 =	simm.s32 @!p0 $0x108  }
0x21: {  	s3 =	sadd.s32 s3, s9;
	s6 =	sadd.s32 @!p0 $0x88, s6;
	s7 =	simm.s32 @p2 $0x1082  }
0x22: {  	[simem:s7], [sflag:s8] =	dma.local @!p0 [hbm:s6], $0xF7A  }
0x23: {  	s9 =	sor.u32 $0xD0000000, s2;
	s6 =	simm.s32 $0x108;
	_ =	swait.ge @!p0 [sflag:s8], $0x0  }
0x24: {  	s3 =	sadd.s32 $0x88, s3;
	s6 =	simm.s32 @!p1 $0x1082;
	[sflag:s4] =	ssyncset.s32 $0xFFFFF086  }
0x25: {  	[simem:s6], [sflag:s4] =	dma.local [hbm:s3], $0xF7A  }
0x26: {  	[smem:$0x3F9B] =	sst s1;
	(tag) =	ssettag s2;
	_ =	strace s9  }
0x27: {  	s1 =	sld [smem:$0x3FAB]  }
0x28: {  	s2 =	sld [smem:$0x3FAC]  }
0x29: {  	s4 =	sld [smem:$0x3FAE]  }
0x2a: {  	p0 =	seq.s32 s5, $0x0;
	s5 =	sld [smem:$0x3FAF]  }
0x2b: {  	s6 =	sld [smem:$0x3FB0]  }
0x2c: {  	s7 =	sld [smem:$0x3FB1]  }
0x2d: {  	s3 =	simm.s32 $0x108;
	s8 =	sld [smem:$0x3FB2]  }
0x2e: {  	s3 =	simm.s32 @!p0 $0x1082;
	s9 =	sld [smem:$0x3FB3]  }
0x2f: {  	lr =	sadd.s32 s0, s3;
	s0 =	sld [smem:$0x3FAA]  }
0x30: {  	s3 =	sld [smem:$0x3FAD]  }
0x31: {  	[smem:$0x3FB6] =	sst s10  }
0x32: {  	s10 =	sld [smem:$0x3FB4];
	_ =	sdelay $0x3  }
0x33: {  	p0 =	seq.s32 s10, $0x1;
	s10 =	sld [smem:$0x3FB6];
	_ =	sdelay $0x3  }
0x34: {  	[smem:$0x3FB6] =	sst s10  }
0x35: {  	s10 =	sld [smem:$0x3FB5];
	_ =	sdelay $0x3  }
0x36: {  	p1 =	seq.s32 s10, $0x1;
	s10 =	sld [smem:$0x3FB6];
	_ =	sdelay $0x3  }
0x37: {  	[smem:$0x3FB6] =	sst s10  }
0x38: {  	s10 =	sld [smem:$0x3FB7]  }
0x39: {  	_ = 	snop;
	(pc) =	sbr.ind lr, $3  }
0x3a: {  	_ = 	snop  }
0x3b: {  	_ = 	snop  }
0x3c: {  	p2 =	seq.s32 s10, $0x1;
	s10 =	sld [smem:$0x3FB6]  }
0x3d: {  	_ =	shalt  }
0x3e: {  	_ =	shalt  }
0x3f: {  	_ =	shalt  }
0x40: {  	_ =	shalt  }
0x41: {  	_ =	shalt  }
0x42: {  	_ =	shalt  }
0x43: {  	_ =	shalt  }
0x44: {  	_ =	shalt  }
0x45: {  	_ =	shalt  }
0x46: {  	_ =	shalt  }
0x47: {  	_ =	shalt  }
0x48: {  	_ =	shalt  }
0x49: {  	_ =	shalt  }
0x4a: {  	_ =	shalt  }
0x4b: {  	_ =	shalt  }
0x4c: {  	_ =	shalt  }
0x4d: {  	_ =	shalt  }
0x4e: {  	_ =	shalt  }
0x4f: {  	_ =	shalt  }
0x50: {  	_ =	shalt  }
0x51: {  	_ =	shalt  }
0x52: {  	_ =	shalt  }
0x53: {  	_ =	shalt  }
0x54: {  	_ =	shalt  }
0x55: {  	_ =	shalt  }
0x56: {  	_ =	shalt  }
0x57: {  	_ =	shalt  }
0x58: {  	_ =	shalt  }
0x59: {  	_ =	shalt  }
0x5a: {  	_ =	shalt  }
0x5b: {  	_ =	shalt  }
0x5c: {  	_ =	shalt  }
0x5d: {  	_ =	shalt  }
0x5e: {  	_ =	shalt  }
0x5f: {  	_ =	shalt  }
0x60: {  	_ =	shalt  }
0x61: {  	_ =	shalt  }
0x62: {  	_ =	shalt  }
0x63: {  	_ =	shalt  }
0x64: {  	_ =	shalt  }
0x65: {  	_ =	shalt  }
0x66: {  	_ =	shalt  }
0x67: {  	_ =	shalt  }
0x68: {  	_ =	shalt  }
0x69: {  	_ =	shalt  }
0x6a: {  	_ =	shalt  }
0x6b: {  	_ =	shalt  }
0x6c: {  	_ =	shalt  }
0x6d: {  	_ =	shalt  }
0x6e: {  	_ =	shalt  }
0x6f: {  	_ =	shalt  }
0x70: {  	_ =	shalt  }
0x71: {  	_ =	shalt  }
0x72: {  	_ =	shalt  }
0x73: {  	_ =	shalt  }
0x74: {  	_ =	shalt  }
0x75: {  	_ =	shalt  }
0x76: {  	_ =	shalt  }
0x77: {  	_ =	shalt  }
0x78: {  	_ =	shalt  }
0x79: {  	_ =	shalt  }
0x7a: {  	_ =	shalt  }
0x7b: {  	_ =	shalt  }
0x7c: {  	_ =	shalt  }
0x7d: {  	_ =	shalt  }
0x7e: {  	_ =	shalt  }
0x7f: {  	_ =	shalt  }
0x80: {  	_ =	shalt  }
0x81: {  	_ =	shalt  }
0x82: {  	_ =	shalt  }
0x83: {  	_ =	shalt  }
0x84: {  	_ =	shalt  }
0x85: {  	_ =	shalt  }
0x86: {  	_ =	shalt  }
0x87: {  	_ =	shalt  }
.Lfunc_end0:
.L_simem_size_0:
called_computation.2_lowered:
.L_overlay_start_0:
0x88: {  	s2 =	sld [smem:$0x3FD9]  }
0x89: {  	s3 =	sld [smem:$0x3FFE];
	_ =	sdelay $0x1  }
0x8a: {  	s1 =	srdreg.scid  }
0x8b: {  	s0 =	sand.u32 $0x1, s1  }
0x8c: {  	s14 =	sshll.u32 s0, $0xA;
	s2 =	sadd.s32 s3, s2  }
0x8d: {  	s2 =	sadd.s32 s2, s14  }
0x8e: {  	[smem:$0x3FC2] =	sst s2  }
0x8f: {  	_ = 	snop  }
0x90: {  	s2 =	sld [smem:$0x3FD0];
	_ =	sdelay $0x2  }
0x91: {  	s15 =	simm.s32 $0xA;
	s4 =	simm.s32 $0x10  }
0x92: {  	[smem:s4], [sflag:s15] =	dma.local [hbm:s2], $0x1  }
0x93: {  	_ =	swait.eq [sflag:s15], $0x1  }
0x94: {  	[sflag:s15] =	ssyncset.done $0x0  }
0x95: {  	[sflag:s15] =	ssyncadd.s32 $0xFFFFFFFF  }
0x96: {  	s16 =	sld [smem:$0x10];
	(tm) =	ssettm $0x1  }
0x97: {  	s17 =	sld [smem:$0x3FFB];
	_ =	sdelay $0x3  }
0x98: {  	_ =	strace s17  }
0x99: {  	s3 =	sld [smem:$0x3FFC];
	_ =	sdelay $0x3  }
0x9a: {  	_ =	strace s3  }
0x9b: {  	s3 =	sld [smem:$0x3FFD];
	_ =	sdelay $0x3  }
0x9c: {  	_ =	strace s3  }
0x9d: {  	_ =	strace $0x8FFFFFFF  }
0x9e: {  	s18 =	sld [smem:$0x3FDB];
	_ =	sdelay $0x1  }
0x9f: {  	s19 =	simm.s32 $_scs_section_size  }
0xa0: {  	s5 =	simm.s32 $_size__tile_overlayer_lowered;
	s6 =	simm.s32 $_tile_overlayer_lowered  }
0xa1: {  	s22 =	simm.s32 $0x1BFF;
	s21 =	sshll.u32 s6, $0x1;
	s3 =	sadd.s32 s19, s18  }
0xa2: {  	s7 =	simm.s32 $0x0;
	s20 =	sshll.u32 s5, $0x1;
	s5 =	sadd.s32 s21, s3  }
0xa3: {  	[timem:s7], [sflag:s22] =	dma.local [hbm:s5], s20  }
0xa4: {  	_ =	swait.ge [sflag:s22], s20  }
0xa5: {  	s4 =	ssub.s32 $0x0, s20;
	[sflag:s22] =	ssyncset.done $0x0  }
0xa6: {  	[sflag:s22] =	ssyncadd.s32 s4;
	_ =	sdelay $0x1  }
0xa7: {  	s23 =	simm.s32 $0x1B8B  }
0xa8: {  	_ =	swait.ge [sflag:s23], $0x1  }
0xa9: {  	[sflag:s23] =	ssyncset.done $0x0  }
0xaa: {  	s25 =	simm.s32 $0x1B8E;
	s24 =	sld [smem:$0x3FFE];
	[sflag:s23] =	ssyncadd.s32 $0xFFFFFFFF  }
0xab: {  	s26 =	simm.s32 $execute0_lowered;
	[smem:$0x3FD2] =	sst s25  }
0xac: {  	s5 =	sshll.u32 s26, $0x1;
	_ =	strace $0x8000004C;
	[dreg:$0x1] =	wrdreg $0xFFFFFFFF  }
0xad: {  	s28 =	simm.s32 $_size_execute0_lowered;
	s3 =	sadd.s32 s3, s5;
	[dreg:$0x0] =	wrdreg $0x0  }
0xae: {  	s5 =	sshll.u32 s28, $0x1;
	[dreg:$0x2] =	wrdreg s3  }
0xaf: {  	[dreg:$0x3] =	wrdreg s5  }
0xb0: {  	[dreg:$0x4] =	wrdreg $0xC0  }
0xb1: {  	_ =	task [dreg:s7], $0x5FFFF  }
0xb2: {  	[dreg:$0x1] =	wrdreg $0xFFFFFFFF  }
0xb3: {  	[dreg:$0x0] =	wrdreg $0x60  }
0xb4: {  	[dreg:$0x2] =	wrdreg s24  }
0xb5: {  	[dreg:$0x3] =	wrdreg s16  }
0xb6: {  	[dreg:$0x4] =	wrdreg $0x9  }
0xb7: {  	_ =	task.clear_ibuf [dreg:s7], $0x5FFFF;
	_ =	strace $0x9000004C  }
0xb8: {  	s29 =	simm.s32 $0x9;
	_ =	strace $0x8000004E  }
0xb9: {  	_ =	swait.ge [sflag:s29], $0x1  }
0xba: {  	[sflag:s29] =	ssyncadd.s32 $0xFFFFFFFF  }
0xbb: {  	_ =	strace $0x9000004E  }
0xbc: {  	_ =	sfence  }
0xbd: {  	s30 =	sld [smem:$0x0];
	_ =	sdelay $0x2  }
0xbe: {  	s31 =	sshll.u32 s1, $0xD;
	s1 =	sshrl.u32 s1, $0x2  }
0xbf: {  	s3 =	sand.u32 $0x4000, s31;
	s1 =	sadd.s32 s1, s30  }
0xc0: {  	s0 =	sor.u32 s3, s0;
	s1 =	sshll.u32 s1, $0x11  }
0xc1: {  	s0 =	sor.u32 s1, s0  }
0xc2: {  	s0 =	sadd.s32 $0x8F2B, s0  }
0xc3: {  	[sflag:s0] =	ssyncadd.remote.s32 $0x1  }
0xc4: {  	_ =	sfence.sel $0xFFFF  }
0xc5: {  	[dreg:$0x0] =	wrdreg $0xFFFFFFFF;
	(pc) =	sbr.abs _section_cstart, $3  }
0xc6: {  	[dreg:$0x1] =	wrdreg $0xFFFFFFFF  }
0xc7: {  	_ =	task.clear_ibuf [dreg:s7], $0x2FFFF;
	_ =	strace $0x9FFFFFFF  }
0xc8: {  	(tm) =	ssettm $0x7FFFFFFF  }
0xc9: {  	_ =	shalt  }
tec
execute0_lowered:
.L_overlay_start_1:
0x0: {  	(tag) =	ssettag $0x1  }
0x1: {  	s0 =	rddreg [dreg:$0x0]  }
0x2: {  	s1 =	rddreg [dreg:$0x1]  }
0x3: {  	s3 =	srdreg.scid;
	s2 =	simm.s32 $0x0;
	s5 =	stileid.u32  }
0x4: {  	s26 =	simm.s32 $0x80;
	s13 =	simm.s32 $0x1100;
	s14 =	simm.s32 $0x1900  }
0x5: {  	s15 =	simm.s32 $0x2100;
	s16 =	simm.s32 $0x2900;
	s17 =	simm.s32 $0x3100  }
0x6: {  	s18 =	simm.s32 $0x3900;
	s19 =	simm.s32 $0x4100;
	s28 =	simm.s32 $0x8100  }
0x7: {  	s29 =	simm.s32 $0x8900;
	s30 =	simm.s32 $0x9100;
	s31 =	simm.s32 $0x9900  }
0x8: {  	s10 =	simm.s32 $0xC100;
	s4 =	sand.u32 $0x1, s3;
	[smem:$0x7FF] =	sst s2  }
0x9: {  	s20 =	sshll.u32 s5, $0x5;
	s3 =	sadd.s32 $0x351600, s0;
	s8 =	sadd.s32 $0x21200, s0  }
0xa: {  	s21 =	sshll.u32 s4, $0x4;
	_ =	strace $0x8000004D;
	s4 =	ssub.s32 $0x2, s4  }
0xb: {  	[dreg:$0x9] =	wrdreg s26;
	s26 =	simm.s32 $0x7900;
	s5 =	sor.u32 s21, s20  }
0xc: {  	s23 =	sshrl.u32 s4, $0x1;
	s6 =	sadd.s32 s5, s0;
	s7 =	smul.u32 $0x1800, s5  }
0xd: {  	s20 =	simm.s32 $0x4900;
	s5 =	smul.u32 $0x300, s5;
	s9 =	sadd.s32 $0x351400, s6  }
0xe: {  	s21 =	simm.s32 $0x5100;
	s6 =	sadd.s32 $0x351200, s6;
	[dreg:$0x3] =	wrdreg s9  }
0xf: {  	s7 =	sshrl.u32 s7, $0x3;
	[dreg:$0x4] =	wrdreg s6;
	s22 =	sadd.s32 s1, s5  }
0x10: {  	s24 =	sadd.s32 s8, s5;
	s6 =	ssub.s32 s4, s23;
	s4 =	sadd.s32 $0x351700, s0  }
0x11: {  	s5 =	sadd.s32 $0x351800, s0;
	s23 =	simm.s32 $0x6100;
	[dreg:$0x5] =	wrdreg s22  }
0x12: {  	s9 =	simm.s32 $0xB900;
	s7 =	sadd.s32 $0x1800, s7;
	[dreg:$0x7] =	wrdreg s24  }
0x13: {  	v2 =	vlaneseq.u32;
	s22 =	simm.s32 $0x5900;
	s24 =	simm.s32 $0x6900;
	s1 =	sadd.s32 s1, s7  }
0x14: {  	vm0 =	vmmov $0xffff;
	v1 =	vshrl.u32 v2, $0x3;
	s25 =	sadd.s32 s8, s7;
	s8 =	smax.u32 s6, $0x1;
	[dreg:$0x6] =	wrdreg s1  }
0x15: {  	v0 =	vand.u32 $0x7, v2;
	v2 =	vor.u32 $0x8, v2;
	v1 =	vmul.u32 $0x8, v1;
	s7 =	simm.s32 $0x3;
	[dreg:$0x8] =	wrdreg s25;
	s25 =	simm.s32 $0x7100  }
.LBB2_1:
0x16: {  	s11 =	rddreg [dreg:$0x3]  }
0x17: {  	[tilespmem:s2], [sflag:$0x3] =	stream.linear.gather [hbm4b:s11+s2], $0x80, $0x38;
	[tilespmem:$0x18100] =	vst v63  }
0x18: {  	_ =	swait.ge [sflag:s7], $0x80  }
0x19: {  	s6 =	rddreg [dreg:$0x4];
	[sflag:s7] =	ssyncset.done $0x0  }
0x1a: {  	s12 =	rddreg [dreg:$0x9];
	[sflag:s7] =	ssyncadd.s32 $0xFFFFFF80  }
0x1b: {  	[tilespmem:s12], [sflag:$0x3] =	stream.linear.gather [hbm4b:s6+s2], $0x80, $0x38;
	[tilespmem:$0x18100] =	vst v63  }
0x1c: {  	_ =	swait.ge [sflag:s7], $0x80  }
0x1d: {  	[sflag:s7] =	ssyncset.done $0x0  }
0x1e: {  	[sflag:s7] =	ssyncadd.s32 $0xFFFFFF80  }
0x1f: {  	v3 =	vld [tilespmem:$0x0];
	_ =	sdelay $0x4  }
0x20: {  	v4 =	vshrl.u32 v3, $0x3  }
0x21: {  	v4 =	vmul.u32 $0x30, v4  }
0x22: {  	v3 =	vand.u32 $0x7, v3  }
0x23: {  	v3 =	vor.u32 v3, v4  }
0x24: {  	v4 =	vperm.xlane v3, v0;
	_ =	sdelay $0x1  }
0x25: {  	v4 =	vadd.s32 v1, v4;
	_ =	sdelay $0x3  }
0x26: {  	s0 =	simm.s32 $0x100;
	v3 =	vperm.xlane v3, v2  }
0x27: {  	[tilespmem:s0], [sflag:$0x1] =	stream.indirect_vreg.gather [hbm4b:s3+s2], $0x80, v4, vm0, $0xb8;
	[tilespmem:$0x18100] =	vst v63  }
0x28: {  	s12 =	simm.s32 $0x900;
	v3 =	vadd.s32 v1, v3  }
0x29: {  	[tilespmem:s12], [sflag:$0x1] =	stream.indirect_vreg.gather [hbm4b:s4+s2], $0x80, v4, vm0, $0xb8;
	[tilespmem:$0x18100] =	vst v63  }
0x2a: {  	_ = 	snop  }
0x2b: {  	[tilespmem:s13], [sflag:$0x1] =	stream.indirect_vreg.gather [hbm4b:s5+s2], $0x80, v4, vm0, $0xb8;
	[tilespmem:$0x18100] =	vst v63  }
0x2c: {  	_ = 	snop  }
0x2d: {  	[tilespmem:s14], [sflag:$0x1] =	stream.indirect_vreg.gather [hbm4b:s3+s2], $0x80, v3, vm0, $0xb8;
	[tilespmem:$0x18100] =	vst v63  }
0x2e: {  	_ = 	snop  }
0x2f: {  	[tilespmem:s15], [sflag:$0x1] =	stream.indirect_vreg.gather [hbm4b:s4+s2], $0x80, v3, vm0, $0xb8;
	[tilespmem:$0x18100] =	vst v63  }
0x30: {  	_ = 	snop  }
0x31: {  	[tilespmem:s16], [sflag:$0x1] =	stream.indirect_vreg.gather [hbm4b:s5+s2], $0x80, v3, vm0, $0xb8;
	[tilespmem:$0x18100] =	vst v63  }
0x32: {  	v3 =	vld [tilespmem:$0x10];
	_ =	sdelay $0x4  }
0x33: {  	v49 =	vshrl.u32 v3, $0x3  }
0x34: {  	v4 =	vmul.u32 $0x30, v49  }
0x35: {  	v3 =	vand.u32 $0x7, v3  }
0x36: {  	v3 =	vor.u32 v3, v4  }
0x37: {  	v4 =	vperm.xlane v3, v0;
	_ =	sdelay $0x1  }
0x38: {  	v4 =	vadd.s32 v1, v4;
	_ =	sdelay $0x3  }
0x39: {  	v3 =	vperm.xlane v3, v2  }
0x3a: {  	[tilespmem:s17], [sflag:$0x1] =	stream.indirect_vreg.gather [hbm4b:s3+s2], $0x80, v4, vm0, $0xb8;
	[tilespmem:$0x18100] =	vst v63  }
0x3b: {  	v3 =	vadd.s32 v1, v3  }
0x3c: {  	[tilespmem:s18], [sflag:$0x1] =	stream.indirect_vreg.gather [hbm4b:s4+s2], $0x80, v4, vm0, $0xb8;
	[tilespmem:$0x18100] =	vst v63  }
0x3d: {  	_ = 	snop  }
0x3e: {  	[tilespmem:s19], [sflag:$0x1] =	stream.indirect_vreg.gather [hbm4b:s5+s2], $0x80, v4, vm0, $0xb8;
	[tilespmem:$0x18100] =	vst v63  }
0x3f: {  	_ = 	snop  }
0x40: {  	[tilespmem:s20], [sflag:$0x1] =	stream.indirect_vreg.gather [hbm4b:s3+s2], $0x80, v3, vm0, $0xb8;
	[tilespmem:$0x18100] =	vst v63  }
0x41: {  	_ = 	snop  }
0x42: {  	[tilespmem:s21], [sflag:$0x1] =	stream.indirect_vreg.gather [hbm4b:s4+s2], $0x80, v3, vm0, $0xb8;
	[tilespmem:$0x18100] =	vst v63  }
0x43: {  	_ = 	snop  }
0x44: {  	[tilespmem:s22], [sflag:$0x1] =	stream.indirect_vreg.gather [hbm4b:s5+s2], $0x80, v3, vm0, $0xb8;
	[tilespmem:$0x18100] =	vst v63  }
0x45: {  	v3 =	vld [tilespmem:$0x20];
	_ =	sdelay $0x4  }
0x46: {  	v50 =	vshrl.u32 v3, $0x3  }
0x47: {  	v4 =	vmul.u32 $0x30, v50  }
0x48: {  	v3 =	vand.u32 $0x7, v3  }
0x49: {  	v3 =	vor.u32 v3, v4  }
0x4a: {  	v4 =	vperm.xlane v3, v0;
	_ =	sdelay $0x1  }
0x4b: {  	v4 =	vadd.s32 v1, v4;
	_ =	sdelay $0x3  }
0x4c: {  	v3 =	vperm.xlane v3, v2  }
0x4d: {  	[tilespmem:s23], [sflag:$0x1] =	stream.indirect_vreg.gather [hbm4b:s3+s2], $0x80, v4, vm0, $0xb8;
	[tilespmem:$0x18100] =	vst v63  }
0x4e: {  	v3 =	vadd.s32 v1, v3  }
0x4f: {  	[tilespmem:s24], [sflag:$0x1] =	stream.indirect_vreg.gather [hbm4b:s4+s2], $0x80, v4, vm0, $0xb8;
	[tilespmem:$0x18100] =	vst v63  }
0x50: {  	_ = 	snop  }
0x51: {  	[tilespmem:s25], [sflag:$0x1] =	stream.indirect_vreg.gather [hbm4b:s5+s2], $0x80, v4, vm0, $0xb8;
	[tilespmem:$0x18100] =	vst v63  }
0x52: {  	_ = 	snop  }
0x53: {  	[tilespmem:s26], [sflag:$0x1] =	stream.indirect_vreg.gather [hbm4b:s3+s2], $0x80, v3, vm0, $0xb8;
	[tilespmem:$0x18100] =	vst v63  }
0x54: {  	_ = 	snop  }
0x55: {  	[tilespmem:s28], [sflag:$0x1] =	stream.indirect_vreg.gather [hbm4b:s4+s2], $0x80, v3, vm0, $0xb8;
	[tilespmem:$0x18100] =	vst v63  }
0x56: {  	_ = 	snop  }
0x57: {  	[tilespmem:s29], [sflag:$0x1] =	stream.indirect_vreg.gather [hbm4b:s5+s2], $0x80, v3, vm0, $0xb8;
	[tilespmem:$0x18100] =	vst v63  }
0x58: {  	v3 =	vld [tilespmem:$0x30];
	_ =	sdelay $0x4  }
0x59: {  	v51 =	vshrl.u32 v3, $0x3  }
0x5a: {  	v4 =	vmul.u32 $0x30, v51  }
0x5b: {  	v3 =	vand.u32 $0x7, v3  }
0x5c: {  	v3 =	vor.u32 v3, v4  }
0x5d: {  	v4 =	vperm.xlane v3, v0;
	_ =	sdelay $0x1  }
0x5e: {  	v4 =	vadd.s32 v1, v4;
	_ =	sdelay $0x3  }
0x5f: {  	v3 =	vperm.xlane v3, v2  }
0x60: {  	[tilespmem:s30], [sflag:$0x1] =	stream.indirect_vreg.gather [hbm4b:s3+s2], $0x80, v4, vm0, $0xb8;
	[tilespmem:$0x18100] =	vst v63  }
0x61: {  	v3 =	vadd.s32 v1, v3  }
0x62: {  	[tilespmem:s31], [sflag:$0x1] =	stream.indirect_vreg.gather [hbm4b:s4+s2], $0x80, v4, vm0, $0xb8;
	[tilespmem:$0x18100] =	vst v63  }
0x63: {  	s11 =	simm.s32 $0xA100  }
0x64: {  	[tilespmem:s11], [sflag:$0x1] =	stream.indirect_vreg.gather [hbm4b:s5+s2], $0x80, v4, vm0, $0xb8;
	[tilespmem:$0x18100] =	vst v63  }
0x65: {  	s1 =	simm.s32 $0xA900  }
0x66: {  	[tilespmem:s1], [sflag:$0x1] =	stream.indirect_vreg.gather [hbm4b:s3+s2], $0x80, v3, vm0, $0xb8;
	[tilespmem:$0x18100] =	vst v63  }
0x67: {  	s1 =	simm.s32 $0xB100  }
0x68: {  	[tilespmem:s1], [sflag:$0x1] =	stream.indirect_vreg.gather [hbm4b:s4+s2], $0x80, v3, vm0, $0xb8;
	[tilespmem:$0x18100] =	vst v63  }
0x69: {  	_ = 	snop  }
0x6a: {  	[tilespmem:s9], [sflag:$0x1] =	stream.indirect_vreg.gather [hbm4b:s5+s2], $0x80, v3, vm0, $0xb8;
	[tilespmem:$0x18100] =	vst v63  }
0x6b: {  	v3 =	vld [tilespmem:$0x40];
	_ =	sdelay $0x4  }
0x6c: {  	v52 =	vshrl.u32 v3, $0x3  }
0x6d: {  	v4 =	vmul.u32 $0x30, v52  }
0x6e: {  	v3 =	vand.u32 $0x7, v3  }
0x6f: {  	v3 =	vor.u32 v3, v4  }
0x70: {  	v4 =	vperm.xlane v3, v0;
	_ =	sdelay $0x1  }
0x71: {  	v4 =	vadd.s32 v1, v4;
	_ =	sdelay $0x3  }
0x72: {  	v3 =	vperm.xlane v3, v2  }
0x73: {  	[tilespmem:s10], [sflag:$0x2] =	stream.indirect_vreg.gather [hbm4b:s3+s2], $0x80, v4, vm0, $0xb8;
	[tilespmem:$0x18100] =	vst v63  }
0x74: {  	s6 =	simm.s32 $0xC900;
	v3 =	vadd.s32 v1, v3  }
0x75: {  	[tilespmem:s6], [sflag:$0x2] =	stream.indirect_vreg.gather [hbm4b:s4+s2], $0x80, v4, vm0, $0xb8;
	[tilespmem:$0x18100] =	vst v63  }
0x76: {  	s11 =	simm.s32 $0xD100  }
0x77: {  	[tilespmem:s11], [sflag:$0x2] =	stream.indirect_vreg.gather [hbm4b:s5+s2], $0x80, v4, vm0, $0xb8;
	[tilespmem:$0x18100] =	vst v63  }
0x78: {  	s6 =	simm.s32 $0xD900  }
0x79: {  	[tilespmem:s6], [sflag:$0x2] =	stream.indirect_vreg.gather [hbm4b:s3+s2], $0x80, v3, vm0, $0xb8;
	[tilespmem:$0x18100] =	vst v63  }
0x7a: {  	s11 =	simm.s32 $0xE100  }
0x7b: {  	[tilespmem:s11], [sflag:$0x2] =	stream.indirect_vreg.gather [hbm4b:s4+s2], $0x80, v3, vm0, $0xb8;
	[tilespmem:$0x18100] =	vst v63  }
0x7c: {  	s6 =	simm.s32 $0xE900  }
0x7d: {  	[tilespmem:s6], [sflag:$0x2] =	stream.indirect_vreg.gather [hbm4b:s5+s2], $0x80, v3, vm0, $0xb8;
	[tilespmem:$0x18100] =	vst v63  }
0x7e: {  	v3 =	vld [tilespmem:$0x50];
	_ =	sdelay $0x4  }
0x7f: {  	v53 =	vshrl.u32 v3, $0x3  }
0x80: {  	v4 =	vmul.u32 $0x30, v53  }
0x81: {  	v3 =	vand.u32 $0x7, v3  }
0x82: {  	v3 =	vor.u32 v3, v4  }
0x83: {  	v4 =	vperm.xlane v3, v0;
	_ =	sdelay $0x1  }
0x84: {  	v4 =	vadd.s32 v1, v4;
	_ =	sdelay $0x3  }
0x85: {  	s11 =	simm.s32 $0xF100;
	v3 =	vperm.xlane v3, v2  }
0x86: {  	[tilespmem:s11], [sflag:$0x2] =	stream.indirect_vreg.gather [hbm4b:s3+s2], $0x80, v4, vm0, $0xb8;
	[tilespmem:$0x18100] =	vst v63  }
0x87: {  	s6 =	simm.s32 $0xF900;
	v3 =	vadd.s32 v1, v3  }
0x88: {  	[tilespmem:s6], [sflag:$0x2] =	stream.indirect_vreg.gather [hbm4b:s4+s2], $0x80, v4, vm0, $0xb8;
	[tilespmem:$0x18100] =	vst v63  }
0x89: {  	s11 =	simm.s32 $0x10100  }
0x8a: {  	[tilespmem:s11], [sflag:$0x2] =	stream.indirect_vreg.gather [hbm4b:s5+s2], $0x80, v4, vm0, $0xb8;
	[tilespmem:$0x18100] =	vst v63  }
0x8b: {  	s6 =	simm.s32 $0x10900  }
0x8c: {  	[tilespmem:s6], [sflag:$0x2] =	stream.indirect_vreg.gather [hbm4b:s3+s2], $0x80, v3, vm0, $0xb8;
	[tilespmem:$0x18100] =	vst v63  }
0x8d: {  	s11 =	simm.s32 $0x11100  }
0x8e: {  	[tilespmem:s11], [sflag:$0x2] =	stream.indirect_vreg.gather [hbm4b:s4+s2], $0x80, v3, vm0, $0xb8;
	[tilespmem:$0x18100] =	vst v63  }
0x8f: {  	s6 =	simm.s32 $0x11900  }
0x90: {  	[tilespmem:s6], [sflag:$0x2] =	stream.indirect_vreg.gather [hbm4b:s5+s2], $0x80, v3, vm0, $0xb8;
	[tilespmem:$0x18100] =	vst v63  }
0x91: {  	v3 =	vld [tilespmem:$0x60];
	_ =	sdelay $0x4  }
0x92: {  	v54 =	vshrl.u32 v3, $0x3  }
0x93: {  	v4 =	vmul.u32 $0x30, v54  }
0x94: {  	v3 =	vand.u32 $0x7, v3  }
0x95: {  	v3 =	vor.u32 v3, v4  }
0x96: {  	v4 =	vperm.xlane v3, v0;
	_ =	sdelay $0x1  }
0x97: {  	v4 =	vadd.s32 v1, v4;
	_ =	sdelay $0x3  }
0x98: {  	s11 =	simm.s32 $0x12100;
	v3 =	vperm.xlane v3, v2  }
0x99: {  	[tilespmem:s11], [sflag:$0x2] =	stream.indirect_vreg.gather [hbm4b:s3+s2], $0x80, v4, vm0, $0xb8;
	[tilespmem:$0x18100] =	vst v63  }
0x9a: {  	s6 =	simm.s32 $0x12900;
	v3 =	vadd.s32 v1, v3  }
0x9b: {  	[tilespmem:s6], [sflag:$0x2] =	stream.indirect_vreg.gather [hbm4b:s4+s2], $0x80, v4, vm0, $0xb8;
	[tilespmem:$0x18100] =	vst v63  }
0x9c: {  	s11 =	simm.s32 $0x13100  }
0x9d: {  	[tilespmem:s11], [sflag:$0x2] =	stream.indirect_vreg.gather [hbm4b:s5+s2], $0x80, v4, vm0, $0xb8;
	[tilespmem:$0x18100] =	vst v63  }
0x9e: {  	s6 =	simm.s32 $0x13900  }
0x9f: {  	[tilespmem:s6], [sflag:$0x2] =	stream.indirect_vreg.gather [hbm4b:s3+s2], $0x80, v3, vm0, $0xb8;
	[tilespmem:$0x18100] =	vst v63  }
0xa0: {  	s11 =	simm.s32 $0x14100  }
0xa1: {  	[tilespmem:s11], [sflag:$0x2] =	stream.indirect_vreg.gather [hbm4b:s4+s2], $0x80, v3, vm0, $0xb8;
	[tilespmem:$0x18100] =	vst v63  }
0xa2: {  	s6 =	simm.s32 $0x14900  }
0xa3: {  	[tilespmem:s6], [sflag:$0x2] =	stream.indirect_vreg.gather [hbm4b:s5+s2], $0x80, v3, vm0, $0xb8;
	[tilespmem:$0x18100] =	vst v63  }
0xa4: {  	v3 =	vld [tilespmem:$0x70];
	_ =	sdelay $0x4  }
0xa5: {  	v55 =	vshrl.u32 v3, $0x3  }
0xa6: {  	v4 =	vmul.u32 $0x30, v55  }
0xa7: {  	v3 =	vand.u32 $0x7, v3  }
0xa8: {  	v3 =	vor.u32 v3, v4  }
0xa9: {  	v4 =	vperm.xlane v3, v0;
	_ =	sdelay $0x1  }
0xaa: {  	v4 =	vadd.s32 v1, v4;
	_ =	sdelay $0x3  }
0xab: {  	s11 =	simm.s32 $0x15100;
	v3 =	vperm.xlane v3, v2  }
0xac: {  	[tilespmem:s11], [sflag:$0x2] =	stream.indirect_vreg.gather [hbm4b:s3+s2], $0x80, v4, vm0, $0xb8;
	[tilespmem:$0x18100] =	vst v63  }
0xad: {  	s6 =	simm.s32 $0x15900;
	v3 =	vadd.s32 v1, v3  }
0xae: {  	[tilespmem:s6], [sflag:$0x2] =	stream.indirect_vreg.gather [hbm4b:s4+s2], $0x80, v4, vm0, $0xb8;
	[tilespmem:$0x18100] =	vst v63  }
0xaf: {  	s11 =	simm.s32 $0x16100  }
0xb0: {  	[tilespmem:s11], [sflag:$0x2] =	stream.indirect_vreg.gather [hbm4b:s5+s2], $0x80, v4, vm0, $0xb8;
	[tilespmem:$0x18100] =	vst v63  }
0xb1: {  	s6 =	simm.s32 $0x16900  }
0xb2: {  	[tilespmem:s6], [sflag:$0x2] =	stream.indirect_vreg.gather [hbm4b:s3+s2], $0x80, v3, vm0, $0xb8;
	[tilespmem:$0x18100] =	vst v63  }
0xb3: {  	s11 =	simm.s32 $0x17100  }
0xb4: {  	[tilespmem:s11], [sflag:$0x2] =	stream.indirect_vreg.gather [hbm4b:s4+s2], $0x80, v3, vm0, $0xb8;
	[tilespmem:$0x18100] =	vst v63  }
0xb5: {  	s0 =	simm.s32 $0x1;
	s6 =	simm.s32 $0x17900  }
0xb6: {  	[tilespmem:s6], [sflag:$0x2] =	stream.indirect_vreg.gather [hbm4b:s5+s2], $0x80, v3, vm0, $0xb8;
	[tilespmem:$0x18100] =	vst v63  }
0xb7: {  	_ =	swait.ge [sflag:s0], $0xC000  }
0xb8: {  	[sflag:s0] =	ssyncset.done $0x0  }
0xb9: {  	s6 =	simm.s32 $0x100;
	s11 =	rddreg [dreg:$0x5];
	[sflag:s0] =	ssyncadd.s32 $0xFFFF4000  }
0xba: {  	[hbm4b:s11+s2] =	stream.linear.scatter [tilespmem:s6], [sflag:$0x3], $0xC000, $0x38;
	[tilespmem:$0x18100] =	vst v63  }
0xbb: {  	_ =	swait.ge [sflag:s7], $0xC000  }
0xbc: {  	[sflag:s7] =	ssyncset.done $0x0  }
0xbd: {  	[sflag:s7] =	ssyncadd.s32 $0xFFFF4000  }
0xbe: {  	v3 =	vld [tilespmem:$0x80];
	_ =	sdelay $0x4  }
0xbf: {  	v56 =	vshrl.u32 v3, $0x3  }
0xc0: {  	v4 =	vmul.u32 $0x30, v56  }
0xc1: {  	v3 =	vand.u32 $0x7, v3  }
0xc2: {  	v3 =	vor.u32 v3, v4  }
0xc3: {  	v4 =	vperm.xlane v3, v0;
	_ =	sdelay $0x1  }
0xc4: {  	v4 =	vadd.s32 v1, v4;
	_ =	sdelay $0x3  }
0xc5: {  	v3 =	vperm.xlane v3, v2  }
0xc6: {  	[tilespmem:s6], [sflag:$0x1] =	stream.indirect_vreg.gather [hbm4b:s3+s2], $0x80, v4, vm0, $0xb8;
	[tilespmem:$0x18100] =	vst v63  }
0xc7: {  	v3 =	vadd.s32 v1, v3  }
0xc8: {  	[tilespmem:s12], [sflag:$0x1] =	stream.indirect_vreg.gather [hbm4b:s4+s2], $0x80, v4, vm0, $0xb8;
	[tilespmem:$0x18100] =	vst v63  }
0xc9: {  	_ = 	snop  }
0xca: {  	[tilespmem:s13], [sflag:$0x1] =	stream.indirect_vreg.gather [hbm4b:s5+s2], $0x80, v4, vm0, $0xb8;
	[tilespmem:$0x18100] =	vst v63  }
0xcb: {  	_ = 	snop  }
0xcc: {  	[tilespmem:s14], [sflag:$0x1] =	stream.indirect_vreg.gather [hbm4b:s3+s2], $0x80, v3, vm0, $0xb8;
	[tilespmem:$0x18100] =	vst v63  }
0xcd: {  	_ = 	snop  }
0xce: {  	[tilespmem:s15], [sflag:$0x1] =	stream.indirect_vreg.gather [hbm4b:s4+s2], $0x80, v3, vm0, $0xb8;
	[tilespmem:$0x18100] =	vst v63  }
0xcf: {  	_ = 	snop  }
0xd0: {  	[tilespmem:s16], [sflag:$0x1] =	stream.indirect_vreg.gather [hbm4b:s5+s2], $0x80, v3, vm0, $0xb8;
	[tilespmem:$0x18100] =	vst v63  }
0xd1: {  	v3 =	vld [tilespmem:$0x90];
	_ =	sdelay $0x4  }
0xd2: {  	v57 =	vshrl.u32 v3, $0x3  }
0xd3: {  	v4 =	vmul.u32 $0x30, v57  }
0xd4: {  	v3 =	vand.u32 $0x7, v3  }
0xd5: {  	v3 =	vor.u32 v3, v4  }
0xd6: {  	v4 =	vperm.xlane v3, v0;
	_ =	sdelay $0x1  }
0xd7: {  	v4 =	vadd.s32 v1, v4;
	_ =	sdelay $0x3  }
0xd8: {  	v3 =	vperm.xlane v3, v2  }
0xd9: {  	[tilespmem:s17], [sflag:$0x1] =	stream.indirect_vreg.gather [hbm4b:s3+s2], $0x80, v4, vm0, $0xb8;
	[tilespmem:$0x18100] =	vst v63  }
0xda: {  	v3 =	vadd.s32 v1, v3  }
0xdb: {  	[tilespmem:s18], [sflag:$0x1] =	stream.indirect_vreg.gather [hbm4b:s4+s2], $0x80, v4, vm0, $0xb8;
	[tilespmem:$0x18100] =	vst v63  }
0xdc: {  	_ = 	snop  }
0xdd: {  	[tilespmem:s19], [sflag:$0x1] =	stream.indirect_vreg.gather [hbm4b:s5+s2], $0x80, v4, vm0, $0xb8;
	[tilespmem:$0x18100] =	vst v63  }
0xde: {  	_ = 	snop  }
0xdf: {  	[tilespmem:s20], [sflag:$0x1] =	stream.indirect_vreg.gather [hbm4b:s3+s2], $0x80, v3, vm0, $0xb8;
	[tilespmem:$0x18100] =	vst v63  }
0xe0: {  	_ = 	snop  }
0xe1: {  	[tilespmem:s21], [sflag:$0x1] =	stream.indirect_vreg.gather [hbm4b:s4+s2], $0x80, v3, vm0, $0xb8;
	[tilespmem:$0x18100] =	vst v63  }
0xe2: {  	_ = 	snop  }
0xe3: {  	[tilespmem:s22], [sflag:$0x1] =	stream.indirect_vreg.gather [hbm4b:s5+s2], $0x80, v3, vm0, $0xb8;
	[tilespmem:$0x18100] =	vst v63  }
0xe4: {  	v3 =	vld [tilespmem:$0xA0];
	_ =	sdelay $0x4  }
0xe5: {  	v58 =	vshrl.u32 v3, $0x3  }
0xe6: {  	v4 =	vmul.u32 $0x30, v58  }
0xe7: {  	v3 =	vand.u32 $0x7, v3  }
0xe8: {  	v3 =	vor.u32 v3, v4  }
0xe9: {  	v4 =	vperm.xlane v3, v0;
	_ =	sdelay $0x1  }
0xea: {  	v4 =	vadd.s32 v1, v4;
	_ =	sdelay $0x3  }
0xeb: {  	v3 =	vperm.xlane v3, v2  }
0xec: {  	[tilespmem:s23], [sflag:$0x1] =	stream.indirect_vreg.gather [hbm4b:s3+s2], $0x80, v4, vm0, $0xb8;
	[tilespmem:$0x18100] =	vst v63  }
0xed: {  	v3 =	vadd.s32 v1, v3  }
0xee: {  	[tilespmem:s24], [sflag:$0x1] =	stream.indirect_vreg.gather [hbm4b:s4+s2], $0x80, v4, vm0, $0xb8;
	[tilespmem:$0x18100] =	vst v63  }
0xef: {  	_ = 	snop  }
0xf0: {  	[tilespmem:s25], [sflag:$0x1] =	stream.indirect_vreg.gather [hbm4b:s5+s2], $0x80, v4, vm0, $0xb8;
	[tilespmem:$0x18100] =	vst v63  }
0xf1: {  	_ = 	snop  }
0xf2: {  	[tilespmem:s26], [sflag:$0x1] =	stream.indirect_vreg.gather [hbm4b:s3+s2], $0x80, v3, vm0, $0xb8;
	[tilespmem:$0x18100] =	vst v63  }
0xf3: {  	_ = 	snop  }
0xf4: {  	[tilespmem:s28], [sflag:$0x1] =	stream.indirect_vreg.gather [hbm4b:s4+s2], $0x80, v3, vm0, $0xb8;
	[tilespmem:$0x18100] =	vst v63  }
0xf5: {  	_ = 	snop  }
0xf6: {  	[tilespmem:s29], [sflag:$0x1] =	stream.indirect_vreg.gather [hbm4b:s5+s2], $0x80, v3, vm0, $0xb8;
	[tilespmem:$0x18100] =	vst v63  }
0xf7: {  	v3 =	vld [tilespmem:$0xB0];
	_ =	sdelay $0x4  }
0xf8: {  	v59 =	vshrl.u32 v3, $0x3  }
0xf9: {  	v4 =	vmul.u32 $0x30, v59  }
0xfa: {  	v3 =	vand.u32 $0x7, v3  }
0xfb: {  	v3 =	vor.u32 v3, v4  }
0xfc: {  	v4 =	vperm.xlane v3, v0;
	_ =	sdelay $0x1  }
0xfd: {  	v4 =	vadd.s32 v1, v4;
	_ =	sdelay $0x3  }
0xfe: {  	v3 =	vperm.xlane v3, v2  }
0xff: {  	[tilespmem:s30], [sflag:$0x1] =	stream.indirect_vreg.gather [hbm4b:s3+s2], $0x80, v4, vm0, $0xb8;
	[tilespmem:$0x18100] =	vst v63  }
0x100: {  	v3 =	vadd.s32 v1, v3  }
0x101: {  	[tilespmem:s31], [sflag:$0x1] =	stream.indirect_vreg.gather [hbm4b:s4+s2], $0x80, v4, vm0, $0xb8;
	[tilespmem:$0x18100] =	vst v63  }
0x102: {  	s11 =	simm.s32 $0xA100  }
0x103: {  	[tilespmem:s11], [sflag:$0x1] =	stream.indirect_vreg.gather [hbm4b:s5+s2], $0x80, v4, vm0, $0xb8;
	[tilespmem:$0x18100] =	vst v63  }
0x104: {  	s12 =	simm.s32 $0xA900  }
0x105: {  	[tilespmem:s12], [sflag:$0x1] =	stream.indirect_vreg.gather [hbm4b:s3+s2], $0x80, v3, vm0, $0xb8;
	[tilespmem:$0x18100] =	vst v63  }
0x106: {  	_ = 	snop  }
0x107: {  	[tilespmem:s1], [sflag:$0x1] =	stream.indirect_vreg.gather [hbm4b:s4+s2], $0x80, v3, vm0, $0xb8;
	[tilespmem:$0x18100] =	vst v63  }
0x108: {  	s1 =	simm.s32 $0x2  }
0x109: {  	[tilespmem:s9], [sflag:$0x1] =	stream.indirect_vreg.gather [hbm4b:s5+s2], $0x80, v3, vm0, $0xb8;
	[tilespmem:$0x18100] =	vst v63  }
0x10a: {  	_ =	swait.ge [sflag:s1], $0xC000  }
0x10b: {  	[sflag:s1] =	ssyncset.done $0x0  }
0x10c: {  	s6 =	rddreg [dreg:$0x6];
	[sflag:s1] =	ssyncadd.s32 $0xFFFF4000  }
0x10d: {  	[hbm4b:s6+s2] =	stream.linear.scatter [tilespmem:s10], [sflag:$0x3], $0xC000, $0x38;
	[tilespmem:$0x18100] =	vst v63  }
0x10e: {  	_ =	swait.ge [sflag:s7], $0xC000  }
0x10f: {  	[sflag:s7] =	ssyncset.done $0x0  }
0x110: {  	[sflag:s7] =	ssyncadd.s32 $0xFFFF4000  }
0x111: {  	v3 =	vld [tilespmem:$0xC0];
	_ =	sdelay $0x4  }
0x112: {  	v60 =	vshrl.u32 v3, $0x3  }
0x113: {  	v4 =	vmul.u32 $0x30, v60  }
0x114: {  	v3 =	vand.u32 $0x7, v3  }
0x115: {  	v3 =	vor.u32 v3, v4  }
0x116: {  	v4 =	vperm.xlane v3, v0;
	_ =	sdelay $0x1  }
0x117: {  	v4 =	vadd.s32 v1, v4;
	_ =	sdelay $0x3  }
0x118: {  	v3 =	vperm.xlane v3, v2  }
0x119: {  	[tilespmem:s10], [sflag:$0x2] =	stream.indirect_vreg.gather [hbm4b:s3+s2], $0x80, v4, vm0, $0xb8;
	[tilespmem:$0x18100] =	vst v63  }
0x11a: {  	s11 =	simm.s32 $0xC900;
	v3 =	vadd.s32 v1, v3  }
0x11b: {  	[tilespmem:s11], [sflag:$0x2] =	stream.indirect_vreg.gather [hbm4b:s4+s2], $0x80, v4, vm0, $0xb8;
	[tilespmem:$0x18100] =	vst v63  }
0x11c: {  	s12 =	simm.s32 $0xD100  }
0x11d: {  	[tilespmem:s12], [sflag:$0x2] =	stream.indirect_vreg.gather [hbm4b:s5+s2], $0x80, v4, vm0, $0xb8;
	[tilespmem:$0x18100] =	vst v63  }
0x11e: {  	s11 =	simm.s32 $0xD900  }
0x11f: {  	[tilespmem:s11], [sflag:$0x2] =	stream.indirect_vreg.gather [hbm4b:s3+s2], $0x80, v3, vm0, $0xb8;
	[tilespmem:$0x18100] =	vst v63  }
0x120: {  	s12 =	simm.s32 $0xE100  }
0x121: {  	[tilespmem:s12], [sflag:$0x2] =	stream.indirect_vreg.gather [hbm4b:s4+s2], $0x80, v3, vm0, $0xb8;
	[tilespmem:$0x18100] =	vst v63  }
0x122: {  	s11 =	simm.s32 $0xE900  }
0x123: {  	[tilespmem:s11], [sflag:$0x2] =	stream.indirect_vreg.gather [hbm4b:s5+s2], $0x80, v3, vm0, $0xb8;
	[tilespmem:$0x18100] =	vst v63  }
0x124: {  	v3 =	vld [tilespmem:$0xD0];
	_ =	sdelay $0x4  }
0x125: {  	v61 =	vshrl.u32 v3, $0x3  }
0x126: {  	v4 =	vmul.u32 $0x30, v61  }
0x127: {  	v3 =	vand.u32 $0x7, v3  }
0x128: {  	v3 =	vor.u32 v3, v4  }
0x129: {  	v4 =	vperm.xlane v3, v0;
	_ =	sdelay $0x1  }
0x12a: {  	v4 =	vadd.s32 v1, v4;
	_ =	sdelay $0x3  }
0x12b: {  	s12 =	simm.s32 $0xF100;
	v3 =	vperm.xlane v3, v2  }
0x12c: {  	[tilespmem:s12], [sflag:$0x2] =	stream.indirect_vreg.gather [hbm4b:s3+s2], $0x80, v4, vm0, $0xb8;
	[tilespmem:$0x18100] =	vst v63  }
0x12d: {  	s11 =	simm.s32 $0xF900;
	v3 =	vadd.s32 v1, v3  }
0x12e: {  	[tilespmem:s11], [sflag:$0x2] =	stream.indirect_vreg.gather [hbm4b:s4+s2], $0x80, v4, vm0, $0xb8;
	[tilespmem:$0x18100] =	vst v63  }
0x12f: {  	s12 =	simm.s32 $0x10100  }
0x130: {  	[tilespmem:s12], [sflag:$0x2] =	stream.indirect_vreg.gather [hbm4b:s5+s2], $0x80, v4, vm0, $0xb8;
	[tilespmem:$0x18100] =	vst v63  }
0x131: {  	s11 =	simm.s32 $0x10900  }
0x132: {  	[tilespmem:s11], [sflag:$0x2] =	stream.indirect_vreg.gather [hbm4b:s3+s2], $0x80, v3, vm0, $0xb8;
	[tilespmem:$0x18100] =	vst v63  }
0x133: {  	s12 =	simm.s32 $0x11100  }
0x134: {  	[tilespmem:s12], [sflag:$0x2] =	stream.indirect_vreg.gather [hbm4b:s4+s2], $0x80, v3, vm0, $0xb8;
	[tilespmem:$0x18100] =	vst v63  }
0x135: {  	s11 =	simm.s32 $0x11900  }
0x136: {  	[tilespmem:s11], [sflag:$0x2] =	stream.indirect_vreg.gather [hbm4b:s5+s2], $0x80, v3, vm0, $0xb8;
	[tilespmem:$0x18100] =	vst v63  }
0x137: {  	v3 =	vld [tilespmem:$0xE0];
	_ =	sdelay $0x4  }
0x138: {  	v62 =	vshrl.u32 v3, $0x3  }
0x139: {  	v4 =	vmul.u32 $0x30, v62  }
0x13a: {  	v3 =	vand.u32 $0x7, v3  }
0x13b: {  	v3 =	vor.u32 v3, v4  }
0x13c: {  	v4 =	vperm.xlane v3, v0;
	_ =	sdelay $0x1  }
0x13d: {  	v4 =	vadd.s32 v1, v4;
	_ =	sdelay $0x3  }
0x13e: {  	s12 =	simm.s32 $0x12100;
	v3 =	vperm.xlane v3, v2  }
0x13f: {  	[tilespmem:s12], [sflag:$0x2] =	stream.indirect_vreg.gather [hbm4b:s3+s2], $0x80, v4, vm0, $0xb8;
	[tilespmem:$0x18100] =	vst v63  }
0x140: {  	s11 =	simm.s32 $0x12900;
	v3 =	vadd.s32 v1, v3  }
0x141: {  	[tilespmem:s11], [sflag:$0x2] =	stream.indirect_vreg.gather [hbm4b:s4+s2], $0x80, v4, vm0, $0xb8;
	[tilespmem:$0x18100] =	vst v63  }
0x142: {  	s12 =	simm.s32 $0x13100  }
0x143: {  	[tilespmem:s12], [sflag:$0x2] =	stream.indirect_vreg.gather [hbm4b:s5+s2], $0x80, v4, vm0, $0xb8;
	[tilespmem:$0x18100] =	vst v63  }
0x144: {  	s11 =	simm.s32 $0x13900  }
0x145: {  	[tilespmem:s11], [sflag:$0x2] =	stream.indirect_vreg.gather [hbm4b:s3+s2], $0x80, v3, vm0, $0xb8;
	[tilespmem:$0x18100] =	vst v63  }
0x146: {  	s12 =	simm.s32 $0x14100  }
0x147: {  	[tilespmem:s12], [sflag:$0x2] =	stream.indirect_vreg.gather [hbm4b:s4+s2], $0x80, v3, vm0, $0xb8;
	[tilespmem:$0x18100] =	vst v63  }
0x148: {  	s11 =	simm.s32 $0x14900  }
0x149: {  	[tilespmem:s11], [sflag:$0x2] =	stream.indirect_vreg.gather [hbm4b:s5+s2], $0x80, v3, vm0, $0xb8;
	[tilespmem:$0x18100] =	vst v63  }
0x14a: {  	v3 =	vld [tilespmem:$0xF0];
	_ =	sdelay $0x4  }
0x14b: {  	v63 =	vshrl.u32 v3, $0x3  }
0x14c: {  	v4 =	vmul.u32 $0x30, v63  }
0x14d: {  	v3 =	vand.u32 $0x7, v3  }
0x14e: {  	v3 =	vor.u32 v3, v4  }
0x14f: {  	v4 =	vperm.xlane v3, v0;
	_ =	sdelay $0x1  }
0x150: {  	v4 =	vadd.s32 v1, v4;
	_ =	sdelay $0x3  }
0x151: {  	s12 =	simm.s32 $0x15100;
	v3 =	vperm.xlane v3, v2  }
0x152: {  	[tilespmem:s12], [sflag:$0x2] =	stream.indirect_vreg.gather [hbm4b:s3+s2], $0x80, v4, vm0, $0xb8;
	[tilespmem:$0x18100] =	vst v63  }
0x153: {  	s11 =	simm.s32 $0x15900;
	v3 =	vadd.s32 v1, v3  }
0x154: {  	[tilespmem:s11], [sflag:$0x2] =	stream.indirect_vreg.gather [hbm4b:s4+s2], $0x80, v4, vm0, $0xb8;
	[tilespmem:$0x18100] =	vst v63  }
0x155: {  	s12 =	simm.s32 $0x16100  }
0x156: {  	[tilespmem:s12], [sflag:$0x2] =	stream.indirect_vreg.gather [hbm4b:s5+s2], $0x80, v4, vm0, $0xb8;
	[tilespmem:$0x18100] =	vst v63  }
0x157: {  	s11 =	simm.s32 $0x16900  }
0x158: {  	[tilespmem:s11], [sflag:$0x2] =	stream.indirect_vreg.gather [hbm4b:s3+s2], $0x80, v3, vm0, $0xb8;
	[tilespmem:$0x18100] =	vst v63  }
0x159: {  	s12 =	simm.s32 $0x17100  }
0x15a: {  	[tilespmem:s12], [sflag:$0x2] =	stream.indirect_vreg.gather [hbm4b:s4+s2], $0x80, v3, vm0, $0xb8;
	[tilespmem:$0x18100] =	vst v63  }
0x15b: {  	s11 =	simm.s32 $0x17900  }
0x15c: {  	[tilespmem:s11], [sflag:$0x2] =	stream.indirect_vreg.gather [hbm4b:s5+s2], $0x80, v3, vm0, $0xb8;
	[tilespmem:$0x18100] =	vst v63  }
0x15d: {  	_ =	swait.ge [sflag:s0], $0xC000  }
0x15e: {  	[sflag:s0] =	ssyncset.done $0x0  }
0x15f: {  	s6 =	simm.s32 $0x100;
	s12 =	rddreg [dreg:$0x7];
	[sflag:s0] =	ssyncadd.s32 $0xFFFF4000  }
0x160: {  	[hbm4b:s12+s2] =	stream.linear.scatter [tilespmem:s6], [sflag:$0x3], $0xC000, $0x38;
	[tilespmem:$0x18100] =	vst v63  }
0x161: {  	_ =	swait.ge [sflag:s7], $0xC000  }
0x162: {  	[sflag:s7] =	ssyncset.done $0x0  }
0x163: {  	[sflag:s7] =	ssyncadd.s32 $0xFFFF4000  }
0x164: {  	_ =	swait.ge [sflag:s1], $0xC000  }
0x165: {  	p0 =	sne.s32 s8, $0x1;
	[sflag:s1] =	ssyncset.done $0x0  }
.Ltmp0:
0x166: {  	s12 =	rddreg [dreg:$0x8];
	[sflag:s1] =	ssyncadd.s32 $0xFFFF4000;
	(pc) =	sbr.rel @p0 .LBB2_1-.Ltmp0, $4  }
0x167: {  	[hbm4b:s12+s2] =	stream.linear.scatter [tilespmem:s10], [sflag:$0x3], $0xC000, $0x38;
	[tilespmem:$0x18100] =	vst v63  }
0x168: {  	_ =	swait.ge [sflag:s7], $0xC000  }
0x169: {  	[sflag:s7] =	ssyncset.done $0x0  }
0x16a: {  	s8 =	sadd.s32 $0xFFFFFFFF, s8;
	[sflag:s7] =	ssyncadd.s32 $0xFFFF4000  }
0x16b: {  	_ =	sfence.sel $0x180000  }
0x16c: {  	[bflag:$0x0] =	sbarrier.arrive $0xFFFF  }
0x16d: {  	_ =	strace $0x9000004D  }
0x16e: {  	s0 =	stileid.u32;
	[bflag:$0x2] =	sbarrier.arrive $0xFFFF  }
0x16f: {  	p0 =	sne.s32 s0, $0x0;
	s0 =	rddreg [dreg:$0x2]  }
0x170: {  	s0 =	sadd.s32 @!p0 $0x100000, s0  }
0x171: {  	[sflag:s0] =	ssyncadd.tile.s32 @!p0 $0x1;
	_ =	shalt  }
.Lfunc_end2:
_tile_overlayer_lowered:
.L_overlay_start_2:
0x172: {  	(tag) =	ssettag $0x2  }
0x173: {  	s0 =	rddreg [dreg:$0x0];
	s2 =	stileid.u32  }
0x174: {  	s1 =	rddreg [dreg:$0x1];
	p0 =	sne.s32 s2, $0x0  }
0x175: {  	s3 =	rddreg [dreg:$0x2];
	[bflag:$0x3] =	sbarrier.arrive $0xFFFF;
	s2 =	simm.s32 @!p0 $0x1C03  }
0x176: {  	[timem:s3], [sflag:s2] =	dma.local @!p0 [hbm:s0], s1  }
0x177: {  	s0 =	simm.s32 @!p0 $0x3  }
0x178: {  	_ =	swait.ge @!p0 [sflag:s0], s1  }
0x179: {  	s1 =	ssub.s32 @!p0 $0x0, s1;
	[sflag:s0] =	ssyncset.done @!p0 $0x0  }
0x17a: {  	[sflag:s0] =	ssyncadd.s32 @!p0 s1  }
0x17b: {  	[bflag:$0x3] =	sbarrier.arrive $0xFFFF  }
0x17c: {  	_ =	shalt  }

// kernel: kernel.8.cloned.1.call-start
scs
__scs_entry_jumppad:
0x0: {  	(pc) =	sbr.rel $0x88, $3  }
0x1: {  	(tag) =	ssettag $0x0;
	lr =	simm.s32 $0x1  }
0x2: {  	[smem:$0x3F9B] =	sst lr;
	_ =	strace $0xD0000000  }
0x3: {  	_ = 	snop  }
0x4: {  	_ = 	snop  }
0x5: {  	_ = 	snop  }
0x6: {  	_ = 	snop  }
0x7: {  	_ = 	snop  }
__scs_overlays_trampoline_lowered:
0x8: {  	[smem:$0x3FAA] =	sst s0  }
0x9: {  	[smem:$0x3FAB] =	sst s1  }
0xa: {  	[smem:$0x3FAC] =	sst s2  }
0xb: {  	[smem:$0x3FAD] =	sst s3  }
0xc: {  	[smem:$0x3FAE] =	sst s4  }
0xd: {  	[smem:$0x3FAF] =	sst s5  }
0xe: {  	[smem:$0x3FB0] =	sst s6  }
0xf: {  	[smem:$0x3FB1] =	sst s7  }
0x10: {  	[smem:$0x3FB2] =	sst s8  }
0x11: {  	[smem:$0x3FB3] =	sst s9;
	s0 =	simm.s32 @!p0 $0x0  }
0x12: {  	s1 =	sld [smem:$0x3F99];
	s0 =	simm.s32 @p0 $0x1  }
0x13: {  	[smem:$0x3FB4] =	sst s0;
	s0 =	simm.s32 @!p1 $0x0  }
0x14: {  	s2 =	sld [smem:$0x3F98];
	s0 =	simm.s32 @p1 $0x1  }
0x15: {  	[smem:$0x3FB5] =	sst s0;
	s0 =	simm.s32 @!p2 $0x0  }
0x16: {  	s3 =	sld [smem:$0x3FDB];
	s0 =	simm.s32 @p2 $0x1  }
0x17: {  	s4 =	simm.s32 $0x1BF5;
	[smem:$0x3FB7] =	sst s0  }
0x18: {  	s0 =	sld [smem:$0x3F9A];
	_ =	swait.ge [sflag:s4], $0x0  }
0x19: {  	s7 =	sld [smem:$0x3F9B]  }
0x1a: {  	s8 =	sadd.s32 $0xFFFFE003, lr  }
0x1b: {  	s9 =	sadd.s32 $0xFFFFFEF7, lr;
	s5 =	simm.s32 $0xFFFFFFFF;
	p2 =	slt.u32 s8, $0xFFFFF086  }
0x1c: {  	p1 =	slt.u32 s9, $0xF7A;
	s5 =	simm.s32 @!p2 $0x0  }
0x1d: {  	s5 =	simm.s32 @p1 $0x1;
	p0 =	seq.s32 s7, s2  }
0x1e: {  	s7 =	smul.u32 @!p0 $0xF7A, s2;
	p2 =	seq.s32 @!p0 s5, $0x0  }
0x1f: {  	s9 =	smul.u32 $0xF7A, s1;
	s8 =	simm.s32 @!p0 $0x1BF5;
	p2 =	por !p2, p0  }
0x20: {  	[sflag:s8] =	ssyncset.s32 @!p0 $0xFFFFF086;
	s6 =	sadd.s32 @!p0 s3, s7;
	s7 =	simm.s32 @!p0 $0x108  }
0x21: {  	s3 =	sadd.s32 s3, s9;
	s6 =	sadd.s32 @!p0 $0x88, s6;
	s7 =	simm.s32 @p2 $0x1082  }
0x22: {  	[simem:s7], [sflag:s8] =	dma.local @!p0 [hbm:s6], $0xF7A  }
0x23: {  	s9 =	sor.u32 $0xD0000000, s2;
	s6 =	simm.s32 $0x108;
	_ =	swait.ge @!p0 [sflag:s8], $0x0  }
0x24: {  	s3 =	sadd.s32 $0x88, s3;
	s6 =	simm.s32 @!p1 $0x1082;
	[sflag:s4] =	ssyncset.s32 $0xFFFFF086  }
0x25: {  	[simem:s6], [sflag:s4] =	dma.local [hbm:s3], $0xF7A  }
0x26: {  	[smem:$0x3F9B] =	sst s1;
	(tag) =	ssettag s2;
	_ =	strace s9  }
0x27: {  	s1 =	sld [smem:$0x3FAB]  }
0x28: {  	s2 =	sld [smem:$0x3FAC]  }
0x29: {  	s4 =	sld [smem:$0x3FAE]  }
0x2a: {  	p0 =	seq.s32 s5, $0x0;
	s5 =	sld [smem:$0x3FAF]  }
0x2b: {  	s6 =	sld [smem:$0x3FB0]  }
0x2c: {  	s7 =	sld [smem:$0x3FB1]  }
0x2d: {  	s3 =	simm.s32 $0x108;
	s8 =	sld [smem:$0x3FB2]  }
0x2e: {  	s3 =	simm.s32 @!p0 $0x1082;
	s9 =	sld [smem:$0x3FB3]  }
0x2f: {  	lr =	sadd.s32 s0, s3;
	s0 =	sld [smem:$0x3FAA]  }
0x30: {  	s3 =	sld [smem:$0x3FAD]  }
0x31: {  	[smem:$0x3FB6] =	sst s10  }
0x32: {  	s10 =	sld [smem:$0x3FB4];
	_ =	sdelay $0x3  }
0x33: {  	p0 =	seq.s32 s10, $0x1;
	s10 =	sld [smem:$0x3FB6];
	_ =	sdelay $0x3  }
0x34: {  	[smem:$0x3FB6] =	sst s10  }
0x35: {  	s10 =	sld [smem:$0x3FB5];
	_ =	sdelay $0x3  }
0x36: {  	p1 =	seq.s32 s10, $0x1;
	s10 =	sld [smem:$0x3FB6];
	_ =	sdelay $0x3  }
0x37: {  	[smem:$0x3FB6] =	sst s10  }
0x38: {  	s10 =	sld [smem:$0x3FB7]  }
0x39: {  	_ = 	snop;
	(pc) =	sbr.ind lr, $3  }
0x3a: {  	_ = 	snop  }
0x3b: {  	_ = 	snop  }
0x3c: {  	p2 =	seq.s32 s10, $0x1;
	s10 =	sld [smem:$0x3FB6]  }
0x3d: {  	_ =	shalt  }
0x3e: {  	_ =	shalt  }
0x3f: {  	_ =	shalt  }
0x40: {  	_ =	shalt  }
0x41: {  	_ =	shalt  }
0x42: {  	_ =	shalt  }
0x43: {  	_ =	shalt  }
0x44: {  	_ =	shalt  }
0x45: {  	_ =	shalt  }
0x46: {  	_ =	shalt  }
0x47: {  	_ =	shalt  }
0x48: {  	_ =	shalt  }
0x49: {  	_ =	shalt  }
0x4a: {  	_ =	shalt  }
0x4b: {  	_ =	shalt  }
0x4c: {  	_ =	shalt  }
0x4d: {  	_ =	shalt  }
0x4e: {  	_ =	shalt  }
0x4f: {  	_ =	shalt  }
0x50: {  	_ =	shalt  }
0x51: {  	_ =	shalt  }
0x52: {  	_ =	shalt  }
0x53: {  	_ =	shalt  }
0x54: {  	_ =	shalt  }
0x55: {  	_ =	shalt  }
0x56: {  	_ =	shalt  }
0x57: {  	_ =	shalt  }
0x58: {  	_ =	shalt  }
0x59: {  	_ =	shalt  }
0x5a: {  	_ =	shalt  }
0x5b: {  	_ =	shalt  }
0x5c: {  	_ =	shalt  }
0x5d: {  	_ =	shalt  }
0x5e: {  	_ =	shalt  }
0x5f: {  	_ =	shalt  }
0x60: {  	_ =	shalt  }
0x61: {  	_ =	shalt  }
0x62: {  	_ =	shalt  }
0x63: {  	_ =	shalt  }
0x64: {  	_ =	shalt  }
0x65: {  	_ =	shalt  }
0x66: {  	_ =	shalt  }
0x67: {  	_ =	shalt  }
0x68: {  	_ =	shalt  }
0x69: {  	_ =	shalt  }
0x6a: {  	_ =	shalt  }
0x6b: {  	_ =	shalt  }
0x6c: {  	_ =	shalt  }
0x6d: {  	_ =	shalt  }
0x6e: {  	_ =	shalt  }
0x6f: {  	_ =	shalt  }
0x70: {  	_ =	shalt  }
0x71: {  	_ =	shalt  }
0x72: {  	_ =	shalt  }
0x73: {  	_ =	shalt  }
0x74: {  	_ =	shalt  }
0x75: {  	_ =	shalt  }
0x76: {  	_ =	shalt  }
0x77: {  	_ =	shalt  }
0x78: {  	_ =	shalt  }
0x79: {  	_ =	shalt  }
0x7a: {  	_ =	shalt  }
0x7b: {  	_ =	shalt  }
0x7c: {  	_ =	shalt  }
0x7d: {  	_ =	shalt  }
0x7e: {  	_ =	shalt  }
0x7f: {  	_ =	shalt  }
0x80: {  	_ =	shalt  }
0x81: {  	_ =	shalt  }
0x82: {  	_ =	shalt  }
0x83: {  	_ =	shalt  }
0x84: {  	_ =	shalt  }
0x85: {  	_ =	shalt  }
0x86: {  	_ =	shalt  }
0x87: {  	_ =	shalt  }
.Lfunc_end0:
.L_simem_size_0:
called_computation_lowered:
.L_overlay_start_0:
0x88: {  	s2 =	sld [smem:$0x3FD9]  }
0x89: {  	s3 =	sld [smem:$0x3FFE];
	_ =	sdelay $0x1  }
0x8a: {  	s1 =	srdreg.scid  }
0x8b: {  	s0 =	sand.u32 $0x1, s1  }
0x8c: {  	s14 =	sshll.u32 s0, $0xA;
	s2 =	sadd.s32 s3, s2  }
0x8d: {  	s2 =	sadd.s32 s2, s14  }
0x8e: {  	[smem:$0x3FC2] =	sst s2  }
0x8f: {  	_ = 	snop  }
0x90: {  	s2 =	sld [smem:$0x3FD0];
	_ =	sdelay $0x2  }
0x91: {  	s15 =	simm.s32 $0xA;
	s4 =	simm.s32 $0x10  }
0x92: {  	[smem:s4], [sflag:s15] =	dma.local [hbm:s2], $0x1  }
0x93: {  	_ =	swait.eq [sflag:s15], $0x1  }
0x94: {  	[sflag:s15] =	ssyncset.done $0x0  }
0x95: {  	[sflag:s15] =	ssyncadd.s32 $0xFFFFFFFF  }
0x96: {  	s16 =	sld [smem:$0x10];
	(tm) =	ssettm $0x1  }
0x97: {  	s17 =	sld [smem:$0x3FFB];
	_ =	sdelay $0x3  }
0x98: {  	_ =	strace s17  }
0x99: {  	s3 =	sld [smem:$0x3FFC];
	_ =	sdelay $0x3  }
0x9a: {  	_ =	strace s3  }
0x9b: {  	s3 =	sld [smem:$0x3FFD];
	_ =	sdelay $0x3  }
0x9c: {  	_ =	strace s3  }
0x9d: {  	_ =	strace $0x8FFFFFFF  }
0x9e: {  	s18 =	sld [smem:$0x3FDB];
	_ =	sdelay $0x1  }
0x9f: {  	s19 =	simm.s32 $_scs_section_size  }
0xa0: {  	s5 =	simm.s32 $_size__tile_overlayer_lowered;
	s6 =	simm.s32 $_tile_overlayer_lowered  }
0xa1: {  	s22 =	simm.s32 $0x1BFF;
	s21 =	sshll.u32 s6, $0x1;
	s3 =	sadd.s32 s19, s18  }
0xa2: {  	s7 =	simm.s32 $0x0;
	s20 =	sshll.u32 s5, $0x1;
	s5 =	sadd.s32 s21, s3  }
0xa3: {  	[timem:s7], [sflag:s22] =	dma.local [hbm:s5], s20  }
0xa4: {  	_ =	swait.ge [sflag:s22], s20  }
0xa5: {  	s4 =	ssub.s32 $0x0, s20;
	[sflag:s22] =	ssyncset.done $0x0  }
0xa6: {  	[sflag:s22] =	ssyncadd.s32 s4;
	_ =	sdelay $0x1  }
0xa7: {  	s23 =	simm.s32 $0x1B8B  }
0xa8: {  	_ =	swait.ge [sflag:s23], $0x1  }
0xa9: {  	[sflag:s23] =	ssyncset.done $0x0  }
0xaa: {  	s25 =	simm.s32 $0x1B8E;
	s24 =	sld [smem:$0x3FFE];
	[sflag:s23] =	ssyncadd.s32 $0xFFFFFFFF  }
0xab: {  	s26 =	simm.s32 $execute0_lowered;
	[smem:$0x3FD2] =	sst s25  }
0xac: {  	s5 =	sshll.u32 s26, $0x1;
	_ =	strace $0x80000046;
	[dreg:$0x1] =	wrdreg $0xFFFFFFFF  }
0xad: {  	s28 =	simm.s32 $_size_execute0_lowered;
	s3 =	sadd.s32 s3, s5;
	[dreg:$0x0] =	wrdreg $0x0  }
0xae: {  	s5 =	sshll.u32 s28, $0x1;
	[dreg:$0x2] =	wrdreg s3  }
0xaf: {  	[dreg:$0x3] =	wrdreg s5  }
0xb0: {  	[dreg:$0x4] =	wrdreg $0xC0  }
0xb1: {  	_ =	task [dreg:s7], $0x5FFFF  }
0xb2: {  	[dreg:$0x1] =	wrdreg $0xFFFFFFFF  }
0xb3: {  	[dreg:$0x0] =	wrdreg $0x60  }
0xb4: {  	[dreg:$0x2] =	wrdreg s24  }
0xb5: {  	[dreg:$0x3] =	wrdreg s16  }
0xb6: {  	[dreg:$0x4] =	wrdreg $0x9  }
0xb7: {  	_ =	task.clear_ibuf [dreg:s7], $0x5FFFF;
	_ =	strace $0x90000046  }
0xb8: {  	s29 =	simm.s32 $0x9;
	_ =	strace $0x80000048  }
0xb9: {  	_ =	swait.ge [sflag:s29], $0x1  }
0xba: {  	[sflag:s29] =	ssyncadd.s32 $0xFFFFFFFF  }
0xbb: {  	_ =	strace $0x90000048  }
0xbc: {  	_ =	sfence  }
0xbd: {  	s30 =	sld [smem:$0x0];
	_ =	sdelay $0x2  }
0xbe: {  	s31 =	sshll.u32 s1, $0xD;
	s1 =	sshrl.u32 s1, $0x2  }
0xbf: {  	s3 =	sand.u32 $0x4000, s31;
	s1 =	sadd.s32 s1, s30  }
0xc0: {  	s0 =	sor.u32 s3, s0;
	s1 =	sshll.u32 s1, $0x11  }
0xc1: {  	s0 =	sor.u32 s1, s0  }
0xc2: {  	s0 =	sadd.s32 $0x8F2B, s0  }
0xc3: {  	[sflag:s0] =	ssyncadd.remote.s32 $0x1  }
0xc4: {  	_ =	sfence.sel $0xFFFF  }
0xc5: {  	[dreg:$0x0] =	wrdreg $0xFFFFFFFF;
	(pc) =	sbr.abs _section_cstart, $3  }
0xc6: {  	[dreg:$0x1] =	wrdreg $0xFFFFFFFF  }
0xc7: {  	_ =	task.clear_ibuf [dreg:s7], $0x2FFFF;
	_ =	strace $0x9FFFFFFF  }
0xc8: {  	(tm) =	ssettm $0x7FFFFFFF  }
0xc9: {  	_ =	shalt  }
tec
execute0_lowered:
.L_overlay_start_1:
0x0: {  	(tag) =	ssettag $0x1  }
0x1: {  	s0 =	srdreg.scid  }
0x2: {  	s3 =	sand.u32 $0x1, s0;
	s0 =	stileid.u32  }
0x3: {  	s5 =	sshll.u32 s0, $0x1;
	s6 =	ssub.s32 $0x0, s3  }
0x4: {  	p0 =	sne.s32 s5, s6  }
.Ltmp0:
0x5: {  	_ = 	snop;
	(pc) =	sbr.rel @p0 .LBB2_7-.Ltmp0, $4  }
0x6: {  	_ = 	snop  }
0x7: {  	s4 =	rddreg [dreg:$0x0]  }
0x8: {  	s2 =	rddreg [dreg:$0x1]  }
0x9: {  	s1 =	rddreg [dreg:$0x2];
	_ =	strace $0x80000047  }
0xa: {  	s5 =	ssub.s32 $0x2, s3;
	s3 =	sadd.s32 $0x21400, s4  }
0xb: {  	s4 =	sadd.s32 $0x21200, s4;
	s7 =	simm.s32 $0x1;
	s6 =	sshrl.u32 s5, $0x1  }
0xc: {  	s8 =	simm.s32 $0x1000;
	s9 =	simm.s32 $0x2000;
	s5 =	ssub.s32 s5, s6  }
0xd: {  	v0 =	vlaneseq.u32;
	s10 =	simm.s32 $0x0;
	s6 =	simm.s32 $0x0;
	s5 =	smax.u32 s5, $0x1  }
.LBB2_2:
0xe: {  	[tilespmem:s6], [sflag:$0x1] =	stream.linear.gather [hbm4b:s3+s6], $0x1000, $0x38;
	[tilespmem:$0x4880] =	vst v63  }
0xf: {  	_ =	swait.ge [sflag:s7], $0x1000  }
0x10: {  	[sflag:s7] =	ssyncset.done $0x0  }
0x11: {  	[sflag:s7] =	ssyncadd.s32 $0xFFFFF000  }
0x12: {  	[tilespmem:s8], [sflag:$0x1] =	stream.linear.gather [hbm4b:s4+s6], $0x1000, $0x38;
	[tilespmem:$0x4880] =	vst v63  }
0x13: {  	_ =	swait.ge [sflag:s7], $0x1000  }
0x14: {  	[sflag:s7] =	ssyncset.done $0x0  }
0x15: {  	s11 =	simm.s32 $0x2000;
	s12 =	simm.s32 $0x0;
	[sflag:s7] =	ssyncadd.s32 $0xFFFFF000  }
.LBB2_3:
0x16: {  	p0 =	sne.s32 s12, $0x2870  }
.Ltmp1:
0x17: {  	_ = 	snop;
	(pc) =	sbr.rel @p0 .LBB2_3-.Ltmp1, $4  }
0x18: {  	_ = 	snop  }
0x19: {  	v1 =	vor.u32 s12, v0  }
0x1a: {  	v1 =	vand.u32 $0xFFF, v1  }
0x1b: {  	s12 =	sadd.s32 $0x10, s12;
	[tilespmem:s11+$0x0] =	vst v1;
	s11 =	sadd.s32 $0x10, s11  }
0x1c: {  	s11 =	simm.s32 $0x0;
	s12 =	simm.s32 $0x1000;
	s13 =	simm.s32 $0x0  }
.LBB2_5:
0x1d: {  	v1 =	vld [tilespmem:s11+$0x0];
	_ =	sdelay $0x6  }
0x1e: {  	v2 =	vor.u32 s13, v0  }
0x1f: {  	[tilespmem:v1+s9+$0x0] =	vst.idx.msk $0xffff, v2  }
0x20: {  	v1 =	vld [tilespmem:s12+$0x0];
	_ =	sdelay $0x2  }
0x21: {  	p0 =	sne.s32 s13, $0xFF0  }
.Ltmp2:
0x22: {  	_ = 	snop;
	(pc) =	sbr.rel @p0 .LBB2_5-.Ltmp2, $2  }
0x23: {  	_ =	sdelay $0x2  }
0x24: {  	s11 =	sadd.s32 $0x10, s11;
	s13 =	sadd.s32 $0x10, s13;
	s12 =	sadd.s32 $0x10, s12;
	[tilespmem:v1+s9+$0x0] =	vst.idx.msk $0xffff, v2  }
0x25: {  	s10 =	sadd.s32 $0x1, s10  }
0x26: {  	p0 =	sne.s32 s10, s5  }
.Ltmp3:
0x27: {  	_ = 	snop;
	(pc) =	sbr.rel @p0 .LBB2_2-.Ltmp3, $4  }
0x28: {  	[hbm4b:s2+s6] =	stream.linear.scatter [tilespmem:s9], [sflag:$0x1], $0x2880, $0x38;
	[tilespmem:$0x4880] =	vst v63  }
0x29: {  	_ =	swait.ge [sflag:s7], $0x2880  }
0x2a: {  	[sflag:s7] =	ssyncset.done $0x0  }
0x2b: {  	[sflag:s7] =	ssyncadd.s32 $0xFFFFD780  }
.LBB2_7:
0x2c: {  	_ =	sfence.sel $0x180000  }
0x2d: {  	[bflag:$0x0] =	sbarrier.arrive $0xFFFF  }
0x2e: {  	p0 =	sne.s32 s0, $0x0;
	_ =	strace $0x90000047  }
0x2f: {  	s0 =	sadd.s32 @!p0 $0x100000, s1;
	[bflag:$0x2] =	sbarrier.arrive $0xFFFF  }
0x30: {  	[sflag:s0] =	ssyncadd.tile.s32 @!p0 $0x1;
	_ =	shalt  }
.Lfunc_end2:
_tile_overlayer_lowered:
.L_overlay_start_2:
0x31: {  	(tag) =	ssettag $0x2  }
0x32: {  	s0 =	rddreg [dreg:$0x0];
	s2 =	stileid.u32  }
0x33: {  	s1 =	rddreg [dreg:$0x1];
	p0 =	sne.s32 s2, $0x0  }
0x34: {  	s3 =	rddreg [dreg:$0x2];
	[bflag:$0x3] =	sbarrier.arrive $0xFFFF;
	s2 =	simm.s32 @!p0 $0x1C01  }
0x35: {  	[timem:s3], [sflag:s2] =	dma.local @!p0 [hbm:s0], s1  }
0x36: {  	s0 =	simm.s32 @!p0 $0x1  }
0x37: {  	_ =	swait.ge @!p0 [sflag:s0], s1  }
0x38: {  	s1 =	ssub.s32 @!p0 $0x0, s1;
	[sflag:s0] =	ssyncset.done @!p0 $0x0  }
0x39: {  	[sflag:s0] =	ssyncadd.s32 @!p0 s1  }
0x3a: {  	[bflag:$0x3] =	sbarrier.arrive $0xFFFF  }
0x3b: {  	_ =	shalt  }

</sc_bundles>
